<compile_context>
chip_gen: v7x
topology: tpu7x:2x2x1
jax: 0.10.2.dev20260603
libtpu: 0.0.44.dev20260713+nightly
codegen_flags: <defaults>
</compile_context>

<pallas_src>
import functools

import jax
import jax.numpy as jnp
from jax import lax
from jax.experimental import pallas as pl
from jax.experimental.pallas import tpu as pltpu
from jax.experimental.pallas import tpu_sc as plsc

_D = 32
_RB = 128


@functools.lru_cache(maxsize=None)
def _make_gather(R, J):
    info = plsc.get_sparse_core_info()
    NC, NS, L = info.num_cores, info.num_subcores, info.num_lanes
    NW = NC * NS
    assert R % (_RB * NW) == 0 and J <= 32
    SPW = R // (_RB * NW)
    n_cells = SPW * J
    assert n_cells % 2 == 0
    NS_ALL = R // _RB
    B = R * J
    mesh = plsc.VectorSubcoreMesh(core_axis_name="c", subcore_axis_name="s")

    @functools.partial(
        pl.kernel,
        mesh=mesh,
        out_type=jax.ShapeDtypeStruct((B * _D,), jnp.float32),
        scratch_types=[
            pltpu.VMEM((SPW * 4 * 8 * _RB,), jnp.int32),
            pltpu.VMEM((_RB, _D), jnp.float32),
            pltpu.VMEM((_RB, _D), jnp.float32),
            pltpu.VMEM((_RB * _D,), jnp.float32),
            pltpu.VMEM((_RB * _D,), jnp.float32),
            pltpu.SemaphoreType.DMA,
            pltpu.SemaphoreType.DMA,
            pltpu.SemaphoreType.DMA,
        ],
        compiler_params=pltpu.CompilerParams(
            use_tc_tiling_on_sc=False, needs_layout_passes=False
        ),
    )
    def k(tab_hbm, idx_hbm, out_hbm, idx_v, grp0_v, grp1_v, ob0_v, ob1_v,
          sem_i, sem_g, sem_o):
        grp_b = (grp0_v, grp1_v)
        ob_b = (ob0_v, ob1_v)
        wid = lax.axis_index("s") * NC + lax.axis_index("c")

        for sl in range(SPW):
            for jb in range(4):
                pltpu.async_copy(
                    idx_hbm.at[
                        pl.ds(((jb * NS_ALL + wid * SPW + sl) * 8) * _RB,
                              8 * _RB)
                    ],
                    idx_v.at[pl.ds((sl * 4 + jb) * 8 * _RB, 8 * _RB)],
                    sem_i,
                )
        for sl in range(SPW):
            for jb in range(4):
                pltpu.make_async_copy(
                    idx_hbm.at[pl.ds(0, 8 * _RB)],
                    idx_v.at[pl.ds(0, 8 * _RB)],
                    sem_i,
                ).wait()

        iota = lax.iota(jnp.int32, L)

        def col_off(t):
            sl, j = lax.div(t, J), lax.rem(t, J)
            return (sl * 4 + lax.div(j, 8)) * (8 * _RB) + lax.rem(j, 8) * _RB

        def gather(t, b):
            return pltpu.async_copy(
                tab_hbm.at[idx_v.at[pl.ds(col_off(t), _RB)]], grp_b[b], sem_g
            )

        sks = [(iota + m) & (_D - 1) for m in range(_D)]
        dks = [
            lax.shift_right_logical(sk, 3) * (8 * _RB)
            + (sk & 7) * _RB
            + iota
            for sk in sks
        ]

        def transpose(b):
            def body(q, _):
                b0 = q * L
                row = b0 + iota
                xs = [plsc.load_gather(grp_b[b], [row, sks[m]])
                      for m in range(_D)]
                for m in range(_D):
                    plsc.store_scatter(ob_b[b], [dks[m] + b0], xs[m])
                return 0

            lax.fori_loop(0, _RB // L, body, 0)

        def put(t, b):
            sl, j = lax.div(t, J), lax.rem(t, J)
            s = wid * SPW + sl
            for fb in range(_D // 8):
                pltpu.async_copy(
                    ob_b[b].at[pl.ds(fb * (8 * _RB), 8 * _RB)],
                    out_hbm.at[
                        pl.ds(((j * (_D // 8) + fb) * NS_ALL + s) * (8 * _RB),
                              8 * _RB)
                    ],
                    sem_o,
                )

        def wait_puts(b):
            pltpu.make_async_copy(
                ob_b[b], out_hbm.at[pl.ds(0, _RB * _D)], sem_o
            ).wait()

        gather(0, 0)

        def cell_pair(c, _):
            for b in range(2):
                t = c * 2 + b

                @pl.when(t + 1 < n_cells)
                def _():
                    gather(t + 1, 1 - b)

                pltpu.make_async_copy(
                    tab_hbm.at[idx_v.at[pl.ds(col_off(t), _RB)]], grp_b[b],
                    sem_g,
                ).wait()

                @pl.when(t >= 2)
                def _():
                    wait_puts(b)

                transpose(b)
                put(t, b)
            return 0

        lax.fori_loop(0, n_cells // 2, cell_pair, 0)
        for b in range(2):
            wait_puts(b)

    return k


def kernel(token_ids, weight):
    R, J = token_ids.shape
    V, D = weight.shape
    tokp = jnp.pad(token_ids.astype(jnp.int32), ((0, 0), (0, 32 - J)))
    tok4 = tokp.T.reshape(4, 8, R // _RB, _RB).transpose(0, 2, 1, 3)
    out = _make_gather(R, J)(weight, tok4.reshape(-1))
    o5 = out.reshape(J, D // 8, R // _RB, 8, _RB)
    return o5.transpose(2, 4, 0, 1, 3).reshape(R, J, D)

# --- scband reference (transcript-rebuilt; emitter-appended) ---
"""Pipeline reference for scband-embedding-33732673143221 (READ-ONLY COPY).

The authoritative reference and input builder live on the scoring server;
editing this copy changes nothing except your own understanding.
"""

import jax, jax.numpy as jnp
import numpy as np

NUM_EMBEDDINGS = 1000000
EMBEDDING_DIM = 32

def setup_inputs(seed: int = 0) -> dict:
    key = jax.random.key(seed)
    k_idx, k_w = jax.random.split(key)
    token_ids = jax.random.randint(k_idx, (16384, 26), 0, NUM_EMBEDDINGS, dtype=jnp.int64 if jax.config.jax_enable_x64 else jnp.int32)
    # trunc_normal_(mean=0, std=1, a=-3, b=3)
    weight = jax.random.truncated_normal(k_w, -3.0, 3.0, (NUM_EMBEDDINGS, EMBEDDING_DIM), dtype=jnp.float32)
    return {"token_ids": token_ids, "weight": weight}

def reference(token_ids, weight):
    # self.weight[token_ids]
    return jnp.take(weight, token_ids, axis=0)

if __name__ == "__main__":
    import jax
    _d = setup_inputs()
    print(jax.jit(kernel)(*tuple(_d.values())))

</pallas_src>

<mosaic_0001>
#map = affine_map<(d0, d1) -> (0, 0)>
#map1 = affine_map<(d0, d1) -> (0)>
module attributes {stable_mosaic.version = 14 : i64} {
  func.func @k(%arg0: i32, %arg1: i32, %arg2: memref<1000000x32xf32, #tpu.memory_space<hbm>>, %arg3: memref<524288xi32, #tpu.memory_space<hbm>>, %arg4: memref<13631488xf32, #tpu.memory_space<hbm>>, %arg5: memref<16384xi32, #tpu.memory_space<vmem>>, %arg6: memref<128x32xf32, #tpu.memory_space<vmem>>, %arg7: memref<128x32xf32, #tpu.memory_space<vmem>>, %arg8: memref<4096xf32, #tpu.memory_space<vmem>>, %arg9: memref<4096xf32, #tpu.memory_space<vmem>>, %arg10: memref<!tpu.dma_semaphore, #tpu.memory_space<semaphore_mem>>, %arg11: memref<!tpu.dma_semaphore, #tpu.memory_space<semaphore_mem>>, %arg12: memref<!tpu.dma_semaphore, #tpu.memory_space<semaphore_mem>>) attributes {dimension_semantics = [#tpu.dimension_semantics<core_parallel>, #tpu.dimension_semantics<subcore_parallel>], iteration_bounds = array<i64: 2, 16>, scalar_prefetch = 0 : i64, scratch_operands = 8 : i64, tpu.core_type = #tpu.core_type<sc_vector_subcore>, window_params = [{transform_indices = #map}, {transform_indices = #map1}, {transform_indices = #map1}]} {
    %mul3A = arith.constant 2 : i32
    %mul3A_0 = arith.muli %arg1, %mul3A : i32
    %add3A = arith.addi %mul3A_0, %arg0 : i32
    %mul3A_1 = arith.constant 4 : i32
    %mul3A_2 = arith.muli %add3A, %mul3A_1 : i32
    %add3A_3 = arith.constant 0 : i32
    %add3A_4 = arith.addi %add3A_3, %mul3A_2 : i32
    %add3A_5 = arith.constant 0 : i32
    %add3A_6 = arith.addi %add3A_4, %add3A_5 : i32
    %mul3A_7 = arith.constant 8 : i32
    %mul3A_8 = arith.muli %add3A_6, %mul3A_7 : i32
    %mul3A_9 = arith.constant 128 : i32
    %mul3A_10 = arith.muli %mul3A_8, %mul3A_9 : i32
    %dma_start3A = arith.constant 0 : i32
    %dma_start3A_11 = tpu.memref_slice %arg5[%dma_start3A] : memref<16384xi32, #tpu.memory_space<vmem>> -> memref<1024xi32, #tpu.memory_space<vmem>>
    %dma_start3A_12 = tpu.memref_slice %arg3[%mul3A_10] : memref<524288xi32, #tpu.memory_space<hbm>> -> memref<1024xi32, #tpu.memory_space<hbm>>
    %dma_start3A_13 = arith.constant 0 : i32
    %dma_start3A_14 = tpu.memref_slice %arg5[%dma_start3A_13] : memref<16384xi32, #tpu.memory_space<vmem>> -> memref<1024xi32, #tpu.memory_space<vmem>>
    %dma_start3A_15 = tpu.memref_slice %arg3[%mul3A_10] : memref<524288xi32, #tpu.memory_space<hbm>> -> memref<1024xi32, #tpu.memory_space<hbm>>
    tpu.enqueue_dma source(%dma_start3A_15 : memref<1024xi32, #tpu.memory_space<hbm>>) target(%dma_start3A_14 : memref<1024xi32, #tpu.memory_space<vmem>>) target_semaphore(%arg10 : memref<!tpu.dma_semaphore, #tpu.memory_space<semaphore_mem>>)
    %mul3A_16 = arith.constant 4 : i32
    %mul3A_17 = arith.muli %add3A, %mul3A_16 : i32
    %add3A_18 = arith.constant 128 : i32
    %add3A_19 = arith.addi %add3A_18, %mul3A_17 : i32
    %add3A_20 = arith.constant 0 : i32
    %add3A_21 = arith.addi %add3A_19, %add3A_20 : i32
    %mul3A_22 = arith.constant 8 : i32
    %mul3A_23 = arith.muli %add3A_21, %mul3A_22 : i32
    %mul3A_24 = arith.constant 128 : i32
    %mul3A_25 = arith.muli %mul3A_23, %mul3A_24 : i32
    %dma_start3A_26 = arith.constant 1024 : i32
    %dma_start3A_27 = tpu.memref_slice %arg5[%dma_start3A_26] : memref<16384xi32, #tpu.memory_space<vmem>> -> memref<1024xi32, #tpu.memory_space<vmem>>
    %dma_start3A_28 = tpu.memref_slice %arg3[%mul3A_25] : memref<524288xi32, #tpu.memory_space<hbm>> -> memref<1024xi32, #tpu.memory_space<hbm>>
    %dma_start3A_29 = arith.constant 1024 : i32
    %dma_start3A_30 = tpu.memref_slice %arg5[%dma_start3A_29] : memref<16384xi32, #tpu.memory_space<vmem>> -> memref<1024xi32, #tpu.memory_space<vmem>>
    %dma_start3A_31 = tpu.memref_slice %arg3[%mul3A_25] : memref<524288xi32, #tpu.memory_space<hbm>> -> memref<1024xi32, #tpu.memory_space<hbm>>
    tpu.enqueue_dma source(%dma_start3A_31 : memref<1024xi32, #tpu.memory_space<hbm>>) target(%dma_start3A_30 : memref<1024xi32, #tpu.memory_space<vmem>>) target_semaphore(%arg10 : memref<!tpu.dma_semaphore, #tpu.memory_space<semaphore_mem>>)
    %mul3A_32 = arith.constant 4 : i32
    %mul3A_33 = arith.muli %add3A, %mul3A_32 : i32
    %add3A_34 = arith.constant 256 : i32
    %add3A_35 = arith.addi %add3A_34, %mul3A_33 : i32
    %add3A_36 = arith.constant 0 : i32
    %add3A_37 = arith.addi %add3A_35, %add3A_36 : i32
    %mul3A_38 = arith.constant 8 : i32
    %mul3A_39 = arith.muli %add3A_37, %mul3A_38 : i32
    %mul3A_40 = arith.constant 128 : i32
    %mul3A_41 = arith.muli %mul3A_39, %mul3A_40 : i32
    %dma_start3A_42 = arith.constant 2048 : i32
    %dma_start3A_43 = tpu.memref_slice %arg5[%dma_start3A_42] : memref<16384xi32, #tpu.memory_space<vmem>> -> memref<1024xi32, #tpu.memory_space<vmem>>
    %dma_start3A_44 = tpu.memref_slice %arg3[%mul3A_41] : memref<524288xi32, #tpu.memory_space<hbm>> -> memref<1024xi32, #tpu.memory_space<hbm>>
    %dma_start3A_45 = arith.constant 2048 : i32
    %dma_start3A_46 = tpu.memref_slice %arg5[%dma_start3A_45] : memref<16384xi32, #tpu.memory_space<vmem>> -> memref<1024xi32, #tpu.memory_space<vmem>>
    %dma_start3A_47 = tpu.memref_slice %arg3[%mul3A_41] : memref<524288xi32, #tpu.memory_space<hbm>> -> memref<1024xi32, #tpu.memory_space<hbm>>
    tpu.enqueue_dma source(%dma_start3A_47 : memref<1024xi32, #tpu.memory_space<hbm>>) target(%dma_start3A_46 : memref<1024xi32, #tpu.memory_space<vmem>>) target_semaphore(%arg10 : memref<!tpu.dma_semaphore, #tpu.memory_space<semaphore_mem>>)
    %mul3A_48 = arith.constant 4 : i32
    %mul3A_49 = arith.muli %add3A, %mul3A_48 : i32
    %add3A_50 = arith.constant 384 : i32
    %add3A_51 = arith.addi %add3A_50, %mul3A_49 : i32
    %add3A_52 = arith.constant 0 : i32
    %add3A_53 = arith.addi %add3A_51, %add3A_52 : i32
    %mul3A_54 = arith.constant 8 : i32
    %mul3A_55 = arith.muli %add3A_53, %mul3A_54 : i32
    %mul3A_56 = arith.constant 128 : i32
    %mul3A_57 = arith.muli %mul3A_55, %mul3A_56 : i32
    %dma_start3A_58 = arith.constant 3072 : i32
    %dma_start3A_59 = tpu.memref_slice %arg5[%dma_start3A_58] : memref<16384xi32, #tpu.memory_space<vmem>> -> memref<1024xi32, #tpu.memory_space<vmem>>
    %dma_start3A_60 = tpu.memref_slice %arg3[%mul3A_57] : memref<524288xi32, #tpu.memory_space<hbm>> -> memref<1024xi32, #tpu.memory_space<hbm>>
    %dma_start3A_61 = arith.constant 3072 : i32
    %dma_start3A_62 = tpu.memref_slice %arg5[%dma_start3A_61] : memref<16384xi32, #tpu.memory_space<vmem>> -> memref<1024xi32, #tpu.memory_space<vmem>>
    %dma_start3A_63 = tpu.memref_slice %arg3[%mul3A_57] : memref<524288xi32, #tpu.memory_space<hbm>> -> memref<1024xi32, #tpu.memory_space<hbm>>
    tpu.enqueue_dma source(%dma_start3A_63 : memref<1024xi32, #tpu.memory_space<hbm>>) target(%dma_start3A_62 : memref<1024xi32, #tpu.memory_space<vmem>>) target_semaphore(%arg10 : memref<!tpu.dma_semaphore, #tpu.memory_space<semaphore_mem>>)
    %mul3A_64 = arith.constant 4 : i32
    %mul3A_65 = arith.muli %add3A, %mul3A_64 : i32
    %add3A_66 = arith.constant 0 : i32
    %add3A_67 = arith.addi %add3A_66, %mul3A_65 : i32
    %add3A_68 = arith.constant 1 : i32
    %add3A_69 = arith.addi %add3A_67, %add3A_68 : i32
    %mul3A_70 = arith.constant 8 : i32
    %mul3A_71 = arith.muli %add3A_69, %mul3A_70 : i32
    %mul3A_72 = arith.constant 128 : i32
    %mul3A_73 = arith.muli %mul3A_71, %mul3A_72 : i32
    %dma_start3A_74 = arith.constant 4096 : i32
    %dma_start3A_75 = tpu.memref_slice %arg5[%dma_start3A_74] : memref<16384xi32, #tpu.memory_space<vmem>> -> memref<1024xi32, #tpu.memory_space<vmem>>
    %dma_start3A_76 = tpu.memref_slice %arg3[%mul3A_73] : memref<524288xi32, #tpu.memory_space<hbm>> -> memref<1024xi32, #tpu.memory_space<hbm>>
    %dma_start3A_77 = arith.constant 4096 : i32
    %dma_start3A_78 = tpu.memref_slice %arg5[%dma_start3A_77] : memref<16384xi32, #tpu.memory_space<vmem>> -> memref<1024xi32, #tpu.memory_space<vmem>>
    %dma_start3A_79 = tpu.memref_slice %arg3[%mul3A_73] : memref<524288xi32, #tpu.memory_space<hbm>> -> memref<1024xi32, #tpu.memory_space<hbm>>
    tpu.enqueue_dma source(%dma_start3A_79 : memref<1024xi32, #tpu.memory_space<hbm>>) target(%dma_start3A_78 : memref<1024xi32, #tpu.memory_space<vmem>>) target_semaphore(%arg10 : memref<!tpu.dma_semaphore, #tpu.memory_space<semaphore_mem>>)
    %mul3A_80 = arith.constant 4 : i32
    %mul3A_81 = arith.muli %add3A, %mul3A_80 : i32
    %add3A_82 = arith.constant 128 : i32
    %add3A_83 = arith.addi %add3A_82, %mul3A_81 : i32
    %add3A_84 = arith.constant 1 : i32
    %add3A_85 = arith.addi %add3A_83, %add3A_84 : i32
    %mul3A_86 = arith.constant 8 : i32
    %mul3A_87 = arith.muli %add3A_85, %mul3A_86 : i32
    %mul3A_88 = arith.constant 128 : i32
    %mul3A_89 = arith.muli %mul3A_87, %mul3A_88 : i32
    %dma_start3A_90 = arith.constant 5120 : i32
    %dma_start3A_91 = tpu.memref_slice %arg5[%dma_start3A_90] : memref<16384xi32, #tpu.memory_space<vmem>> -> memref<1024xi32, #tpu.memory_space<vmem>>
    %dma_start3A_92 = tpu.memref_slice %arg3[%mul3A_89] : memref<524288xi32, #tpu.memory_space<hbm>> -> memref<1024xi32, #tpu.memory_space<hbm>>
    %dma_start3A_93 = arith.constant 5120 : i32
    %dma_start3A_94 = tpu.memref_slice %arg5[%dma_start3A_93] : memref<16384xi32, #tpu.memory_space<vmem>> -> memref<1024xi32, #tpu.memory_space<vmem>>
    %dma_start3A_95 = tpu.memref_slice %arg3[%mul3A_89] : memref<524288xi32, #tpu.memory_space<hbm>> -> memref<1024xi32, #tpu.memory_space<hbm>>
    tpu.enqueue_dma source(%dma_start3A_95 : memref<1024xi32, #tpu.memory_space<hbm>>) target(%dma_start3A_94 : memref<1024xi32, #tpu.memory_space<vmem>>) target_semaphore(%arg10 : memref<!tpu.dma_semaphore, #tpu.memory_space<semaphore_mem>>)
    %mul3A_96 = arith.constant 4 : i32
    %mul3A_97 = arith.muli %add3A, %mul3A_96 : i32
    %add3A_98 = arith.constant 256 : i32
    %add3A_99 = arith.addi %add3A_98, %mul3A_97 : i32
    %add3A_100 = arith.constant 1 : i32
    %add3A_101 = arith.addi %add3A_99, %add3A_100 : i32
    %mul3A_102 = arith.constant 8 : i32
    %mul3A_103 = arith.muli %add3A_101, %mul3A_102 : i32
    %mul3A_104 = arith.constant 128 : i32
    %mul3A_105 = arith.muli %mul3A_103, %mul3A_104 : i32
    %dma_start3A_106 = arith.constant 6144 : i32
    %dma_start3A_107 = tpu.memref_slice %arg5[%dma_start3A_106] : memref<16384xi32, #tpu.memory_space<vmem>> -> memref<1024xi32, #tpu.memory_space<vmem>>
    %dma_start3A_108 = tpu.memref_slice %arg3[%mul3A_105] : memref<524288xi32, #tpu.memory_space<hbm>> -> memref<1024xi32, #tpu.memory_space<hbm>>
    %dma_start3A_109 = arith.constant 6144 : i32
    %dma_start3A_110 = tpu.memref_slice %arg5[%dma_start3A_109] : memref<16384xi32, #tpu.memory_space<vmem>> -> memref<1024xi32, #tpu.memory_space<vmem>>
    %dma_start3A_111 = tpu.memref_slice %arg3[%mul3A_105] : memref<524288xi32, #tpu.memory_space<hbm>> -> memref<1024xi32, #tpu.memory_space<hbm>>
    tpu.enqueue_dma source(%dma_start3A_111 : memref<1024xi32, #tpu.memory_space<hbm>>) target(%dma_start3A_110 : memref<1024xi32, #tpu.memory_space<vmem>>) target_semaphore(%arg10 : memref<!tpu.dma_semaphore, #tpu.memory_space<semaphore_mem>>)
    %mul3A_112 = arith.constant 4 : i32
    %mul3A_113 = arith.muli %add3A, %mul3A_112 : i32
    %add3A_114 = arith.constant 384 : i32
    %add3A_115 = arith.addi %add3A_114, %mul3A_113 : i32
    %add3A_116 = arith.constant 1 : i32
    %add3A_117 = arith.addi %add3A_115, %add3A_116 : i32
    %mul3A_118 = arith.constant 8 : i32
    %mul3A_119 = arith.muli %add3A_117, %mul3A_118 : i32
    %mul3A_120 = arith.constant 128 : i32
    %mul3A_121 = arith.muli %mul3A_119, %mul3A_120 : i32
    %dma_start3A_122 = arith.constant 7168 : i32
    %dma_start3A_123 = tpu.memref_slice %arg5[%dma_start3A_122] : memref<16384xi32, #tpu.memory_space<vmem>> -> memref<1024xi32, #tpu.memory_space<vmem>>
    %dma_start3A_124 = tpu.memref_slice %arg3[%mul3A_121] : memref<524288xi32, #tpu.memory_space<hbm>> -> memref<1024xi32, #tpu.memory_space<hbm>>
    %dma_start3A_125 = arith.constant 7168 : i32
    %dma_start3A_126 = tpu.memref_slice %arg5[%dma_start3A_125] : memref<16384xi32, #tpu.memory_space<vmem>> -> memref<1024xi32, #tpu.memory_space<vmem>>
    %dma_start3A_127 = tpu.memref_slice %arg3[%mul3A_121] : memref<524288xi32, #tpu.memory_space<hbm>> -> memref<1024xi32, #tpu.memory_space<hbm>>
    tpu.enqueue_dma source(%dma_start3A_127 : memref<1024xi32, #tpu.memory_space<hbm>>) target(%dma_start3A_126 : memref<1024xi32, #tpu.memory_space<vmem>>) target_semaphore(%arg10 : memref<!tpu.dma_semaphore, #tpu.memory_space<semaphore_mem>>)
    %mul3A_128 = arith.constant 4 : i32
    %mul3A_129 = arith.muli %add3A, %mul3A_128 : i32
    %add3A_130 = arith.constant 0 : i32
    %add3A_131 = arith.addi %add3A_130, %mul3A_129 : i32
    %add3A_132 = arith.constant 2 : i32
    %add3A_133 = arith.addi %add3A_131, %add3A_132 : i32
    %mul3A_134 = arith.constant 8 : i32
    %mul3A_135 = arith.muli %add3A_133, %mul3A_134 : i32
    %mul3A_136 = arith.constant 128 : i32
    %mul3A_137 = arith.muli %mul3A_135, %mul3A_136 : i32
    %dma_start3A_138 = arith.constant 8192 : i32
    %dma_start3A_139 = tpu.memref_slice %arg5[%dma_start3A_138] : memref<16384xi32, #tpu.memory_space<vmem>> -> memref<1024xi32, #tpu.memory_space<vmem>>
    %dma_start3A_140 = tpu.memref_slice %arg3[%mul3A_137] : memref<524288xi32, #tpu.memory_space<hbm>> -> memref<1024xi32, #tpu.memory_space<hbm>>
    %dma_start3A_141 = arith.constant 8192 : i32
    %dma_start3A_142 = tpu.memref_slice %arg5[%dma_start3A_141] : memref<16384xi32, #tpu.memory_space<vmem>> -> memref<1024xi32, #tpu.memory_space<vmem>>
    %dma_start3A_143 = tpu.memref_slice %arg3[%mul3A_137] : memref<524288xi32, #tpu.memory_space<hbm>> -> memref<1024xi32, #tpu.memory_space<hbm>>
    tpu.enqueue_dma source(%dma_start3A_143 : memref<1024xi32, #tpu.memory_space<hbm>>) target(%dma_start3A_142 : memref<1024xi32, #tpu.memory_space<vmem>>) target_semaphore(%arg10 : memref<!tpu.dma_semaphore, #tpu.memory_space<semaphore_mem>>)
    %mul3A_144 = arith.constant 4 : i32
    %mul3A_145 = arith.muli %add3A, %mul3A_144 : i32
    %add3A_146 = arith.constant 128 : i32
    %add3A_147 = arith.addi %add3A_146, %mul3A_145 : i32
    %add3A_148 = arith.constant 2 : i32
    %add3A_149 = arith.addi %add3A_147, %add3A_148 : i32
    %mul3A_150 = arith.constant 8 : i32
    %mul3A_151 = arith.muli %add3A_149, %mul3A_150 : i32
    %mul3A_152 = arith.constant 128 : i32
    %mul3A_153 = arith.muli %mul3A_151, %mul3A_152 : i32
    %dma_start3A_154 = arith.constant 9216 : i32
    %dma_start3A_155 = tpu.memref_slice %arg5[%dma_start3A_154] : memref<16384xi32, #tpu.memory_space<vmem>> -> memref<1024xi32, #tpu.memory_space<vmem>>
    %dma_start3A_156 = tpu.memref_slice %arg3[%mul3A_153] : memref<524288xi32, #tpu.memory_space<hbm>> -> memref<1024xi32, #tpu.memory_space<hbm>>
    %dma_start3A_157 = arith.constant 9216 : i32
    %dma_start3A_158 = tpu.memref_slice %arg5[%dma_start3A_157] : memref<16384xi32, #tpu.memory_space<vmem>> -> memref<1024xi32, #tpu.memory_space<vmem>>
    %dma_start3A_159 = tpu.memref_slice %arg3[%mul3A_153] : memref<524288xi32, #tpu.memory_space<hbm>> -> memref<1024xi32, #tpu.memory_space<hbm>>
    tpu.enqueue_dma source(%dma_start3A_159 : memref<1024xi32, #tpu.memory_space<hbm>>) target(%dma_start3A_158 : memref<1024xi32, #tpu.memory_space<vmem>>) target_semaphore(%arg10 : memref<!tpu.dma_semaphore, #tpu.memory_space<semaphore_mem>>)
    %mul3A_160 = arith.constant 4 : i32
    %mul3A_161 = arith.muli %add3A, %mul3A_160 : i32
    %add3A_162 = arith.constant 256 : i32
    %add3A_163 = arith.addi %add3A_162, %mul3A_161 : i32
    %add3A_164 = arith.constant 2 : i32
    %add3A_165 = arith.addi %add3A_163, %add3A_164 : i32
    %mul3A_166 = arith.constant 8 : i32
    %mul3A_167 = arith.muli %add3A_165, %mul3A_166 : i32
    %mul3A_168 = arith.constant 128 : i32
    %mul3A_169 = arith.muli %mul3A_167, %mul3A_168 : i32
    %dma_start3A_170 = arith.constant 10240 : i32
    %dma_start3A_171 = tpu.memref_slice %arg5[%dma_start3A_170] : memref<16384xi32, #tpu.memory_space<vmem>> -> memref<1024xi32, #tpu.memory_space<vmem>>
    %dma_start3A_172 = tpu.memref_slice %arg3[%mul3A_169] : memref<524288xi32, #tpu.memory_space<hbm>> -> memref<1024xi32, #tpu.memory_space<hbm>>
    %dma_start3A_173 = arith.constant 10240 : i32
    %dma_start3A_174 = tpu.memref_slice %arg5[%dma_start3A_173] : memref<16384xi32, #tpu.memory_space<vmem>> -> memref<1024xi32, #tpu.memory_space<vmem>>
    %dma_start3A_175 = tpu.memref_slice %arg3[%mul3A_169] : memref<524288xi32, #tpu.memory_space<hbm>> -> memref<1024xi32, #tpu.memory_space<hbm>>
    tpu.enqueue_dma source(%dma_start3A_175 : memref<1024xi32, #tpu.memory_space<hbm>>) target(%dma_start3A_174 : memref<1024xi32, #tpu.memory_space<vmem>>) target_semaphore(%arg10 : memref<!tpu.dma_semaphore, #tpu.memory_space<semaphore_mem>>)
    %mul3A_176 = arith.constant 4 : i32
    %mul3A_177 = arith.muli %add3A, %mul3A_176 : i32
    %add3A_178 = arith.constant 384 : i32
    %add3A_179 = arith.addi %add3A_178, %mul3A_177 : i32
    %add3A_180 = arith.constant 2 : i32
    %add3A_181 = arith.addi %add3A_179, %add3A_180 : i32
    %mul3A_182 = arith.constant 8 : i32
    %mul3A_183 = arith.muli %add3A_181, %mul3A_182 : i32
    %mul3A_184 = arith.constant 128 : i32
    %mul3A_185 = arith.muli %mul3A_183, %mul3A_184 : i32
    %dma_start3A_186 = arith.constant 11264 : i32
    %dma_start3A_187 = tpu.memref_slice %arg5[%dma_start3A_186] : memref<16384xi32, #tpu.memory_space<vmem>> -> memref<1024xi32, #tpu.memory_space<vmem>>
    %dma_start3A_188 = tpu.memref_slice %arg3[%mul3A_185] : memref<524288xi32, #tpu.memory_space<hbm>> -> memref<1024xi32, #tpu.memory_space<hbm>>
    %dma_start3A_189 = arith.constant 11264 : i32
    %dma_start3A_190 = tpu.memref_slice %arg5[%dma_start3A_189] : memref<16384xi32, #tpu.memory_space<vmem>> -> memref<1024xi32, #tpu.memory_space<vmem>>
    %dma_start3A_191 = tpu.memref_slice %arg3[%mul3A_185] : memref<524288xi32, #tpu.memory_space<hbm>> -> memref<1024xi32, #tpu.memory_space<hbm>>
    tpu.enqueue_dma source(%dma_start3A_191 : memref<1024xi32, #tpu.memory_space<hbm>>) target(%dma_start3A_190 : memref<1024xi32, #tpu.memory_space<vmem>>) target_semaphore(%arg10 : memref<!tpu.dma_semaphore, #tpu.memory_space<semaphore_mem>>)
    %mul3A_192 = arith.constant 4 : i32
    %mul3A_193 = arith.muli %add3A, %mul3A_192 : i32
    %add3A_194 = arith.constant 0 : i32
    %add3A_195 = arith.addi %add3A_194, %mul3A_193 : i32
    %add3A_196 = arith.constant 3 : i32
    %add3A_197 = arith.addi %add3A_195, %add3A_196 : i32
    %mul3A_198 = arith.constant 8 : i32
    %mul3A_199 = arith.muli %add3A_197, %mul3A_198 : i32
    %mul3A_200 = arith.constant 128 : i32
    %mul3A_201 = arith.muli %mul3A_199, %mul3A_200 : i32
    %dma_start3A_202 = arith.constant 12288 : i32
    %dma_start3A_203 = tpu.memref_slice %arg5[%dma_start3A_202] : memref<16384xi32, #tpu.memory_space<vmem>> -> memref<1024xi32, #tpu.memory_space<vmem>>
    %dma_start3A_204 = tpu.memref_slice %arg3[%mul3A_201] : memref<524288xi32, #tpu.memory_space<hbm>> -> memref<1024xi32, #tpu.memory_space<hbm>>
    %dma_start3A_205 = arith.constant 12288 : i32
    %dma_start3A_206 = tpu.memref_slice %arg5[%dma_start3A_205] : memref<16384xi32, #tpu.memory_space<vmem>> -> memref<1024xi32, #tpu.memory_space<vmem>>
    %dma_start3A_207 = tpu.memref_slice %arg3[%mul3A_201] : memref<524288xi32, #tpu.memory_space<hbm>> -> memref<1024xi32, #tpu.memory_space<hbm>>
    tpu.enqueue_dma source(%dma_start3A_207 : memref<1024xi32, #tpu.memory_space<hbm>>) target(%dma_start3A_206 : memref<1024xi32, #tpu.memory_space<vmem>>) target_semaphore(%arg10 : memref<!tpu.dma_semaphore, #tpu.memory_space<semaphore_mem>>)
    %mul3A_208 = arith.constant 4 : i32
    %mul3A_209 = arith.muli %add3A, %mul3A_208 : i32
    %add3A_210 = arith.constant 128 : i32
    %add3A_211 = arith.addi %add3A_210, %mul3A_209 : i32
    %add3A_212 = arith.constant 3 : i32
    %add3A_213 = arith.addi %add3A_211, %add3A_212 : i32
    %mul3A_214 = arith.constant 8 : i32
    %mul3A_215 = arith.muli %add3A_213, %mul3A_214 : i32
    %mul3A_216 = arith.constant 128 : i32
    %mul3A_217 = arith.muli %mul3A_215, %mul3A_216 : i32
    %dma_start3A_218 = arith.constant 13312 : i32
    %dma_start3A_219 = tpu.memref_slice %arg5[%dma_start3A_218] : memref<16384xi32, #tpu.memory_space<vmem>> -> memref<1024xi32, #tpu.memory_space<vmem>>
    %dma_start3A_220 = tpu.memref_slice %arg3[%mul3A_217] : memref<524288xi32, #tpu.memory_space<hbm>> -> memref<1024xi32, #tpu.memory_space<hbm>>
    %dma_start3A_221 = arith.constant 13312 : i32
    %dma_start3A_222 = tpu.memref_slice %arg5[%dma_start3A_221] : memref<16384xi32, #tpu.memory_space<vmem>> -> memref<1024xi32, #tpu.memory_space<vmem>>
    %dma_start3A_223 = tpu.memref_slice %arg3[%mul3A_217] : memref<524288xi32, #tpu.memory_space<hbm>> -> memref<1024xi32, #tpu.memory_space<hbm>>
    tpu.enqueue_dma source(%dma_start3A_223 : memref<1024xi32, #tpu.memory_space<hbm>>) target(%dma_start3A_222 : memref<1024xi32, #tpu.memory_space<vmem>>) target_semaphore(%arg10 : memref<!tpu.dma_semaphore, #tpu.memory_space<semaphore_mem>>)
    %mul3A_224 = arith.constant 4 : i32
    %mul3A_225 = arith.muli %add3A, %mul3A_224 : i32
    %add3A_226 = arith.constant 256 : i32
    %add3A_227 = arith.addi %add3A_226, %mul3A_225 : i32
    %add3A_228 = arith.constant 3 : i32
    %add3A_229 = arith.addi %add3A_227, %add3A_228 : i32
    %mul3A_230 = arith.constant 8 : i32
    %mul3A_231 = arith.muli %add3A_229, %mul3A_230 : i32
    %mul3A_232 = arith.constant 128 : i32
    %mul3A_233 = arith.muli %mul3A_231, %mul3A_232 : i32
    %dma_start3A_234 = arith.constant 14336 : i32
    %dma_start3A_235 = tpu.memref_slice %arg5[%dma_start3A_234] : memref<16384xi32, #tpu.memory_space<vmem>> -> memref<1024xi32, #tpu.memory_space<vmem>>
    %dma_start3A_236 = tpu.memref_slice %arg3[%mul3A_233] : memref<524288xi32, #tpu.memory_space<hbm>> -> memref<1024xi32, #tpu.memory_space<hbm>>
    %dma_start3A_237 = arith.constant 14336 : i32
    %dma_start3A_238 = tpu.memref_slice %arg5[%dma_start3A_237] : memref<16384xi32, #tpu.memory_space<vmem>> -> memref<1024xi32, #tpu.memory_space<vmem>>
    %dma_start3A_239 = tpu.memref_slice %arg3[%mul3A_233] : memref<524288xi32, #tpu.memory_space<hbm>> -> memref<1024xi32, #tpu.memory_space<hbm>>
    tpu.enqueue_dma source(%dma_start3A_239 : memref<1024xi32, #tpu.memory_space<hbm>>) target(%dma_start3A_238 : memref<1024xi32, #tpu.memory_space<vmem>>) target_semaphore(%arg10 : memref<!tpu.dma_semaphore, #tpu.memory_space<semaphore_mem>>)
    %mul3A_240 = arith.constant 4 : i32
    %mul3A_241 = arith.muli %add3A, %mul3A_240 : i32
    %add3A_242 = arith.constant 384 : i32
    %add3A_243 = arith.addi %add3A_242, %mul3A_241 : i32
    %add3A_244 = arith.constant 3 : i32
    %add3A_245 = arith.addi %add3A_243, %add3A_244 : i32
    %mul3A_246 = arith.constant 8 : i32
    %mul3A_247 = arith.muli %add3A_245, %mul3A_246 : i32
    %mul3A_248 = arith.constant 128 : i32
    %mul3A_249 = arith.muli %mul3A_247, %mul3A_248 : i32
    %dma_start3A_250 = arith.constant 15360 : i32
    %dma_start3A_251 = tpu.memref_slice %arg5[%dma_start3A_250] : memref<16384xi32, #tpu.memory_space<vmem>> -> memref<1024xi32, #tpu.memory_space<vmem>>
    %dma_start3A_252 = tpu.memref_slice %arg3[%mul3A_249] : memref<524288xi32, #tpu.memory_space<hbm>> -> memref<1024xi32, #tpu.memory_space<hbm>>
    %dma_start3A_253 = arith.constant 15360 : i32
    %dma_start3A_254 = tpu.memref_slice %arg5[%dma_start3A_253] : memref<16384xi32, #tpu.memory_space<vmem>> -> memref<1024xi32, #tpu.memory_space<vmem>>
    %dma_start3A_255 = tpu.memref_slice %arg3[%mul3A_249] : memref<524288xi32, #tpu.memory_space<hbm>> -> memref<1024xi32, #tpu.memory_space<hbm>>
    tpu.enqueue_dma source(%dma_start3A_255 : memref<1024xi32, #tpu.memory_space<hbm>>) target(%dma_start3A_254 : memref<1024xi32, #tpu.memory_space<vmem>>) target_semaphore(%arg10 : memref<!tpu.dma_semaphore, #tpu.memory_space<semaphore_mem>>)
    %dma_wait3A = arith.constant 0 : i32
    %dma_wait3A_256 = tpu.memref_slice %arg5[%dma_wait3A] : memref<16384xi32, #tpu.memory_space<vmem>> -> memref<1024xi32, #tpu.memory_space<vmem>>
    %dma_wait3A_257 = arith.constant 0 : i32
    %dma_wait3A_258 = tpu.memref_slice %arg3[%dma_wait3A_257] : memref<524288xi32, #tpu.memory_space<hbm>> -> memref<1024xi32, #tpu.memory_space<hbm>>
    %dma_wait3A_259 = arith.constant 0 : i32
    %dma_wait3A_260 = tpu.memref_slice %arg5[%dma_wait3A_259] : memref<16384xi32, #tpu.memory_space<vmem>> -> memref<1024xi32, #tpu.memory_space<vmem>>
    %dma_wait3A_261 = arith.constant 0 : i32
    %dma_wait3A_262 = tpu.memref_slice %arg3[%dma_wait3A_261] : memref<524288xi32, #tpu.memory_space<hbm>> -> memref<1024xi32, #tpu.memory_space<hbm>>
    tpu.wait_dma2 semaphore(%arg10 : memref<!tpu.dma_semaphore, #tpu.memory_space<semaphore_mem>>) src(%dma_wait3A_262 : memref<1024xi32, #tpu.memory_space<hbm>>) dst(%dma_wait3A_260 : memref<1024xi32, #tpu.memory_space<vmem>>)
    %dma_wait3A_263 = arith.constant 0 : i32
    %dma_wait3A_264 = tpu.memref_slice %arg5[%dma_wait3A_263] : memref<16384xi32, #tpu.memory_space<vmem>> -> memref<1024xi32, #tpu.memory_space<vmem>>
    %dma_wait3A_265 = arith.constant 0 : i32
    %dma_wait3A_266 = tpu.memref_slice %arg3[%dma_wait3A_265] : memref<524288xi32, #tpu.memory_space<hbm>> -> memref<1024xi32, #tpu.memory_space<hbm>>
    %dma_wait3A_267 = arith.constant 0 : i32
    %dma_wait3A_268 = tpu.memref_slice %arg5[%dma_wait3A_267] : memref<16384xi32, #tpu.memory_space<vmem>> -> memref<1024xi32, #tpu.memory_space<vmem>>
    %dma_wait3A_269 = arith.constant 0 : i32
    %dma_wait3A_270 = tpu.memref_slice %arg3[%dma_wait3A_269] : memref<524288xi32, #tpu.memory_space<hbm>> -> memref<1024xi32, #tpu.memory_space<hbm>>
    tpu.wait_dma2 semaphore(%arg10 : memref<!tpu.dma_semaphore, #tpu.memory_space<semaphore_mem>>) src(%dma_wait3A_270 : memref<1024xi32, #tpu.memory_space<hbm>>) dst(%dma_wait3A_268 : memref<1024xi32, #tpu.memory_space<vmem>>)
    %dma_wait3A_271 = arith.constant 0 : i32
    %dma_wait3A_272 = tpu.memref_slice %arg5[%dma_wait3A_271] : memref<16384xi32, #tpu.memory_space<vmem>> -> memref<1024xi32, #tpu.memory_space<vmem>>
    %dma_wait3A_273 = arith.constant 0 : i32
    %dma_wait3A_274 = tpu.memref_slice %arg3[%dma_wait3A_273] : memref<524288xi32, #tpu.memory_space<hbm>> -> memref<1024xi32, #tpu.memory_space<hbm>>
    %dma_wait3A_275 = arith.constant 0 : i32
    %dma_wait3A_276 = tpu.memref_slice %arg5[%dma_wait3A_275] : memref<16384xi32, #tpu.memory_space<vmem>> -> memref<1024xi32, #tpu.memory_space<vmem>>
    %dma_wait3A_277 = arith.constant 0 : i32
    %dma_wait3A_278 = tpu.memref_slice %arg3[%dma_wait3A_277] : memref<524288xi32, #tpu.memory_space<hbm>> -> memref<1024xi32, #tpu.memory_space<hbm>>
    tpu.wait_dma2 semaphore(%arg10 : memref<!tpu.dma_semaphore, #tpu.memory_space<semaphore_mem>>) src(%dma_wait3A_278 : memref<1024xi32, #tpu.memory_space<hbm>>) dst(%dma_wait3A_276 : memref<1024xi32, #tpu.memory_space<vmem>>)
    %dma_wait3A_279 = arith.constant 0 : i32
    %dma_wait3A_280 = tpu.memref_slice %arg5[%dma_wait3A_279] : memref<16384xi32, #tpu.memory_space<vmem>> -> memref<1024xi32, #tpu.memory_space<vmem>>
    %dma_wait3A_281 = arith.constant 0 : i32
    %dma_wait3A_282 = tpu.memref_slice %arg3[%dma_wait3A_281] : memref<524288xi32, #tpu.memory_space<hbm>> -> memref<1024xi32, #tpu.memory_space<hbm>>
    %dma_wait3A_283 = arith.constant 0 : i32
    %dma_wait3A_284 = tpu.memref_slice %arg5[%dma_wait3A_283] : memref<16384xi32, #tpu.memory_space<vmem>> -> memref<1024xi32, #tpu.memory_space<vmem>>
    %dma_wait3A_285 = arith.constant 0 : i32
    %dma_wait3A_286 = tpu.memref_slice %arg3[%dma_wait3A_285] : memref<524288xi32, #tpu.memory_space<hbm>> -> memref<1024xi32, #tpu.memory_space<hbm>>
    tpu.wait_dma2 semaphore(%arg10 : memref<!tpu.dma_semaphore, #tpu.memory_space<semaphore_mem>>) src(%dma_wait3A_286 : memref<1024xi32, #tpu.memory_space<hbm>>) dst(%dma_wait3A_284 : memref<1024xi32, #tpu.memory_space<vmem>>)
    %dma_wait3A_287 = arith.constant 0 : i32
    %dma_wait3A_288 = tpu.memref_slice %arg5[%dma_wait3A_287] : memref<16384xi32, #tpu.memory_space<vmem>> -> memref<1024xi32, #tpu.memory_space<vmem>>
    %dma_wait3A_289 = arith.constant 0 : i32
    %dma_wait3A_290 = tpu.memref_slice %arg3[%dma_wait3A_289] : memref<524288xi32, #tpu.memory_space<hbm>> -> memref<1024xi32, #tpu.memory_space<hbm>>
    %dma_wait3A_291 = arith.constant 0 : i32
    %dma_wait3A_292 = tpu.memref_slice %arg5[%dma_wait3A_291] : memref<16384xi32, #tpu.memory_space<vmem>> -> memref<1024xi32, #tpu.memory_space<vmem>>
    %dma_wait3A_293 = arith.constant 0 : i32
    %dma_wait3A_294 = tpu.memref_slice %arg3[%dma_wait3A_293] : memref<524288xi32, #tpu.memory_space<hbm>> -> memref<1024xi32, #tpu.memory_space<hbm>>
    tpu.wait_dma2 semaphore(%arg10 : memref<!tpu.dma_semaphore, #tpu.memory_space<semaphore_mem>>) src(%dma_wait3A_294 : memref<1024xi32, #tpu.memory_space<hbm>>) dst(%dma_wait3A_292 : memref<1024xi32, #tpu.memory_space<vmem>>)
    %dma_wait3A_295 = arith.constant 0 : i32
    %dma_wait3A_296 = tpu.memref_slice %arg5[%dma_wait3A_295] : memref<16384xi32, #tpu.memory_space<vmem>> -> memref<1024xi32, #tpu.memory_space<vmem>>
    %dma_wait3A_297 = arith.constant 0 : i32
    %dma_wait3A_298 = tpu.memref_slice %arg3[%dma_wait3A_297] : memref<524288xi32, #tpu.memory_space<hbm>> -> memref<1024xi32, #tpu.memory_space<hbm>>
    %dma_wait3A_299 = arith.constant 0 : i32
    %dma_wait3A_300 = tpu.memref_slice %arg5[%dma_wait3A_299] : memref<16384xi32, #tpu.memory_space<vmem>> -> memref<1024xi32, #tpu.memory_space<vmem>>
    %dma_wait3A_301 = arith.constant 0 : i32
    %dma_wait3A_302 = tpu.memref_slice %arg3[%dma_wait3A_301] : memref<524288xi32, #tpu.memory_space<hbm>> -> memref<1024xi32, #tpu.memory_space<hbm>>
    tpu.wait_dma2 semaphore(%arg10 : memref<!tpu.dma_semaphore, #tpu.memory_space<semaphore_mem>>) src(%dma_wait3A_302 : memref<1024xi32, #tpu.memory_space<hbm>>) dst(%dma_wait3A_300 : memref<1024xi32, #tpu.memory_space<vmem>>)
    %dma_wait3A_303 = arith.constant 0 : i32
    %dma_wait3A_304 = tpu.memref_slice %arg5[%dma_wait3A_303] : memref<16384xi32, #tpu.memory_space<vmem>> -> memref<1024xi32, #tpu.memory_space<vmem>>
    %dma_wait3A_305 = arith.constant 0 : i32
    %dma_wait3A_306 = tpu.memref_slice %arg3[%dma_wait3A_305] : memref<524288xi32, #tpu.memory_space<hbm>> -> memref<1024xi32, #tpu.memory_space<hbm>>
    %dma_wait3A_307 = arith.constant 0 : i32
    %dma_wait3A_308 = tpu.memref_slice %arg5[%dma_wait3A_307] : memref<16384xi32, #tpu.memory_space<vmem>> -> memref<1024xi32, #tpu.memory_space<vmem>>
    %dma_wait3A_309 = arith.constant 0 : i32
    %dma_wait3A_310 = tpu.memref_slice %arg3[%dma_wait3A_309] : memref<524288xi32, #tpu.memory_space<hbm>> -> memref<1024xi32, #tpu.memory_space<hbm>>
    tpu.wait_dma2 semaphore(%arg10 : memref<!tpu.dma_semaphore, #tpu.memory_space<semaphore_mem>>) src(%dma_wait3A_310 : memref<1024xi32, #tpu.memory_space<hbm>>) dst(%dma_wait3A_308 : memref<1024xi32, #tpu.memory_space<vmem>>)
    %dma_wait3A_311 = arith.constant 0 : i32
    %dma_wait3A_312 = tpu.memref_slice %arg5[%dma_wait3A_311] : memref<16384xi32, #tpu.memory_space<vmem>> -> memref<1024xi32, #tpu.memory_space<vmem>>
    %dma_wait3A_313 = arith.constant 0 : i32
    %dma_wait3A_314 = tpu.memref_slice %arg3[%dma_wait3A_313] : memref<524288xi32, #tpu.memory_space<hbm>> -> memref<1024xi32, #tpu.memory_space<hbm>>
    %dma_wait3A_315 = arith.constant 0 : i32
    %dma_wait3A_316 = tpu.memref_slice %arg5[%dma_wait3A_315] : memref<16384xi32, #tpu.memory_space<vmem>> -> memref<1024xi32, #tpu.memory_space<vmem>>
    %dma_wait3A_317 = arith.constant 0 : i32
    %dma_wait3A_318 = tpu.memref_slice %arg3[%dma_wait3A_317] : memref<524288xi32, #tpu.memory_space<hbm>> -> memref<1024xi32, #tpu.memory_space<hbm>>
    tpu.wait_dma2 semaphore(%arg10 : memref<!tpu.dma_semaphore, #tpu.memory_space<semaphore_mem>>) src(%dma_wait3A_318 : memref<1024xi32, #tpu.memory_space<hbm>>) dst(%dma_wait3A_316 : memref<1024xi32, #tpu.memory_space<vmem>>)
    %dma_wait3A_319 = arith.constant 0 : i32
    %dma_wait3A_320 = tpu.memref_slice %arg5[%dma_wait3A_319] : memref<16384xi32, #tpu.memory_space<vmem>> -> memref<1024xi32, #tpu.memory_space<vmem>>
    %dma_wait3A_321 = arith.constant 0 : i32
    %dma_wait3A_322 = tpu.memref_slice %arg3[%dma_wait3A_321] : memref<524288xi32, #tpu.memory_space<hbm>> -> memref<1024xi32, #tpu.memory_space<hbm>>
    %dma_wait3A_323 = arith.constant 0 : i32
    %dma_wait3A_324 = tpu.memref_slice %arg5[%dma_wait3A_323] : memref<16384xi32, #tpu.memory_space<vmem>> -> memref<1024xi32, #tpu.memory_space<vmem>>
    %dma_wait3A_325 = arith.constant 0 : i32
    %dma_wait3A_326 = tpu.memref_slice %arg3[%dma_wait3A_325] : memref<524288xi32, #tpu.memory_space<hbm>> -> memref<1024xi32, #tpu.memory_space<hbm>>
    tpu.wait_dma2 semaphore(%arg10 : memref<!tpu.dma_semaphore, #tpu.memory_space<semaphore_mem>>) src(%dma_wait3A_326 : memref<1024xi32, #tpu.memory_space<hbm>>) dst(%dma_wait3A_324 : memref<1024xi32, #tpu.memory_space<vmem>>)
    %dma_wait3A_327 = arith.constant 0 : i32
    %dma_wait3A_328 = tpu.memref_slice %arg5[%dma_wait3A_327] : memref<16384xi32, #tpu.memory_space<vmem>> -> memref<1024xi32, #tpu.memory_space<vmem>>
    %dma_wait3A_329 = arith.constant 0 : i32
    %dma_wait3A_330 = tpu.memref_slice %arg3[%dma_wait3A_329] : memref<524288xi32, #tpu.memory_space<hbm>> -> memref<1024xi32, #tpu.memory_space<hbm>>
    %dma_wait3A_331 = arith.constant 0 : i32
    %dma_wait3A_332 = tpu.memref_slice %arg5[%dma_wait3A_331] : memref<16384xi32, #tpu.memory_space<vmem>> -> memref<1024xi32, #tpu.memory_space<vmem>>
    %dma_wait3A_333 = arith.constant 0 : i32
    %dma_wait3A_334 = tpu.memref_slice %arg3[%dma_wait3A_333] : memref<524288xi32, #tpu.memory_space<hbm>> -> memref<1024xi32, #tpu.memory_space<hbm>>
    tpu.wait_dma2 semaphore(%arg10 : memref<!tpu.dma_semaphore, #tpu.memory_space<semaphore_mem>>) src(%dma_wait3A_334 : memref<1024xi32, #tpu.memory_space<hbm>>) dst(%dma_wait3A_332 : memref<1024xi32, #tpu.memory_space<vmem>>)
    %dma_wait3A_335 = arith.constant 0 : i32
    %dma_wait3A_336 = tpu.memref_slice %arg5[%dma_wait3A_335] : memref<16384xi32, #tpu.memory_space<vmem>> -> memref<1024xi32, #tpu.memory_space<vmem>>
    %dma_wait3A_337 = arith.constant 0 : i32
    %dma_wait3A_338 = tpu.memref_slice %arg3[%dma_wait3A_337] : memref<524288xi32, #tpu.memory_space<hbm>> -> memref<1024xi32, #tpu.memory_space<hbm>>
    %dma_wait3A_339 = arith.constant 0 : i32
    %dma_wait3A_340 = tpu.memref_slice %arg5[%dma_wait3A_339] : memref<16384xi32, #tpu.memory_space<vmem>> -> memref<1024xi32, #tpu.memory_space<vmem>>
    %dma_wait3A_341 = arith.constant 0 : i32
    %dma_wait3A_342 = tpu.memref_slice %arg3[%dma_wait3A_341] : memref<524288xi32, #tpu.memory_space<hbm>> -> memref<1024xi32, #tpu.memory_space<hbm>>
    tpu.wait_dma2 semaphore(%arg10 : memref<!tpu.dma_semaphore, #tpu.memory_space<semaphore_mem>>) src(%dma_wait3A_342 : memref<1024xi32, #tpu.memory_space<hbm>>) dst(%dma_wait3A_340 : memref<1024xi32, #tpu.memory_space<vmem>>)
    %dma_wait3A_343 = arith.constant 0 : i32
    %dma_wait3A_344 = tpu.memref_slice %arg5[%dma_wait3A_343] : memref<16384xi32, #tpu.memory_space<vmem>> -> memref<1024xi32, #tpu.memory_space<vmem>>
    %dma_wait3A_345 = arith.constant 0 : i32
    %dma_wait3A_346 = tpu.memref_slice %arg3[%dma_wait3A_345] : memref<524288xi32, #tpu.memory_space<hbm>> -> memref<1024xi32, #tpu.memory_space<hbm>>
    %dma_wait3A_347 = arith.constant 0 : i32
    %dma_wait3A_348 = tpu.memref_slice %arg5[%dma_wait3A_347] : memref<16384xi32, #tpu.memory_space<vmem>> -> memref<1024xi32, #tpu.memory_space<vmem>>
    %dma_wait3A_349 = arith.constant 0 : i32
    %dma_wait3A_350 = tpu.memref_slice %arg3[%dma_wait3A_349] : memref<524288xi32, #tpu.memory_space<hbm>> -> memref<1024xi32, #tpu.memory_space<hbm>>
    tpu.wait_dma2 semaphore(%arg10 : memref<!tpu.dma_semaphore, #tpu.memory_space<semaphore_mem>>) src(%dma_wait3A_350 : memref<1024xi32, #tpu.memory_space<hbm>>) dst(%dma_wait3A_348 : memref<1024xi32, #tpu.memory_space<vmem>>)
    %dma_wait3A_351 = arith.constant 0 : i32
    %dma_wait3A_352 = tpu.memref_slice %arg5[%dma_wait3A_351] : memref<16384xi32, #tpu.memory_space<vmem>> -> memref<1024xi32, #tpu.memory_space<vmem>>
    %dma_wait3A_353 = arith.constant 0 : i32
    %dma_wait3A_354 = tpu.memref_slice %arg3[%dma_wait3A_353] : memref<524288xi32, #tpu.memory_space<hbm>> -> memref<1024xi32, #tpu.memory_space<hbm>>
    %dma_wait3A_355 = arith.constant 0 : i32
    %dma_wait3A_356 = tpu.memref_slice %arg5[%dma_wait3A_355] : memref<16384xi32, #tpu.memory_space<vmem>> -> memref<1024xi32, #tpu.memory_space<vmem>>
    %dma_wait3A_357 = arith.constant 0 : i32
    %dma_wait3A_358 = tpu.memref_slice %arg3[%dma_wait3A_357] : memref<524288xi32, #tpu.memory_space<hbm>> -> memref<1024xi32, #tpu.memory_space<hbm>>
    tpu.wait_dma2 semaphore(%arg10 : memref<!tpu.dma_semaphore, #tpu.memory_space<semaphore_mem>>) src(%dma_wait3A_358 : memref<1024xi32, #tpu.memory_space<hbm>>) dst(%dma_wait3A_356 : memref<1024xi32, #tpu.memory_space<vmem>>)
    %dma_wait3A_359 = arith.constant 0 : i32
    %dma_wait3A_360 = tpu.memref_slice %arg5[%dma_wait3A_359] : memref<16384xi32, #tpu.memory_space<vmem>> -> memref<1024xi32, #tpu.memory_space<vmem>>
    %dma_wait3A_361 = arith.constant 0 : i32
    %dma_wait3A_362 = tpu.memref_slice %arg3[%dma_wait3A_361] : memref<524288xi32, #tpu.memory_space<hbm>> -> memref<1024xi32, #tpu.memory_space<hbm>>
    %dma_wait3A_363 = arith.constant 0 : i32
    %dma_wait3A_364 = tpu.memref_slice %arg5[%dma_wait3A_363] : memref<16384xi32, #tpu.memory_space<vmem>> -> memref<1024xi32, #tpu.memory_space<vmem>>
    %dma_wait3A_365 = arith.constant 0 : i32
    %dma_wait3A_366 = tpu.memref_slice %arg3[%dma_wait3A_365] : memref<524288xi32, #tpu.memory_space<hbm>> -> memref<1024xi32, #tpu.memory_space<hbm>>
    tpu.wait_dma2 semaphore(%arg10 : memref<!tpu.dma_semaphore, #tpu.memory_space<semaphore_mem>>) src(%dma_wait3A_366 : memref<1024xi32, #tpu.memory_space<hbm>>) dst(%dma_wait3A_364 : memref<1024xi32, #tpu.memory_space<vmem>>)
    %dma_wait3A_367 = arith.constant 0 : i32
    %dma_wait3A_368 = tpu.memref_slice %arg5[%dma_wait3A_367] : memref<16384xi32, #tpu.memory_space<vmem>> -> memref<1024xi32, #tpu.memory_space<vmem>>
    %dma_wait3A_369 = arith.constant 0 : i32
    %dma_wait3A_370 = tpu.memref_slice %arg3[%dma_wait3A_369] : memref<524288xi32, #tpu.memory_space<hbm>> -> memref<1024xi32, #tpu.memory_space<hbm>>
    %dma_wait3A_371 = arith.constant 0 : i32
    %dma_wait3A_372 = tpu.memref_slice %arg5[%dma_wait3A_371] : memref<16384xi32, #tpu.memory_space<vmem>> -> memref<1024xi32, #tpu.memory_space<vmem>>
    %dma_wait3A_373 = arith.constant 0 : i32
    %dma_wait3A_374 = tpu.memref_slice %arg3[%dma_wait3A_373] : memref<524288xi32, #tpu.memory_space<hbm>> -> memref<1024xi32, #tpu.memory_space<hbm>>
    tpu.wait_dma2 semaphore(%arg10 : memref<!tpu.dma_semaphore, #tpu.memory_space<semaphore_mem>>) src(%dma_wait3A_374 : memref<1024xi32, #tpu.memory_space<hbm>>) dst(%dma_wait3A_372 : memref<1024xi32, #tpu.memory_space<vmem>>)
    %dma_wait3A_375 = arith.constant 0 : i32
    %dma_wait3A_376 = tpu.memref_slice %arg5[%dma_wait3A_375] : memref<16384xi32, #tpu.memory_space<vmem>> -> memref<1024xi32, #tpu.memory_space<vmem>>
    %dma_wait3A_377 = arith.constant 0 : i32
    %dma_wait3A_378 = tpu.memref_slice %arg3[%dma_wait3A_377] : memref<524288xi32, #tpu.memory_space<hbm>> -> memref<1024xi32, #tpu.memory_space<hbm>>
    %dma_wait3A_379 = arith.constant 0 : i32
    %dma_wait3A_380 = tpu.memref_slice %arg5[%dma_wait3A_379] : memref<16384xi32, #tpu.memory_space<vmem>> -> memref<1024xi32, #tpu.memory_space<vmem>>
    %dma_wait3A_381 = arith.constant 0 : i32
    %dma_wait3A_382 = tpu.memref_slice %arg3[%dma_wait3A_381] : memref<524288xi32, #tpu.memory_space<hbm>> -> memref<1024xi32, #tpu.memory_space<hbm>>
    tpu.wait_dma2 semaphore(%arg10 : memref<!tpu.dma_semaphore, #tpu.memory_space<semaphore_mem>>) src(%dma_wait3A_382 : memref<1024xi32, #tpu.memory_space<hbm>>) dst(%dma_wait3A_380 : memref<1024xi32, #tpu.memory_space<vmem>>)
    %iota3A = tpu.iota {dimensions = array<i32: 0>} : vector<16xi32>
    %add3A_383 = arith.constant 0 : i32
    %add3A_384 = vector.broadcast %add3A_383 : i32 to vector<16xi32>
    %add3A_385 = arith.addi %iota3A, %add3A_384 : vector<16xi32>
    %and3A = arith.constant 31 : i32
    %and3A_386 = vector.broadcast %and3A : i32 to vector<16xi32>
    %and3A_387 = arith.andi %add3A_385, %and3A_386 : vector<16xi32>
    %add3A_388 = arith.constant 1 : i32
    %add3A_389 = vector.broadcast %add3A_388 : i32 to vector<16xi32>
    %add3A_390 = arith.addi %iota3A, %add3A_389 : vector<16xi32>
    %and3A_391 = arith.constant 31 : i32
    %and3A_392 = vector.broadcast %and3A_391 : i32 to vector<16xi32>
    %and3A_393 = arith.andi %add3A_390, %and3A_392 : vector<16xi32>
    %add3A_394 = arith.constant 2 : i32
    %add3A_395 = vector.broadcast %add3A_394 : i32 to vector<16xi32>
    %add3A_396 = arith.addi %iota3A, %add3A_395 : vector<16xi32>
    %and3A_397 = arith.constant 31 : i32
    %and3A_398 = vector.broadcast %and3A_397 : i32 to vector<16xi32>
    %and3A_399 = arith.andi %add3A_396, %and3A_398 : vector<16xi32>
    %add3A_400 = arith.constant 3 : i32
    %add3A_401 = vector.broadcast %add3A_400 : i32 to vector<16xi32>
    %add3A_402 = arith.addi %iota3A, %add3A_401 : vector<16xi32>
    %and3A_403 = arith.constant 31 : i32
    %and3A_404 = vector.broadcast %and3A_403 : i32 to vector<16xi32>
    %and3A_405 = arith.andi %add3A_402, %and3A_404 : vector<16xi32>
    %add3A_406 = arith.constant 4 : i32
    %add3A_407 = vector.broadcast %add3A_406 : i32 to vector<16xi32>
    %add3A_408 = arith.addi %iota3A, %add3A_407 : vector<16xi32>
    %and3A_409 = arith.constant 31 : i32
    %and3A_410 = vector.broadcast %and3A_409 : i32 to vector<16xi32>
    %and3A_411 = arith.andi %add3A_408, %and3A_410 : vector<16xi32>
    %add3A_412 = arith.constant 5 : i32
    %add3A_413 = vector.broadcast %add3A_412 : i32 to vector<16xi32>
    %add3A_414 = arith.addi %iota3A, %add3A_413 : vector<16xi32>
    %and3A_415 = arith.constant 31 : i32
    %and3A_416 = vector.broadcast %and3A_415 : i32 to vector<16xi32>
    %and3A_417 = arith.andi %add3A_414, %and3A_416 : vector<16xi32>
    %add3A_418 = arith.constant 6 : i32
    %add3A_419 = vector.broadcast %add3A_418 : i32 to vector<16xi32>
    %add3A_420 = arith.addi %iota3A, %add3A_419 : vector<16xi32>
    %and3A_421 = arith.constant 31 : i32
    %and3A_422 = vector.broadcast %and3A_421 : i32 to vector<16xi32>
    %and3A_423 = arith.andi %add3A_420, %and3A_422 : vector<16xi32>
    %add3A_424 = arith.constant 7 : i32
    %add3A_425 = vector.broadcast %add3A_424 : i32 to vector<16xi32>
    %add3A_426 = arith.addi %iota3A, %add3A_425 : vector<16xi32>
    %and3A_427 = arith.constant 31 : i32
    %and3A_428 = vector.broadcast %and3A_427 : i32 to vector<16xi32>
    %and3A_429 = arith.andi %add3A_426, %and3A_428 : vector<16xi32>
    %add3A_430 = arith.constant 8 : i32
    %add3A_431 = vector.broadcast %add3A_430 : i32 to vector<16xi32>
    %add3A_432 = arith.addi %iota3A, %add3A_431 : vector<16xi32>
    %and3A_433 = arith.constant 31 : i32
    %and3A_434 = vector.broadcast %and3A_433 : i32 to vector<16xi32>
    %and3A_435 = arith.andi %add3A_432, %and3A_434 : vector<16xi32>
    %add3A_436 = arith.constant 9 : i32
    %add3A_437 = vector.broadcast %add3A_436 : i32 to vector<16xi32>
    %add3A_438 = arith.addi %iota3A, %add3A_437 : vector<16xi32>
    %and3A_439 = arith.constant 31 : i32
    %and3A_440 = vector.broadcast %and3A_439 : i32 to vector<16xi32>
    %and3A_441 = arith.andi %add3A_438, %and3A_440 : vector<16xi32>
    %add3A_442 = arith.constant 10 : i32
    %add3A_443 = vector.broadcast %add3A_442 : i32 to vector<16xi32>
    %add3A_444 = arith.addi %iota3A, %add3A_443 : vector<16xi32>
    %and3A_445 = arith.constant 31 : i32
    %and3A_446 = vector.broadcast %and3A_445 : i32 to vector<16xi32>
    %and3A_447 = arith.andi %add3A_444, %and3A_446 : vector<16xi32>
    %add3A_448 = arith.constant 11 : i32
    %add3A_449 = vector.broadcast %add3A_448 : i32 to vector<16xi32>
    %add3A_450 = arith.addi %iota3A, %add3A_449 : vector<16xi32>
    %and3A_451 = arith.constant 31 : i32
    %and3A_452 = vector.broadcast %and3A_451 : i32 to vector<16xi32>
    %and3A_453 = arith.andi %add3A_450, %and3A_452 : vector<16xi32>
    %add3A_454 = arith.constant 12 : i32
    %add3A_455 = vector.broadcast %add3A_454 : i32 to vector<16xi32>
    %add3A_456 = arith.addi %iota3A, %add3A_455 : vector<16xi32>
    %and3A_457 = arith.constant 31 : i32
    %and3A_458 = vector.broadcast %and3A_457 : i32 to vector<16xi32>
    %and3A_459 = arith.andi %add3A_456, %and3A_458 : vector<16xi32>
    %add3A_460 = arith.constant 13 : i32
    %add3A_461 = vector.broadcast %add3A_460 : i32 to vector<16xi32>
    %add3A_462 = arith.addi %iota3A, %add3A_461 : vector<16xi32>
    %and3A_463 = arith.constant 31 : i32
    %and3A_464 = vector.broadcast %and3A_463 : i32 to vector<16xi32>
    %and3A_465 = arith.andi %add3A_462, %and3A_464 : vector<16xi32>
    %add3A_466 = arith.constant 14 : i32
    %add3A_467 = vector.broadcast %add3A_466 : i32 to vector<16xi32>
    %add3A_468 = arith.addi %iota3A, %add3A_467 : vector<16xi32>
    %and3A_469 = arith.constant 31 : i32
    %and3A_470 = vector.broadcast %and3A_469 : i32 to vector<16xi32>
    %and3A_471 = arith.andi %add3A_468, %and3A_470 : vector<16xi32>
    %add3A_472 = arith.constant 15 : i32
    %add3A_473 = vector.broadcast %add3A_472 : i32 to vector<16xi32>
    %add3A_474 = arith.addi %iota3A, %add3A_473 : vector<16xi32>
    %and3A_475 = arith.constant 31 : i32
    %and3A_476 = vector.broadcast %and3A_475 : i32 to vector<16xi32>
    %and3A_477 = arith.andi %add3A_474, %and3A_476 : vector<16xi32>
    %add3A_478 = arith.constant 16 : i32
    %add3A_479 = vector.broadcast %add3A_478 : i32 to vector<16xi32>
    %add3A_480 = arith.addi %iota3A, %add3A_479 : vector<16xi32>
    %and3A_481 = arith.constant 31 : i32
    %and3A_482 = vector.broadcast %and3A_481 : i32 to vector<16xi32>
    %and3A_483 = arith.andi %add3A_480, %and3A_482 : vector<16xi32>
    %add3A_484 = arith.constant 17 : i32
    %add3A_485 = vector.broadcast %add3A_484 : i32 to vector<16xi32>
    %add3A_486 = arith.addi %iota3A, %add3A_485 : vector<16xi32>
    %and3A_487 = arith.constant 31 : i32
    %and3A_488 = vector.broadcast %and3A_487 : i32 to vector<16xi32>
    %and3A_489 = arith.andi %add3A_486, %and3A_488 : vector<16xi32>
    %add3A_490 = arith.constant 18 : i32
    %add3A_491 = vector.broadcast %add3A_490 : i32 to vector<16xi32>
    %add3A_492 = arith.addi %iota3A, %add3A_491 : vector<16xi32>
    %and3A_493 = arith.constant 31 : i32
    %and3A_494 = vector.broadcast %and3A_493 : i32 to vector<16xi32>
    %and3A_495 = arith.andi %add3A_492, %and3A_494 : vector<16xi32>
    %add3A_496 = arith.constant 19 : i32
    %add3A_497 = vector.broadcast %add3A_496 : i32 to vector<16xi32>
    %add3A_498 = arith.addi %iota3A, %add3A_497 : vector<16xi32>
    %and3A_499 = arith.constant 31 : i32
    %and3A_500 = vector.broadcast %and3A_499 : i32 to vector<16xi32>
    %and3A_501 = arith.andi %add3A_498, %and3A_500 : vector<16xi32>
    %add3A_502 = arith.constant 20 : i32
    %add3A_503 = vector.broadcast %add3A_502 : i32 to vector<16xi32>
    %add3A_504 = arith.addi %iota3A, %add3A_503 : vector<16xi32>
    %and3A_505 = arith.constant 31 : i32
    %and3A_506 = vector.broadcast %and3A_505 : i32 to vector<16xi32>
    %and3A_507 = arith.andi %add3A_504, %and3A_506 : vector<16xi32>
    %add3A_508 = arith.constant 21 : i32
    %add3A_509 = vector.broadcast %add3A_508 : i32 to vector<16xi32>
    %add3A_510 = arith.addi %iota3A, %add3A_509 : vector<16xi32>
    %and3A_511 = arith.constant 31 : i32
    %and3A_512 = vector.broadcast %and3A_511 : i32 to vector<16xi32>
    %and3A_513 = arith.andi %add3A_510, %and3A_512 : vector<16xi32>
    %add3A_514 = arith.constant 22 : i32
    %add3A_515 = vector.broadcast %add3A_514 : i32 to vector<16xi32>
    %add3A_516 = arith.addi %iota3A, %add3A_515 : vector<16xi32>
    %and3A_517 = arith.constant 31 : i32
    %and3A_518 = vector.broadcast %and3A_517 : i32 to vector<16xi32>
    %and3A_519 = arith.andi %add3A_516, %and3A_518 : vector<16xi32>
    %add3A_520 = arith.constant 23 : i32
    %add3A_521 = vector.broadcast %add3A_520 : i32 to vector<16xi32>
    %add3A_522 = arith.addi %iota3A, %add3A_521 : vector<16xi32>
    %and3A_523 = arith.constant 31 : i32
    %and3A_524 = vector.broadcast %and3A_523 : i32 to vector<16xi32>
    %and3A_525 = arith.andi %add3A_522, %and3A_524 : vector<16xi32>
    %add3A_526 = arith.constant 24 : i32
    %add3A_527 = vector.broadcast %add3A_526 : i32 to vector<16xi32>
    %add3A_528 = arith.addi %iota3A, %add3A_527 : vector<16xi32>
    %and3A_529 = arith.constant 31 : i32
    %and3A_530 = vector.broadcast %and3A_529 : i32 to vector<16xi32>
    %and3A_531 = arith.andi %add3A_528, %and3A_530 : vector<16xi32>
    %add3A_532 = arith.constant 25 : i32
    %add3A_533 = vector.broadcast %add3A_532 : i32 to vector<16xi32>
    %add3A_534 = arith.addi %iota3A, %add3A_533 : vector<16xi32>
    %and3A_535 = arith.constant 31 : i32
    %and3A_536 = vector.broadcast %and3A_535 : i32 to vector<16xi32>
    %and3A_537 = arith.andi %add3A_534, %and3A_536 : vector<16xi32>
    %add3A_538 = arith.constant 26 : i32
    %add3A_539 = vector.broadcast %add3A_538 : i32 to vector<16xi32>
    %add3A_540 = arith.addi %iota3A, %add3A_539 : vector<16xi32>
    %and3A_541 = arith.constant 31 : i32
    %and3A_542 = vector.broadcast %and3A_541 : i32 to vector<16xi32>
    %and3A_543 = arith.andi %add3A_540, %and3A_542 : vector<16xi32>
    %add3A_544 = arith.constant 27 : i32
    %add3A_545 = vector.broadcast %add3A_544 : i32 to vector<16xi32>
    %add3A_546 = arith.addi %iota3A, %add3A_545 : vector<16xi32>
    %and3A_547 = arith.constant 31 : i32
    %and3A_548 = vector.broadcast %and3A_547 : i32 to vector<16xi32>
    %and3A_549 = arith.andi %add3A_546, %and3A_548 : vector<16xi32>
    %add3A_550 = arith.constant 28 : i32
    %add3A_551 = vector.broadcast %add3A_550 : i32 to vector<16xi32>
    %add3A_552 = arith.addi %iota3A, %add3A_551 : vector<16xi32>
    %and3A_553 = arith.constant 31 : i32
    %and3A_554 = vector.broadcast %and3A_553 : i32 to vector<16xi32>
    %and3A_555 = arith.andi %add3A_552, %and3A_554 : vector<16xi32>
    %add3A_556 = arith.constant 29 : i32
    %add3A_557 = vector.broadcast %add3A_556 : i32 to vector<16xi32>
    %add3A_558 = arith.addi %iota3A, %add3A_557 : vector<16xi32>
    %and3A_559 = arith.constant 31 : i32
    %and3A_560 = vector.broadcast %and3A_559 : i32 to vector<16xi32>
    %and3A_561 = arith.andi %add3A_558, %and3A_560 : vector<16xi32>
    %add3A_562 = arith.constant 30 : i32
    %add3A_563 = vector.broadcast %add3A_562 : i32 to vector<16xi32>
    %add3A_564 = arith.addi %iota3A, %add3A_563 : vector<16xi32>
    %and3A_565 = arith.constant 31 : i32
    %and3A_566 = vector.broadcast %and3A_565 : i32 to vector<16xi32>
    %and3A_567 = arith.andi %add3A_564, %and3A_566 : vector<16xi32>
    %add3A_568 = arith.constant 31 : i32
    %add3A_569 = vector.broadcast %add3A_568 : i32 to vector<16xi32>
    %add3A_570 = arith.addi %iota3A, %add3A_569 : vector<16xi32>
    %and3A_571 = arith.constant 31 : i32
    %and3A_572 = vector.broadcast %and3A_571 : i32 to vector<16xi32>
    %and3A_573 = arith.andi %add3A_570, %and3A_572 : vector<16xi32>
    %shift_right_logical3A = arith.constant 3 : i32
    %shift_right_logical3A_574 = vector.broadcast %shift_right_logical3A : i32 to vector<16xi32>
    %shift_right_logical3A_575 = arith.shrui %and3A_387, %shift_right_logical3A_574 : vector<16xi32>
    %mul3A_576 = arith.constant 1024 : i32
    %mul3A_577 = vector.broadcast %mul3A_576 : i32 to vector<16xi32>
    %mul3A_578 = arith.muli %shift_right_logical3A_575, %mul3A_577 : vector<16xi32>
    %and3A_579 = arith.constant 7 : i32
    %and3A_580 = vector.broadcast %and3A_579 : i32 to vector<16xi32>
    %and3A_581 = arith.andi %and3A_387, %and3A_580 : vector<16xi32>
    %mul3A_582 = arith.constant 128 : i32
    %mul3A_583 = vector.broadcast %mul3A_582 : i32 to vector<16xi32>
    %mul3A_584 = arith.muli %and3A_581, %mul3A_583 : vector<16xi32>
    %add3A_585 = arith.addi %mul3A_578, %mul3A_584 : vector<16xi32>
    %add3A_586 = arith.addi %add3A_585, %iota3A : vector<16xi32>
    %shift_right_logical3A_587 = arith.constant 3 : i32
    %shift_right_logical3A_588 = vector.broadcast %shift_right_logical3A_587 : i32 to vector<16xi32>
    %shift_right_logical3A_589 = arith.shrui %and3A_393, %shift_right_logical3A_588 : vector<16xi32>
    %mul3A_590 = arith.constant 1024 : i32
    %mul3A_591 = vector.broadcast %mul3A_590 : i32 to vector<16xi32>
    %mul3A_592 = arith.muli %shift_right_logical3A_589, %mul3A_591 : vector<16xi32>
    %and3A_593 = arith.constant 7 : i32
    %and3A_594 = vector.broadcast %and3A_593 : i32 to vector<16xi32>
    %and3A_595 = arith.andi %and3A_393, %and3A_594 : vector<16xi32>
    %mul3A_596 = arith.constant 128 : i32
    %mul3A_597 = vector.broadcast %mul3A_596 : i32 to vector<16xi32>
    %mul3A_598 = arith.muli %and3A_595, %mul3A_597 : vector<16xi32>
    %add3A_599 = arith.addi %mul3A_592, %mul3A_598 : vector<16xi32>
    %add3A_600 = arith.addi %add3A_599, %iota3A : vector<16xi32>
    %shift_right_logical3A_601 = arith.constant 3 : i32
    %shift_right_logical3A_602 = vector.broadcast %shift_right_logical3A_601 : i32 to vector<16xi32>
    %shift_right_logical3A_603 = arith.shrui %and3A_399, %shift_right_logical3A_602 : vector<16xi32>
    %mul3A_604 = arith.constant 1024 : i32
    %mul3A_605 = vector.broadcast %mul3A_604 : i32 to vector<16xi32>
    %mul3A_606 = arith.muli %shift_right_logical3A_603, %mul3A_605 : vector<16xi32>
    %and3A_607 = arith.constant 7 : i32
    %and3A_608 = vector.broadcast %and3A_607 : i32 to vector<16xi32>
    %and3A_609 = arith.andi %and3A_399, %and3A_608 : vector<16xi32>
    %mul3A_610 = arith.constant 128 : i32
    %mul3A_611 = vector.broadcast %mul3A_610 : i32 to vector<16xi32>
    %mul3A_612 = arith.muli %and3A_609, %mul3A_611 : vector<16xi32>
    %add3A_613 = arith.addi %mul3A_606, %mul3A_612 : vector<16xi32>
    %add3A_614 = arith.addi %add3A_613, %iota3A : vector<16xi32>
    %shift_right_logical3A_615 = arith.constant 3 : i32
    %shift_right_logical3A_616 = vector.broadcast %shift_right_logical3A_615 : i32 to vector<16xi32>
    %shift_right_logical3A_617 = arith.shrui %and3A_405, %shift_right_logical3A_616 : vector<16xi32>
    %mul3A_618 = arith.constant 1024 : i32
    %mul3A_619 = vector.broadcast %mul3A_618 : i32 to vector<16xi32>
    %mul3A_620 = arith.muli %shift_right_logical3A_617, %mul3A_619 : vector<16xi32>
    %and3A_621 = arith.constant 7 : i32
    %and3A_622 = vector.broadcast %and3A_621 : i32 to vector<16xi32>
    %and3A_623 = arith.andi %and3A_405, %and3A_622 : vector<16xi32>
    %mul3A_624 = arith.constant 128 : i32
    %mul3A_625 = vector.broadcast %mul3A_624 : i32 to vector<16xi32>
    %mul3A_626 = arith.muli %and3A_623, %mul3A_625 : vector<16xi32>
    %add3A_627 = arith.addi %mul3A_620, %mul3A_626 : vector<16xi32>
    %add3A_628 = arith.addi %add3A_627, %iota3A : vector<16xi32>
    %shift_right_logical3A_629 = arith.constant 3 : i32
    %shift_right_logical3A_630 = vector.broadcast %shift_right_logical3A_629 : i32 to vector<16xi32>
    %shift_right_logical3A_631 = arith.shrui %and3A_411, %shift_right_logical3A_630 : vector<16xi32>
    %mul3A_632 = arith.constant 1024 : i32
    %mul3A_633 = vector.broadcast %mul3A_632 : i32 to vector<16xi32>
    %mul3A_634 = arith.muli %shift_right_logical3A_631, %mul3A_633 : vector<16xi32>
    %and3A_635 = arith.constant 7 : i32
    %and3A_636 = vector.broadcast %and3A_635 : i32 to vector<16xi32>
    %and3A_637 = arith.andi %and3A_411, %and3A_636 : vector<16xi32>
    %mul3A_638 = arith.constant 128 : i32
    %mul3A_639 = vector.broadcast %mul3A_638 : i32 to vector<16xi32>
    %mul3A_640 = arith.muli %and3A_637, %mul3A_639 : vector<16xi32>
    %add3A_641 = arith.addi %mul3A_634, %mul3A_640 : vector<16xi32>
    %add3A_642 = arith.addi %add3A_641, %iota3A : vector<16xi32>
    %shift_right_logical3A_643 = arith.constant 3 : i32
    %shift_right_logical3A_644 = vector.broadcast %shift_right_logical3A_643 : i32 to vector<16xi32>
    %shift_right_logical3A_645 = arith.shrui %and3A_417, %shift_right_logical3A_644 : vector<16xi32>
    %mul3A_646 = arith.constant 1024 : i32
    %mul3A_647 = vector.broadcast %mul3A_646 : i32 to vector<16xi32>
    %mul3A_648 = arith.muli %shift_right_logical3A_645, %mul3A_647 : vector<16xi32>
    %and3A_649 = arith.constant 7 : i32
    %and3A_650 = vector.broadcast %and3A_649 : i32 to vector<16xi32>
    %and3A_651 = arith.andi %and3A_417, %and3A_650 : vector<16xi32>
    %mul3A_652 = arith.constant 128 : i32
    %mul3A_653 = vector.broadcast %mul3A_652 : i32 to vector<16xi32>
    %mul3A_654 = arith.muli %and3A_651, %mul3A_653 : vector<16xi32>
    %add3A_655 = arith.addi %mul3A_648, %mul3A_654 : vector<16xi32>
    %add3A_656 = arith.addi %add3A_655, %iota3A : vector<16xi32>
    %shift_right_logical3A_657 = arith.constant 3 : i32
    %shift_right_logical3A_658 = vector.broadcast %shift_right_logical3A_657 : i32 to vector<16xi32>
    %shift_right_logical3A_659 = arith.shrui %and3A_423, %shift_right_logical3A_658 : vector<16xi32>
    %mul3A_660 = arith.constant 1024 : i32
    %mul3A_661 = vector.broadcast %mul3A_660 : i32 to vector<16xi32>
    %mul3A_662 = arith.muli %shift_right_logical3A_659, %mul3A_661 : vector<16xi32>
    %and3A_663 = arith.constant 7 : i32
    %and3A_664 = vector.broadcast %and3A_663 : i32 to vector<16xi32>
    %and3A_665 = arith.andi %and3A_423, %and3A_664 : vector<16xi32>
    %mul3A_666 = arith.constant 128 : i32
    %mul3A_667 = vector.broadcast %mul3A_666 : i32 to vector<16xi32>
    %mul3A_668 = arith.muli %and3A_665, %mul3A_667 : vector<16xi32>
    %add3A_669 = arith.addi %mul3A_662, %mul3A_668 : vector<16xi32>
    %add3A_670 = arith.addi %add3A_669, %iota3A : vector<16xi32>
    %shift_right_logical3A_671 = arith.constant 3 : i32
    %shift_right_logical3A_672 = vector.broadcast %shift_right_logical3A_671 : i32 to vector<16xi32>
    %shift_right_logical3A_673 = arith.shrui %and3A_429, %shift_right_logical3A_672 : vector<16xi32>
    %mul3A_674 = arith.constant 1024 : i32
    %mul3A_675 = vector.broadcast %mul3A_674 : i32 to vector<16xi32>
    %mul3A_676 = arith.muli %shift_right_logical3A_673, %mul3A_675 : vector<16xi32>
    %and3A_677 = arith.constant 7 : i32
    %and3A_678 = vector.broadcast %and3A_677 : i32 to vector<16xi32>
    %and3A_679 = arith.andi %and3A_429, %and3A_678 : vector<16xi32>
    %mul3A_680 = arith.constant 128 : i32
    %mul3A_681 = vector.broadcast %mul3A_680 : i32 to vector<16xi32>
    %mul3A_682 = arith.muli %and3A_679, %mul3A_681 : vector<16xi32>
    %add3A_683 = arith.addi %mul3A_676, %mul3A_682 : vector<16xi32>
    %add3A_684 = arith.addi %add3A_683, %iota3A : vector<16xi32>
    %shift_right_logical3A_685 = arith.constant 3 : i32
    %shift_right_logical3A_686 = vector.broadcast %shift_right_logical3A_685 : i32 to vector<16xi32>
    %shift_right_logical3A_687 = arith.shrui %and3A_435, %shift_right_logical3A_686 : vector<16xi32>
    %mul3A_688 = arith.constant 1024 : i32
    %mul3A_689 = vector.broadcast %mul3A_688 : i32 to vector<16xi32>
    %mul3A_690 = arith.muli %shift_right_logical3A_687, %mul3A_689 : vector<16xi32>
    %and3A_691 = arith.constant 7 : i32
    %and3A_692 = vector.broadcast %and3A_691 : i32 to vector<16xi32>
    %and3A_693 = arith.andi %and3A_435, %and3A_692 : vector<16xi32>
    %mul3A_694 = arith.constant 128 : i32
    %mul3A_695 = vector.broadcast %mul3A_694 : i32 to vector<16xi32>
    %mul3A_696 = arith.muli %and3A_693, %mul3A_695 : vector<16xi32>
    %add3A_697 = arith.addi %mul3A_690, %mul3A_696 : vector<16xi32>
    %add3A_698 = arith.addi %add3A_697, %iota3A : vector<16xi32>
    %shift_right_logical3A_699 = arith.constant 3 : i32
    %shift_right_logical3A_700 = vector.broadcast %shift_right_logical3A_699 : i32 to vector<16xi32>
    %shift_right_logical3A_701 = arith.shrui %and3A_441, %shift_right_logical3A_700 : vector<16xi32>
    %mul3A_702 = arith.constant 1024 : i32
    %mul3A_703 = vector.broadcast %mul3A_702 : i32 to vector<16xi32>
    %mul3A_704 = arith.muli %shift_right_logical3A_701, %mul3A_703 : vector<16xi32>
    %and3A_705 = arith.constant 7 : i32
    %and3A_706 = vector.broadcast %and3A_705 : i32 to vector<16xi32>
    %and3A_707 = arith.andi %and3A_441, %and3A_706 : vector<16xi32>
    %mul3A_708 = arith.constant 128 : i32
    %mul3A_709 = vector.broadcast %mul3A_708 : i32 to vector<16xi32>
    %mul3A_710 = arith.muli %and3A_707, %mul3A_709 : vector<16xi32>
    %add3A_711 = arith.addi %mul3A_704, %mul3A_710 : vector<16xi32>
    %add3A_712 = arith.addi %add3A_711, %iota3A : vector<16xi32>
    %shift_right_logical3A_713 = arith.constant 3 : i32
    %shift_right_logical3A_714 = vector.broadcast %shift_right_logical3A_713 : i32 to vector<16xi32>
    %shift_right_logical3A_715 = arith.shrui %and3A_447, %shift_right_logical3A_714 : vector<16xi32>
    %mul3A_716 = arith.constant 1024 : i32
    %mul3A_717 = vector.broadcast %mul3A_716 : i32 to vector<16xi32>
    %mul3A_718 = arith.muli %shift_right_logical3A_715, %mul3A_717 : vector<16xi32>
    %and3A_719 = arith.constant 7 : i32
    %and3A_720 = vector.broadcast %and3A_719 : i32 to vector<16xi32>
    %and3A_721 = arith.andi %and3A_447, %and3A_720 : vector<16xi32>
    %mul3A_722 = arith.constant 128 : i32
    %mul3A_723 = vector.broadcast %mul3A_722 : i32 to vector<16xi32>
    %mul3A_724 = arith.muli %and3A_721, %mul3A_723 : vector<16xi32>
    %add3A_725 = arith.addi %mul3A_718, %mul3A_724 : vector<16xi32>
    %add3A_726 = arith.addi %add3A_725, %iota3A : vector<16xi32>
    %shift_right_logical3A_727 = arith.constant 3 : i32
    %shift_right_logical3A_728 = vector.broadcast %shift_right_logical3A_727 : i32 to vector<16xi32>
    %shift_right_logical3A_729 = arith.shrui %and3A_453, %shift_right_logical3A_728 : vector<16xi32>
    %mul3A_730 = arith.constant 1024 : i32
    %mul3A_731 = vector.broadcast %mul3A_730 : i32 to vector<16xi32>
    %mul3A_732 = arith.muli %shift_right_logical3A_729, %mul3A_731 : vector<16xi32>
    %and3A_733 = arith.constant 7 : i32
    %and3A_734 = vector.broadcast %and3A_733 : i32 to vector<16xi32>
    %and3A_735 = arith.andi %and3A_453, %and3A_734 : vector<16xi32>
    %mul3A_736 = arith.constant 128 : i32
    %mul3A_737 = vector.broadcast %mul3A_736 : i32 to vector<16xi32>
    %mul3A_738 = arith.muli %and3A_735, %mul3A_737 : vector<16xi32>
    %add3A_739 = arith.addi %mul3A_732, %mul3A_738 : vector<16xi32>
    %add3A_740 = arith.addi %add3A_739, %iota3A : vector<16xi32>
    %shift_right_logical3A_741 = arith.constant 3 : i32
    %shift_right_logical3A_742 = vector.broadcast %shift_right_logical3A_741 : i32 to vector<16xi32>
    %shift_right_logical3A_743 = arith.shrui %and3A_459, %shift_right_logical3A_742 : vector<16xi32>
    %mul3A_744 = arith.constant 1024 : i32
    %mul3A_745 = vector.broadcast %mul3A_744 : i32 to vector<16xi32>
    %mul3A_746 = arith.muli %shift_right_logical3A_743, %mul3A_745 : vector<16xi32>
    %and3A_747 = arith.constant 7 : i32
    %and3A_748 = vector.broadcast %and3A_747 : i32 to vector<16xi32>
    %and3A_749 = arith.andi %and3A_459, %and3A_748 : vector<16xi32>
    %mul3A_750 = arith.constant 128 : i32
    %mul3A_751 = vector.broadcast %mul3A_750 : i32 to vector<16xi32>
    %mul3A_752 = arith.muli %and3A_749, %mul3A_751 : vector<16xi32>
    %add3A_753 = arith.addi %mul3A_746, %mul3A_752 : vector<16xi32>
    %add3A_754 = arith.addi %add3A_753, %iota3A : vector<16xi32>
    %shift_right_logical3A_755 = arith.constant 3 : i32
    %shift_right_logical3A_756 = vector.broadcast %shift_right_logical3A_755 : i32 to vector<16xi32>
    %shift_right_logical3A_757 = arith.shrui %and3A_465, %shift_right_logical3A_756 : vector<16xi32>
    %mul3A_758 = arith.constant 1024 : i32
    %mul3A_759 = vector.broadcast %mul3A_758 : i32 to vector<16xi32>
    %mul3A_760 = arith.muli %shift_right_logical3A_757, %mul3A_759 : vector<16xi32>
    %and3A_761 = arith.constant 7 : i32
    %and3A_762 = vector.broadcast %and3A_761 : i32 to vector<16xi32>
    %and3A_763 = arith.andi %and3A_465, %and3A_762 : vector<16xi32>
    %mul3A_764 = arith.constant 128 : i32
    %mul3A_765 = vector.broadcast %mul3A_764 : i32 to vector<16xi32>
    %mul3A_766 = arith.muli %and3A_763, %mul3A_765 : vector<16xi32>
    %add3A_767 = arith.addi %mul3A_760, %mul3A_766 : vector<16xi32>
    %add3A_768 = arith.addi %add3A_767, %iota3A : vector<16xi32>
    %shift_right_logical3A_769 = arith.constant 3 : i32
    %shift_right_logical3A_770 = vector.broadcast %shift_right_logical3A_769 : i32 to vector<16xi32>
    %shift_right_logical3A_771 = arith.shrui %and3A_471, %shift_right_logical3A_770 : vector<16xi32>
    %mul3A_772 = arith.constant 1024 : i32
    %mul3A_773 = vector.broadcast %mul3A_772 : i32 to vector<16xi32>
    %mul3A_774 = arith.muli %shift_right_logical3A_771, %mul3A_773 : vector<16xi32>
    %and3A_775 = arith.constant 7 : i32
    %and3A_776 = vector.broadcast %and3A_775 : i32 to vector<16xi32>
    %and3A_777 = arith.andi %and3A_471, %and3A_776 : vector<16xi32>
    %mul3A_778 = arith.constant 128 : i32
    %mul3A_779 = vector.broadcast %mul3A_778 : i32 to vector<16xi32>
    %mul3A_780 = arith.muli %and3A_777, %mul3A_779 : vector<16xi32>
    %add3A_781 = arith.addi %mul3A_774, %mul3A_780 : vector<16xi32>
    %add3A_782 = arith.addi %add3A_781, %iota3A : vector<16xi32>
    %shift_right_logical3A_783 = arith.constant 3 : i32
    %shift_right_logical3A_784 = vector.broadcast %shift_right_logical3A_783 : i32 to vector<16xi32>
    %shift_right_logical3A_785 = arith.shrui %and3A_477, %shift_right_logical3A_784 : vector<16xi32>
    %mul3A_786 = arith.constant 1024 : i32
    %mul3A_787 = vector.broadcast %mul3A_786 : i32 to vector<16xi32>
    %mul3A_788 = arith.muli %shift_right_logical3A_785, %mul3A_787 : vector<16xi32>
    %and3A_789 = arith.constant 7 : i32
    %and3A_790 = vector.broadcast %and3A_789 : i32 to vector<16xi32>
    %and3A_791 = arith.andi %and3A_477, %and3A_790 : vector<16xi32>
    %mul3A_792 = arith.constant 128 : i32
    %mul3A_793 = vector.broadcast %mul3A_792 : i32 to vector<16xi32>
    %mul3A_794 = arith.muli %and3A_791, %mul3A_793 : vector<16xi32>
    %add3A_795 = arith.addi %mul3A_788, %mul3A_794 : vector<16xi32>
    %add3A_796 = arith.addi %add3A_795, %iota3A : vector<16xi32>
    %shift_right_logical3A_797 = arith.constant 3 : i32
    %shift_right_logical3A_798 = vector.broadcast %shift_right_logical3A_797 : i32 to vector<16xi32>
    %shift_right_logical3A_799 = arith.shrui %and3A_483, %shift_right_logical3A_798 : vector<16xi32>
    %mul3A_800 = arith.constant 1024 : i32
    %mul3A_801 = vector.broadcast %mul3A_800 : i32 to vector<16xi32>
    %mul3A_802 = arith.muli %shift_right_logical3A_799, %mul3A_801 : vector<16xi32>
    %and3A_803 = arith.constant 7 : i32
    %and3A_804 = vector.broadcast %and3A_803 : i32 to vector<16xi32>
    %and3A_805 = arith.andi %and3A_483, %and3A_804 : vector<16xi32>
    %mul3A_806 = arith.constant 128 : i32
    %mul3A_807 = vector.broadcast %mul3A_806 : i32 to vector<16xi32>
    %mul3A_808 = arith.muli %and3A_805, %mul3A_807 : vector<16xi32>
    %add3A_809 = arith.addi %mul3A_802, %mul3A_808 : vector<16xi32>
    %add3A_810 = arith.addi %add3A_809, %iota3A : vector<16xi32>
    %shift_right_logical3A_811 = arith.constant 3 : i32
    %shift_right_logical3A_812 = vector.broadcast %shift_right_logical3A_811 : i32 to vector<16xi32>
    %shift_right_logical3A_813 = arith.shrui %and3A_489, %shift_right_logical3A_812 : vector<16xi32>
    %mul3A_814 = arith.constant 1024 : i32
    %mul3A_815 = vector.broadcast %mul3A_814 : i32 to vector<16xi32>
    %mul3A_816 = arith.muli %shift_right_logical3A_813, %mul3A_815 : vector<16xi32>
    %and3A_817 = arith.constant 7 : i32
    %and3A_818 = vector.broadcast %and3A_817 : i32 to vector<16xi32>
    %and3A_819 = arith.andi %and3A_489, %and3A_818 : vector<16xi32>
    %mul3A_820 = arith.constant 128 : i32
    %mul3A_821 = vector.broadcast %mul3A_820 : i32 to vector<16xi32>
    %mul3A_822 = arith.muli %and3A_819, %mul3A_821 : vector<16xi32>
    %add3A_823 = arith.addi %mul3A_816, %mul3A_822 : vector<16xi32>
    %add3A_824 = arith.addi %add3A_823, %iota3A : vector<16xi32>
    %shift_right_logical3A_825 = arith.constant 3 : i32
    %shift_right_logical3A_826 = vector.broadcast %shift_right_logical3A_825 : i32 to vector<16xi32>
    %shift_right_logical3A_827 = arith.shrui %and3A_495, %shift_right_logical3A_826 : vector<16xi32>
    %mul3A_828 = arith.constant 1024 : i32
    %mul3A_829 = vector.broadcast %mul3A_828 : i32 to vector<16xi32>
    %mul3A_830 = arith.muli %shift_right_logical3A_827, %mul3A_829 : vector<16xi32>
    %and3A_831 = arith.constant 7 : i32
    %and3A_832 = vector.broadcast %and3A_831 : i32 to vector<16xi32>
    %and3A_833 = arith.andi %and3A_495, %and3A_832 : vector<16xi32>
    %mul3A_834 = arith.constant 128 : i32
    %mul3A_835 = vector.broadcast %mul3A_834 : i32 to vector<16xi32>
    %mul3A_836 = arith.muli %and3A_833, %mul3A_835 : vector<16xi32>
    %add3A_837 = arith.addi %mul3A_830, %mul3A_836 : vector<16xi32>
    %add3A_838 = arith.addi %add3A_837, %iota3A : vector<16xi32>
    %shift_right_logical3A_839 = arith.constant 3 : i32
    %shift_right_logical3A_840 = vector.broadcast %shift_right_logical3A_839 : i32 to vector<16xi32>
    %shift_right_logical3A_841 = arith.shrui %and3A_501, %shift_right_logical3A_840 : vector<16xi32>
    %mul3A_842 = arith.constant 1024 : i32
    %mul3A_843 = vector.broadcast %mul3A_842 : i32 to vector<16xi32>
    %mul3A_844 = arith.muli %shift_right_logical3A_841, %mul3A_843 : vector<16xi32>
    %and3A_845 = arith.constant 7 : i32
    %and3A_846 = vector.broadcast %and3A_845 : i32 to vector<16xi32>
    %and3A_847 = arith.andi %and3A_501, %and3A_846 : vector<16xi32>
    %mul3A_848 = arith.constant 128 : i32
    %mul3A_849 = vector.broadcast %mul3A_848 : i32 to vector<16xi32>
    %mul3A_850 = arith.muli %and3A_847, %mul3A_849 : vector<16xi32>
    %add3A_851 = arith.addi %mul3A_844, %mul3A_850 : vector<16xi32>
    %add3A_852 = arith.addi %add3A_851, %iota3A : vector<16xi32>
    %shift_right_logical3A_853 = arith.constant 3 : i32
    %shift_right_logical3A_854 = vector.broadcast %shift_right_logical3A_853 : i32 to vector<16xi32>
    %shift_right_logical3A_855 = arith.shrui %and3A_507, %shift_right_logical3A_854 : vector<16xi32>
    %mul3A_856 = arith.constant 1024 : i32
    %mul3A_857 = vector.broadcast %mul3A_856 : i32 to vector<16xi32>
    %mul3A_858 = arith.muli %shift_right_logical3A_855, %mul3A_857 : vector<16xi32>
    %and3A_859 = arith.constant 7 : i32
    %and3A_860 = vector.broadcast %and3A_859 : i32 to vector<16xi32>
    %and3A_861 = arith.andi %and3A_507, %and3A_860 : vector<16xi32>
    %mul3A_862 = arith.constant 128 : i32
    %mul3A_863 = vector.broadcast %mul3A_862 : i32 to vector<16xi32>
    %mul3A_864 = arith.muli %and3A_861, %mul3A_863 : vector<16xi32>
    %add3A_865 = arith.addi %mul3A_858, %mul3A_864 : vector<16xi32>
    %add3A_866 = arith.addi %add3A_865, %iota3A : vector<16xi32>
    %shift_right_logical3A_867 = arith.constant 3 : i32
    %shift_right_logical3A_868 = vector.broadcast %shift_right_logical3A_867 : i32 to vector<16xi32>
    %shift_right_logical3A_869 = arith.shrui %and3A_513, %shift_right_logical3A_868 : vector<16xi32>
    %mul3A_870 = arith.constant 1024 : i32
    %mul3A_871 = vector.broadcast %mul3A_870 : i32 to vector<16xi32>
    %mul3A_872 = arith.muli %shift_right_logical3A_869, %mul3A_871 : vector<16xi32>
    %and3A_873 = arith.constant 7 : i32
    %and3A_874 = vector.broadcast %and3A_873 : i32 to vector<16xi32>
    %and3A_875 = arith.andi %and3A_513, %and3A_874 : vector<16xi32>
    %mul3A_876 = arith.constant 128 : i32
    %mul3A_877 = vector.broadcast %mul3A_876 : i32 to vector<16xi32>
    %mul3A_878 = arith.muli %and3A_875, %mul3A_877 : vector<16xi32>
    %add3A_879 = arith.addi %mul3A_872, %mul3A_878 : vector<16xi32>
    %add3A_880 = arith.addi %add3A_879, %iota3A : vector<16xi32>
    %shift_right_logical3A_881 = arith.constant 3 : i32
    %shift_right_logical3A_882 = vector.broadcast %shift_right_logical3A_881 : i32 to vector<16xi32>
    %shift_right_logical3A_883 = arith.shrui %and3A_519, %shift_right_logical3A_882 : vector<16xi32>
    %mul3A_884 = arith.constant 1024 : i32
    %mul3A_885 = vector.broadcast %mul3A_884 : i32 to vector<16xi32>
    %mul3A_886 = arith.muli %shift_right_logical3A_883, %mul3A_885 : vector<16xi32>
    %and3A_887 = arith.constant 7 : i32
    %and3A_888 = vector.broadcast %and3A_887 : i32 to vector<16xi32>
    %and3A_889 = arith.andi %and3A_519, %and3A_888 : vector<16xi32>
    %mul3A_890 = arith.constant 128 : i32
    %mul3A_891 = vector.broadcast %mul3A_890 : i32 to vector<16xi32>
    %mul3A_892 = arith.muli %and3A_889, %mul3A_891 : vector<16xi32>
    %add3A_893 = arith.addi %mul3A_886, %mul3A_892 : vector<16xi32>
    %add3A_894 = arith.addi %add3A_893, %iota3A : vector<16xi32>
    %shift_right_logical3A_895 = arith.constant 3 : i32
    %shift_right_logical3A_896 = vector.broadcast %shift_right_logical3A_895 : i32 to vector<16xi32>
    %shift_right_logical3A_897 = arith.shrui %and3A_525, %shift_right_logical3A_896 : vector<16xi32>
    %mul3A_898 = arith.constant 1024 : i32
    %mul3A_899 = vector.broadcast %mul3A_898 : i32 to vector<16xi32>
    %mul3A_900 = arith.muli %shift_right_logical3A_897, %mul3A_899 : vector<16xi32>
    %and3A_901 = arith.constant 7 : i32
    %and3A_902 = vector.broadcast %and3A_901 : i32 to vector<16xi32>
    %and3A_903 = arith.andi %and3A_525, %and3A_902 : vector<16xi32>
    %mul3A_904 = arith.constant 128 : i32
    %mul3A_905 = vector.broadcast %mul3A_904 : i32 to vector<16xi32>
    %mul3A_906 = arith.muli %and3A_903, %mul3A_905 : vector<16xi32>
    %add3A_907 = arith.addi %mul3A_900, %mul3A_906 : vector<16xi32>
    %add3A_908 = arith.addi %add3A_907, %iota3A : vector<16xi32>
    %shift_right_logical3A_909 = arith.constant 3 : i32
    %shift_right_logical3A_910 = vector.broadcast %shift_right_logical3A_909 : i32 to vector<16xi32>
    %shift_right_logical3A_911 = arith.shrui %and3A_531, %shift_right_logical3A_910 : vector<16xi32>
    %mul3A_912 = arith.constant 1024 : i32
    %mul3A_913 = vector.broadcast %mul3A_912 : i32 to vector<16xi32>
    %mul3A_914 = arith.muli %shift_right_logical3A_911, %mul3A_913 : vector<16xi32>
    %and3A_915 = arith.constant 7 : i32
    %and3A_916 = vector.broadcast %and3A_915 : i32 to vector<16xi32>
    %and3A_917 = arith.andi %and3A_531, %and3A_916 : vector<16xi32>
    %mul3A_918 = arith.constant 128 : i32
    %mul3A_919 = vector.broadcast %mul3A_918 : i32 to vector<16xi32>
    %mul3A_920 = arith.muli %and3A_917, %mul3A_919 : vector<16xi32>
    %add3A_921 = arith.addi %mul3A_914, %mul3A_920 : vector<16xi32>
    %add3A_922 = arith.addi %add3A_921, %iota3A : vector<16xi32>
    %shift_right_logical3A_923 = arith.constant 3 : i32
    %shift_right_logical3A_924 = vector.broadcast %shift_right_logical3A_923 : i32 to vector<16xi32>
    %shift_right_logical3A_925 = arith.shrui %and3A_537, %shift_right_logical3A_924 : vector<16xi32>
    %mul3A_926 = arith.constant 1024 : i32
    %mul3A_927 = vector.broadcast %mul3A_926 : i32 to vector<16xi32>
    %mul3A_928 = arith.muli %shift_right_logical3A_925, %mul3A_927 : vector<16xi32>
    %and3A_929 = arith.constant 7 : i32
    %and3A_930 = vector.broadcast %and3A_929 : i32 to vector<16xi32>
    %and3A_931 = arith.andi %and3A_537, %and3A_930 : vector<16xi32>
    %mul3A_932 = arith.constant 128 : i32
    %mul3A_933 = vector.broadcast %mul3A_932 : i32 to vector<16xi32>
    %mul3A_934 = arith.muli %and3A_931, %mul3A_933 : vector<16xi32>
    %add3A_935 = arith.addi %mul3A_928, %mul3A_934 : vector<16xi32>
    %add3A_936 = arith.addi %add3A_935, %iota3A : vector<16xi32>
    %shift_right_logical3A_937 = arith.constant 3 : i32
    %shift_right_logical3A_938 = vector.broadcast %shift_right_logical3A_937 : i32 to vector<16xi32>
    %shift_right_logical3A_939 = arith.shrui %and3A_543, %shift_right_logical3A_938 : vector<16xi32>
    %mul3A_940 = arith.constant 1024 : i32
    %mul3A_941 = vector.broadcast %mul3A_940 : i32 to vector<16xi32>
    %mul3A_942 = arith.muli %shift_right_logical3A_939, %mul3A_941 : vector<16xi32>
    %and3A_943 = arith.constant 7 : i32
    %and3A_944 = vector.broadcast %and3A_943 : i32 to vector<16xi32>
    %and3A_945 = arith.andi %and3A_543, %and3A_944 : vector<16xi32>
    %mul3A_946 = arith.constant 128 : i32
    %mul3A_947 = vector.broadcast %mul3A_946 : i32 to vector<16xi32>
    %mul3A_948 = arith.muli %and3A_945, %mul3A_947 : vector<16xi32>
    %add3A_949 = arith.addi %mul3A_942, %mul3A_948 : vector<16xi32>
    %add3A_950 = arith.addi %add3A_949, %iota3A : vector<16xi32>
    %shift_right_logical3A_951 = arith.constant 3 : i32
    %shift_right_logical3A_952 = vector.broadcast %shift_right_logical3A_951 : i32 to vector<16xi32>
    %shift_right_logical3A_953 = arith.shrui %and3A_549, %shift_right_logical3A_952 : vector<16xi32>
    %mul3A_954 = arith.constant 1024 : i32
    %mul3A_955 = vector.broadcast %mul3A_954 : i32 to vector<16xi32>
    %mul3A_956 = arith.muli %shift_right_logical3A_953, %mul3A_955 : vector<16xi32>
    %and3A_957 = arith.constant 7 : i32
    %and3A_958 = vector.broadcast %and3A_957 : i32 to vector<16xi32>
    %and3A_959 = arith.andi %and3A_549, %and3A_958 : vector<16xi32>
    %mul3A_960 = arith.constant 128 : i32
    %mul3A_961 = vector.broadcast %mul3A_960 : i32 to vector<16xi32>
    %mul3A_962 = arith.muli %and3A_959, %mul3A_961 : vector<16xi32>
    %add3A_963 = arith.addi %mul3A_956, %mul3A_962 : vector<16xi32>
    %add3A_964 = arith.addi %add3A_963, %iota3A : vector<16xi32>
    %shift_right_logical3A_965 = arith.constant 3 : i32
    %shift_right_logical3A_966 = vector.broadcast %shift_right_logical3A_965 : i32 to vector<16xi32>
    %shift_right_logical3A_967 = arith.shrui %and3A_555, %shift_right_logical3A_966 : vector<16xi32>
    %mul3A_968 = arith.constant 1024 : i32
    %mul3A_969 = vector.broadcast %mul3A_968 : i32 to vector<16xi32>
    %mul3A_970 = arith.muli %shift_right_logical3A_967, %mul3A_969 : vector<16xi32>
    %and3A_971 = arith.constant 7 : i32
    %and3A_972 = vector.broadcast %and3A_971 : i32 to vector<16xi32>
    %and3A_973 = arith.andi %and3A_555, %and3A_972 : vector<16xi32>
    %mul3A_974 = arith.constant 128 : i32
    %mul3A_975 = vector.broadcast %mul3A_974 : i32 to vector<16xi32>
    %mul3A_976 = arith.muli %and3A_973, %mul3A_975 : vector<16xi32>
    %add3A_977 = arith.addi %mul3A_970, %mul3A_976 : vector<16xi32>
    %add3A_978 = arith.addi %add3A_977, %iota3A : vector<16xi32>
    %shift_right_logical3A_979 = arith.constant 3 : i32
    %shift_right_logical3A_980 = vector.broadcast %shift_right_logical3A_979 : i32 to vector<16xi32>
    %shift_right_logical3A_981 = arith.shrui %and3A_561, %shift_right_logical3A_980 : vector<16xi32>
    %mul3A_982 = arith.constant 1024 : i32
    %mul3A_983 = vector.broadcast %mul3A_982 : i32 to vector<16xi32>
    %mul3A_984 = arith.muli %shift_right_logical3A_981, %mul3A_983 : vector<16xi32>
    %and3A_985 = arith.constant 7 : i32
    %and3A_986 = vector.broadcast %and3A_985 : i32 to vector<16xi32>
    %and3A_987 = arith.andi %and3A_561, %and3A_986 : vector<16xi32>
    %mul3A_988 = arith.constant 128 : i32
    %mul3A_989 = vector.broadcast %mul3A_988 : i32 to vector<16xi32>
    %mul3A_990 = arith.muli %and3A_987, %mul3A_989 : vector<16xi32>
    %add3A_991 = arith.addi %mul3A_984, %mul3A_990 : vector<16xi32>
    %add3A_992 = arith.addi %add3A_991, %iota3A : vector<16xi32>
    %shift_right_logical3A_993 = arith.constant 3 : i32
    %shift_right_logical3A_994 = vector.broadcast %shift_right_logical3A_993 : i32 to vector<16xi32>
    %shift_right_logical3A_995 = arith.shrui %and3A_567, %shift_right_logical3A_994 : vector<16xi32>
    %mul3A_996 = arith.constant 1024 : i32
    %mul3A_997 = vector.broadcast %mul3A_996 : i32 to vector<16xi32>
    %mul3A_998 = arith.muli %shift_right_logical3A_995, %mul3A_997 : vector<16xi32>
    %and3A_999 = arith.constant 7 : i32
    %and3A_1000 = vector.broadcast %and3A_999 : i32 to vector<16xi32>
    %and3A_1001 = arith.andi %and3A_567, %and3A_1000 : vector<16xi32>
    %mul3A_1002 = arith.constant 128 : i32
    %mul3A_1003 = vector.broadcast %mul3A_1002 : i32 to vector<16xi32>
    %mul3A_1004 = arith.muli %and3A_1001, %mul3A_1003 : vector<16xi32>
    %add3A_1005 = arith.addi %mul3A_998, %mul3A_1004 : vector<16xi32>
    %add3A_1006 = arith.addi %add3A_1005, %iota3A : vector<16xi32>
    %shift_right_logical3A_1007 = arith.constant 3 : i32
    %shift_right_logical3A_1008 = vector.broadcast %shift_right_logical3A_1007 : i32 to vector<16xi32>
    %shift_right_logical3A_1009 = arith.shrui %and3A_573, %shift_right_logical3A_1008 : vector<16xi32>
    %mul3A_1010 = arith.constant 1024 : i32
    %mul3A_1011 = vector.broadcast %mul3A_1010 : i32 to vector<16xi32>
    %mul3A_1012 = arith.muli %shift_right_logical3A_1009, %mul3A_1011 : vector<16xi32>
    %and3A_1013 = arith.constant 7 : i32
    %and3A_1014 = vector.broadcast %and3A_1013 : i32 to vector<16xi32>
    %and3A_1015 = arith.andi %and3A_573, %and3A_1014 : vector<16xi32>
    %mul3A_1016 = arith.constant 128 : i32
    %mul3A_1017 = vector.broadcast %mul3A_1016 : i32 to vector<16xi32>
    %mul3A_1018 = arith.muli %and3A_1015, %mul3A_1017 : vector<16xi32>
    %add3A_1019 = arith.addi %mul3A_1012, %mul3A_1018 : vector<16xi32>
    %add3A_1020 = arith.addi %add3A_1019, %iota3A : vector<16xi32>
    %div3A = arith.constant 0 : i32
    %div3A_1021 = arith.constant 26 : i32
    %div3A_1022 = arith.divsi %div3A, %div3A_1021 : i32
    %rem3A = arith.constant 0 : i32
    %rem3A_1023 = arith.constant 26 : i32
    %rem3A_1024 = arith.remsi %rem3A, %rem3A_1023 : i32
    %mul3A_1025 = arith.constant 4 : i32
    %mul3A_1026 = arith.muli %div3A_1022, %mul3A_1025 : i32
    %div3A_1027 = arith.constant 8 : i32
    %div3A_1028 = arith.divsi %rem3A_1024, %div3A_1027 : i32
    %add3A_1029 = arith.addi %mul3A_1026, %div3A_1028 : i32
    %mul3A_1030 = arith.constant 1024 : i32
    %mul3A_1031 = arith.muli %add3A_1029, %mul3A_1030 : i32
    %rem3A_1032 = arith.constant 8 : i32
    %rem3A_1033 = arith.remsi %rem3A_1024, %rem3A_1032 : i32
    %mul3A_1034 = arith.constant 128 : i32
    %mul3A_1035 = arith.muli %rem3A_1033, %mul3A_1034 : i32
    %add3A_1036 = arith.addi %mul3A_1031, %mul3A_1035 : i32
    %dma_start3A_1037 = tpu.memref_slice %arg5[%add3A_1036] : memref<16384xi32, #tpu.memory_space<vmem>> -> memref<128xi32, #tpu.memory_space<vmem>>
    %dma_start3A_1038 = arith.constant 0 : i32
    %dma_start3A_1039 = arith.constant 0 : i32
    %dma_start3A_1040 = tpu.memref_slice %arg2[%dma_start3A_1038, %dma_start3A_1039] : memref<1000000x32xf32, #tpu.memory_space<hbm>> -> memref<1000000x32xf32, #tpu.memory_space<hbm>>
    tpu.enqueue_indirect_dma source(%dma_start3A_1040 : memref<1000000x32xf32, #tpu.memory_space<hbm>>) target(%arg6 : memref<128x32xf32, #tpu.memory_space<vmem>>) offsets(%dma_start3A_1037 : memref<128xi32, #tpu.memory_space<vmem>>) semaphore(%arg11 : memref<!tpu.dma_semaphore, #tpu.memory_space<semaphore_mem>>)
    %scan3A = arith.constant 0 : i32
    %scan3A_1041 = arith.constant 0 : i32
    %scan3A_1042 = arith.constant 52 : i32
    %scan3A_1043 = arith.addi %scan3A_1041, %scan3A_1042 : i32
    %scan3A_1044 = arith.constant 1 : i32
    %scan3A_1045 = scf.for %scan3A_1055 = %scan3A_1041 to %scan3A_1043 step %scan3A_1044 iter_args(%scan3A_1056 = %scan3A) -> (i32)  : i32 {
      %mul3A_1057 = arith.constant 2 : i32
      %mul3A_1058 = arith.muli %scan3A_1055, %mul3A_1057 : i32
      %add3A_1059 = arith.constant 0 : i32
      %add3A_1060 = arith.addi %mul3A_1058, %add3A_1059 : i32
      %add3A_1061 = arith.constant 1 : i32
      %add3A_1062 = arith.addi %add3A_1060, %add3A_1061 : i32
      %lt3A = arith.constant 104 : i32
      %lt3A_1063 = arith.cmpi slt, %add3A_1062, %lt3A : i32
      %convert_element_type3A = arith.extui %lt3A_1063 : i1 to i32
      %cond3A = arith.constant 0 : i32
      %cond3A_1064 = arith.cmpi ne, %convert_element_type3A, %cond3A : i32
      scf.if %cond3A_1064 {
        %add3A_1274 = arith.constant 1 : i32
        %add3A_1275 = arith.addi %add3A_1060, %add3A_1274 : i32
        %div3A_1276 = arith.constant 26 : i32
        %div3A_1277 = arith.divsi %add3A_1275, %div3A_1276 : i32
        %rem3A_1278 = arith.constant 26 : i32
        %rem3A_1279 = arith.remsi %add3A_1275, %rem3A_1278 : i32
        %mul3A_1280 = arith.constant 4 : i32
        %mul3A_1281 = arith.muli %div3A_1277, %mul3A_1280 : i32
        %div3A_1282 = arith.constant 8 : i32
        %div3A_1283 = arith.divsi %rem3A_1279, %div3A_1282 : i32
        %add3A_1284 = arith.addi %mul3A_1281, %div3A_1283 : i32
        %mul3A_1285 = arith.constant 1024 : i32
        %mul3A_1286 = arith.muli %add3A_1284, %mul3A_1285 : i32
        %rem3A_1287 = arith.constant 8 : i32
        %rem3A_1288 = arith.remsi %rem3A_1279, %rem3A_1287 : i32
        %mul3A_1289 = arith.constant 128 : i32
        %mul3A_1290 = arith.muli %rem3A_1288, %mul3A_1289 : i32
        %add3A_1291 = arith.addi %mul3A_1286, %mul3A_1290 : i32
        %dma_start3A_1292 = tpu.memref_slice %arg5[%add3A_1291] : memref<16384xi32, #tpu.memory_space<vmem>> -> memref<128xi32, #tpu.memory_space<vmem>>
        %dma_start3A_1293 = arith.constant 0 : i32
        %dma_start3A_1294 = arith.constant 0 : i32
        %dma_start3A_1295 = tpu.memref_slice %arg2[%dma_start3A_1293, %dma_start3A_1294] : memref<1000000x32xf32, #tpu.memory_space<hbm>> -> memref<1000000x32xf32, #tpu.memory_space<hbm>>
        tpu.enqueue_indirect_dma source(%dma_start3A_1295 : memref<1000000x32xf32, #tpu.memory_space<hbm>>) target(%arg7 : memref<128x32xf32, #tpu.memory_space<vmem>>) offsets(%dma_start3A_1292 : memref<128xi32, #tpu.memory_space<vmem>>) semaphore(%arg11 : memref<!tpu.dma_semaphore, #tpu.memory_space<semaphore_mem>>)
      } else {
      }
      %div3A_1065 = arith.constant 26 : i32
      %div3A_1066 = arith.divsi %add3A_1060, %div3A_1065 : i32
      %rem3A_1067 = arith.constant 26 : i32
      %rem3A_1068 = arith.remsi %add3A_1060, %rem3A_1067 : i32
      %mul3A_1069 = arith.constant 4 : i32
      %mul3A_1070 = arith.muli %div3A_1066, %mul3A_1069 : i32
      %div3A_1071 = arith.constant 8 : i32
      %div3A_1072 = arith.divsi %rem3A_1068, %div3A_1071 : i32
      %add3A_1073 = arith.addi %mul3A_1070, %div3A_1072 : i32
      %mul3A_1074 = arith.constant 1024 : i32
      %mul3A_1075 = arith.muli %add3A_1073, %mul3A_1074 : i32
      %rem3A_1076 = arith.constant 8 : i32
      %rem3A_1077 = arith.remsi %rem3A_1068, %rem3A_1076 : i32
      %mul3A_1078 = arith.constant 128 : i32
      %mul3A_1079 = arith.muli %rem3A_1077, %mul3A_1078 : i32
      %add3A_1080 = arith.addi %mul3A_1075, %mul3A_1079 : i32
      %dma_wait3A_1081 = tpu.memref_slice %arg5[%add3A_1080] : memref<16384xi32, #tpu.memory_space<vmem>> -> memref<128xi32, #tpu.memory_space<vmem>>
      %dma_wait3A_1082 = arith.constant 0 : i32
      %dma_wait3A_1083 = arith.constant 0 : i32
      %dma_wait3A_1084 = tpu.memref_slice %arg2[%dma_wait3A_1082, %dma_wait3A_1083] : memref<1000000x32xf32, #tpu.memory_space<hbm>> -> memref<1000000x32xf32, #tpu.memory_space<hbm>>
      tpu.wait_indirect_dma semaphore(%arg11 : memref<!tpu.dma_semaphore, #tpu.memory_space<semaphore_mem>>) src(%dma_wait3A_1084 : memref<1000000x32xf32, #tpu.memory_space<hbm>>) dst(%arg6 : memref<128x32xf32, #tpu.memory_space<vmem>>)
      %ge3A = arith.constant 2 : i32
      %ge3A_1085 = arith.cmpi sge, %add3A_1060, %ge3A : i32
      %convert_element_type3A_1086 = arith.extui %ge3A_1085 : i1 to i32
      %cond3A_1087 = arith.constant 0 : i32
      %cond3A_1088 = arith.cmpi ne, %convert_element_type3A_1086, %cond3A_1087 : i32
      scf.if %cond3A_1088 {
        %dma_wait3A_1274 = arith.constant 0 : i32
        %dma_wait3A_1275 = tpu.memref_slice %arg4[%dma_wait3A_1274] : memref<13631488xf32, #tpu.memory_space<hbm>> -> memref<4096xf32, #tpu.memory_space<hbm>>
        %dma_wait3A_1276 = arith.constant 0 : i32
        %dma_wait3A_1277 = tpu.memref_slice %arg4[%dma_wait3A_1276] : memref<13631488xf32, #tpu.memory_space<hbm>> -> memref<4096xf32, #tpu.memory_space<hbm>>
        tpu.wait_dma2 semaphore(%arg12 : memref<!tpu.dma_semaphore, #tpu.memory_space<semaphore_mem>>) src(%arg8 : memref<4096xf32, #tpu.memory_space<vmem>>) dst(%dma_wait3A_1277 : memref<4096xf32, #tpu.memory_space<hbm>>)
      } else {
      }
      %scan3A_1089 = arith.constant 0 : i32
      %scan3A_1090 = arith.constant 0 : i32
      %scan3A_1091 = arith.constant 8 : i32
      %scan3A_1092 = arith.addi %scan3A_1090, %scan3A_1091 : i32
      %scan3A_1093 = arith.constant 1 : i32
      %scan3A_1094 = scf.for %scan3A_1274 = %scan3A_1090 to %scan3A_1092 step %scan3A_1093 iter_args(%scan3A_1275 = %scan3A_1089) -> (i32)  : i32 {
        %mul3A_1276 = arith.constant 16 : i32
        %mul3A_1277 = arith.muli %scan3A_1274, %mul3A_1276 : i32
        %add3A_1278 = vector.broadcast %mul3A_1277 : i32 to vector<16xi32>
        %add3A_1279 = arith.addi %add3A_1278, %iota3A : vector<16xi32>
        %gather3A = tpu.vector_load_idx %arg6[%add3A_1279, %and3A_387] : memref<128x32xf32, #tpu.memory_space<vmem>>[vector<16xi32>, vector<16xi32>], vector<16xf32>,
        %gather3A_1280 = tpu.vector_load_idx %arg6[%add3A_1279, %and3A_393] : memref<128x32xf32, #tpu.memory_space<vmem>>[vector<16xi32>, vector<16xi32>], vector<16xf32>,
        %gather3A_1281 = tpu.vector_load_idx %arg6[%add3A_1279, %and3A_399] : memref<128x32xf32, #tpu.memory_space<vmem>>[vector<16xi32>, vector<16xi32>], vector<16xf32>,
        %gather3A_1282 = tpu.vector_load_idx %arg6[%add3A_1279, %and3A_405] : memref<128x32xf32, #tpu.memory_space<vmem>>[vector<16xi32>, vector<16xi32>], vector<16xf32>,
        %gather3A_1283 = tpu.vector_load_idx %arg6[%add3A_1279, %and3A_411] : memref<128x32xf32, #tpu.memory_space<vmem>>[vector<16xi32>, vector<16xi32>], vector<16xf32>,
        %gather3A_1284 = tpu.vector_load_idx %arg6[%add3A_1279, %and3A_417] : memref<128x32xf32, #tpu.memory_space<vmem>>[vector<16xi32>, vector<16xi32>], vector<16xf32>,
        %gather3A_1285 = tpu.vector_load_idx %arg6[%add3A_1279, %and3A_423] : memref<128x32xf32, #tpu.memory_space<vmem>>[vector<16xi32>, vector<16xi32>], vector<16xf32>,
        %gather3A_1286 = tpu.vector_load_idx %arg6[%add3A_1279, %and3A_429] : memref<128x32xf32, #tpu.memory_space<vmem>>[vector<16xi32>, vector<16xi32>], vector<16xf32>,
        %gather3A_1287 = tpu.vector_load_idx %arg6[%add3A_1279, %and3A_435] : memref<128x32xf32, #tpu.memory_space<vmem>>[vector<16xi32>, vector<16xi32>], vector<16xf32>,
        %gather3A_1288 = tpu.vector_load_idx %arg6[%add3A_1279, %and3A_441] : memref<128x32xf32, #tpu.memory_space<vmem>>[vector<16xi32>, vector<16xi32>], vector<16xf32>,
        %gather3A_1289 = tpu.vector_load_idx %arg6[%add3A_1279, %and3A_447] : memref<128x32xf32, #tpu.memory_space<vmem>>[vector<16xi32>, vector<16xi32>], vector<16xf32>,
        %gather3A_1290 = tpu.vector_load_idx %arg6[%add3A_1279, %and3A_453] : memref<128x32xf32, #tpu.memory_space<vmem>>[vector<16xi32>, vector<16xi32>], vector<16xf32>,
        %gather3A_1291 = tpu.vector_load_idx %arg6[%add3A_1279, %and3A_459] : memref<128x32xf32, #tpu.memory_space<vmem>>[vector<16xi32>, vector<16xi32>], vector<16xf32>,
        %gather3A_1292 = tpu.vector_load_idx %arg6[%add3A_1279, %and3A_465] : memref<128x32xf32, #tpu.memory_space<vmem>>[vector<16xi32>, vector<16xi32>], vector<16xf32>,
        %gather3A_1293 = tpu.vector_load_idx %arg6[%add3A_1279, %and3A_471] : memref<128x32xf32, #tpu.memory_space<vmem>>[vector<16xi32>, vector<16xi32>], vector<16xf32>,
        %gather3A_1294 = tpu.vector_load_idx %arg6[%add3A_1279, %and3A_477] : memref<128x32xf32, #tpu.memory_space<vmem>>[vector<16xi32>, vector<16xi32>], vector<16xf32>,
        %gather3A_1295 = tpu.vector_load_idx %arg6[%add3A_1279, %and3A_483] : memref<128x32xf32, #tpu.memory_space<vmem>>[vector<16xi32>, vector<16xi32>], vector<16xf32>,
        %gather3A_1296 = tpu.vector_load_idx %arg6[%add3A_1279, %and3A_489] : memref<128x32xf32, #tpu.memory_space<vmem>>[vector<16xi32>, vector<16xi32>], vector<16xf32>,
        %gather3A_1297 = tpu.vector_load_idx %arg6[%add3A_1279, %and3A_495] : memref<128x32xf32, #tpu.memory_space<vmem>>[vector<16xi32>, vector<16xi32>], vector<16xf32>,
        %gather3A_1298 = tpu.vector_load_idx %arg6[%add3A_1279, %and3A_501] : memref<128x32xf32, #tpu.memory_space<vmem>>[vector<16xi32>, vector<16xi32>], vector<16xf32>,
        %gather3A_1299 = tpu.vector_load_idx %arg6[%add3A_1279, %and3A_507] : memref<128x32xf32, #tpu.memory_space<vmem>>[vector<16xi32>, vector<16xi32>], vector<16xf32>,
        %gather3A_1300 = tpu.vector_load_idx %arg6[%add3A_1279, %and3A_513] : memref<128x32xf32, #tpu.memory_space<vmem>>[vector<16xi32>, vector<16xi32>], vector<16xf32>,
        %gather3A_1301 = tpu.vector_load_idx %arg6[%add3A_1279, %and3A_519] : memref<128x32xf32, #tpu.memory_space<vmem>>[vector<16xi32>, vector<16xi32>], vector<16xf32>,
        %gather3A_1302 = tpu.vector_load_idx %arg6[%add3A_1279, %and3A_525] : memref<128x32xf32, #tpu.memory_space<vmem>>[vector<16xi32>, vector<16xi32>], vector<16xf32>,
        %gather3A_1303 = tpu.vector_load_idx %arg6[%add3A_1279, %and3A_531] : memref<128x32xf32, #tpu.memory_space<vmem>>[vector<16xi32>, vector<16xi32>], vector<16xf32>,
        %gather3A_1304 = tpu.vector_load_idx %arg6[%add3A_1279, %and3A_537] : memref<128x32xf32, #tpu.memory_space<vmem>>[vector<16xi32>, vector<16xi32>], vector<16xf32>,
        %gather3A_1305 = tpu.vector_load_idx %arg6[%add3A_1279, %and3A_543] : memref<128x32xf32, #tpu.memory_space<vmem>>[vector<16xi32>, vector<16xi32>], vector<16xf32>,
        %gather3A_1306 = tpu.vector_load_idx %arg6[%add3A_1279, %and3A_549] : memref<128x32xf32, #tpu.memory_space<vmem>>[vector<16xi32>, vector<16xi32>], vector<16xf32>,
        %gather3A_1307 = tpu.vector_load_idx %arg6[%add3A_1279, %and3A_555] : memref<128x32xf32, #tpu.memory_space<vmem>>[vector<16xi32>, vector<16xi32>], vector<16xf32>,
        %gather3A_1308 = tpu.vector_load_idx %arg6[%add3A_1279, %and3A_561] : memref<128x32xf32, #tpu.memory_space<vmem>>[vector<16xi32>, vector<16xi32>], vector<16xf32>,
        %gather3A_1309 = tpu.vector_load_idx %arg6[%add3A_1279, %and3A_567] : memref<128x32xf32, #tpu.memory_space<vmem>>[vector<16xi32>, vector<16xi32>], vector<16xf32>,
        %gather3A_1310 = tpu.vector_load_idx %arg6[%add3A_1279, %and3A_573] : memref<128x32xf32, #tpu.memory_space<vmem>>[vector<16xi32>, vector<16xi32>], vector<16xf32>,
        %add3A_1311 = vector.broadcast %mul3A_1277 : i32 to vector<16xi32>
        %add3A_1312 = arith.addi %add3A_586, %add3A_1311 : vector<16xi32>
        tpu.vector_store_idx %arg8[%add3A_1312], %gather3A : memref<4096xf32, #tpu.memory_space<vmem>>[vector<16xi32>], vector<16xf32>,
        %add3A_1313 = vector.broadcast %mul3A_1277 : i32 to vector<16xi32>
        %add3A_1314 = arith.addi %add3A_600, %add3A_1313 : vector<16xi32>
        tpu.vector_store_idx %arg8[%add3A_1314], %gather3A_1280 : memref<4096xf32, #tpu.memory_space<vmem>>[vector<16xi32>], vector<16xf32>,
        %add3A_1315 = vector.broadcast %mul3A_1277 : i32 to vector<16xi32>
        %add3A_1316 = arith.addi %add3A_614, %add3A_1315 : vector<16xi32>
        tpu.vector_store_idx %arg8[%add3A_1316], %gather3A_1281 : memref<4096xf32, #tpu.memory_space<vmem>>[vector<16xi32>], vector<16xf32>,
        %add3A_1317 = vector.broadcast %mul3A_1277 : i32 to vector<16xi32>
        %add3A_1318 = arith.addi %add3A_628, %add3A_1317 : vector<16xi32>
        tpu.vector_store_idx %arg8[%add3A_1318], %gather3A_1282 : memref<4096xf32, #tpu.memory_space<vmem>>[vector<16xi32>], vector<16xf32>,
        %add3A_1319 = vector.broadcast %mul3A_1277 : i32 to vector<16xi32>
        %add3A_1320 = arith.addi %add3A_642, %add3A_1319 : vector<16xi32>
        tpu.vector_store_idx %arg8[%add3A_1320], %gather3A_1283 : memref<4096xf32, #tpu.memory_space<vmem>>[vector<16xi32>], vector<16xf32>,
        %add3A_1321 = vector.broadcast %mul3A_1277 : i32 to vector<16xi32>
        %add3A_1322 = arith.addi %add3A_656, %add3A_1321 : vector<16xi32>
        tpu.vector_store_idx %arg8[%add3A_1322], %gather3A_1284 : memref<4096xf32, #tpu.memory_space<vmem>>[vector<16xi32>], vector<16xf32>,
        %add3A_1323 = vector.broadcast %mul3A_1277 : i32 to vector<16xi32>
        %add3A_1324 = arith.addi %add3A_670, %add3A_1323 : vector<16xi32>
        tpu.vector_store_idx %arg8[%add3A_1324], %gather3A_1285 : memref<4096xf32, #tpu.memory_space<vmem>>[vector<16xi32>], vector<16xf32>,
        %add3A_1325 = vector.broadcast %mul3A_1277 : i32 to vector<16xi32>
        %add3A_1326 = arith.addi %add3A_684, %add3A_1325 : vector<16xi32>
        tpu.vector_store_idx %arg8[%add3A_1326], %gather3A_1286 : memref<4096xf32, #tpu.memory_space<vmem>>[vector<16xi32>], vector<16xf32>,
        %add3A_1327 = vector.broadcast %mul3A_1277 : i32 to vector<16xi32>
        %add3A_1328 = arith.addi %add3A_698, %add3A_1327 : vector<16xi32>
        tpu.vector_store_idx %arg8[%add3A_1328], %gather3A_1287 : memref<4096xf32, #tpu.memory_space<vmem>>[vector<16xi32>], vector<16xf32>,
        %add3A_1329 = vector.broadcast %mul3A_1277 : i32 to vector<16xi32>
        %add3A_1330 = arith.addi %add3A_712, %add3A_1329 : vector<16xi32>
        tpu.vector_store_idx %arg8[%add3A_1330], %gather3A_1288 : memref<4096xf32, #tpu.memory_space<vmem>>[vector<16xi32>], vector<16xf32>,
        %add3A_1331 = vector.broadcast %mul3A_1277 : i32 to vector<16xi32>
        %add3A_1332 = arith.addi %add3A_726, %add3A_1331 : vector<16xi32>
        tpu.vector_store_idx %arg8[%add3A_1332], %gather3A_1289 : memref<4096xf32, #tpu.memory_space<vmem>>[vector<16xi32>], vector<16xf32>,
        %add3A_1333 = vector.broadcast %mul3A_1277 : i32 to vector<16xi32>
        %add3A_1334 = arith.addi %add3A_740, %add3A_1333 : vector<16xi32>
        tpu.vector_store_idx %arg8[%add3A_1334], %gather3A_1290 : memref<4096xf32, #tpu.memory_space<vmem>>[vector<16xi32>], vector<16xf32>,
        %add3A_1335 = vector.broadcast %mul3A_1277 : i32 to vector<16xi32>
        %add3A_1336 = arith.addi %add3A_754, %add3A_1335 : vector<16xi32>
        tpu.vector_store_idx %arg8[%add3A_1336], %gather3A_1291 : memref<4096xf32, #tpu.memory_space<vmem>>[vector<16xi32>], vector<16xf32>,
        %add3A_1337 = vector.broadcast %mul3A_1277 : i32 to vector<16xi32>
        %add3A_1338 = arith.addi %add3A_768, %add3A_1337 : vector<16xi32>
        tpu.vector_store_idx %arg8[%add3A_1338], %gather3A_1292 : memref<4096xf32, #tpu.memory_space<vmem>>[vector<16xi32>], vector<16xf32>,
        %add3A_1339 = vector.broadcast %mul3A_1277 : i32 to vector<16xi32>
        %add3A_1340 = arith.addi %add3A_782, %add3A_1339 : vector<16xi32>
        tpu.vector_store_idx %arg8[%add3A_1340], %gather3A_1293 : memref<4096xf32, #tpu.memory_space<vmem>>[vector<16xi32>], vector<16xf32>,
        %add3A_1341 = vector.broadcast %mul3A_1277 : i32 to vector<16xi32>
        %add3A_1342 = arith.addi %add3A_796, %add3A_1341 : vector<16xi32>
        tpu.vector_store_idx %arg8[%add3A_1342], %gather3A_1294 : memref<4096xf32, #tpu.memory_space<vmem>>[vector<16xi32>], vector<16xf32>,
        %add3A_1343 = vector.broadcast %mul3A_1277 : i32 to vector<16xi32>
        %add3A_1344 = arith.addi %add3A_810, %add3A_1343 : vector<16xi32>
        tpu.vector_store_idx %arg8[%add3A_1344], %gather3A_1295 : memref<4096xf32, #tpu.memory_space<vmem>>[vector<16xi32>], vector<16xf32>,
        %add3A_1345 = vector.broadcast %mul3A_1277 : i32 to vector<16xi32>
        %add3A_1346 = arith.addi %add3A_824, %add3A_1345 : vector<16xi32>
        tpu.vector_store_idx %arg8[%add3A_1346], %gather3A_1296 : memref<4096xf32, #tpu.memory_space<vmem>>[vector<16xi32>], vector<16xf32>,
        %add3A_1347 = vector.broadcast %mul3A_1277 : i32 to vector<16xi32>
        %add3A_1348 = arith.addi %add3A_838, %add3A_1347 : vector<16xi32>
        tpu.vector_store_idx %arg8[%add3A_1348], %gather3A_1297 : memref<4096xf32, #tpu.memory_space<vmem>>[vector<16xi32>], vector<16xf32>,
        %add3A_1349 = vector.broadcast %mul3A_1277 : i32 to vector<16xi32>
        %add3A_1350 = arith.addi %add3A_852, %add3A_1349 : vector<16xi32>
        tpu.vector_store_idx %arg8[%add3A_1350], %gather3A_1298 : memref<4096xf32, #tpu.memory_space<vmem>>[vector<16xi32>], vector<16xf32>,
        %add3A_1351 = vector.broadcast %mul3A_1277 : i32 to vector<16xi32>
        %add3A_1352 = arith.addi %add3A_866, %add3A_1351 : vector<16xi32>
        tpu.vector_store_idx %arg8[%add3A_1352], %gather3A_1299 : memref<4096xf32, #tpu.memory_space<vmem>>[vector<16xi32>], vector<16xf32>,
        %add3A_1353 = vector.broadcast %mul3A_1277 : i32 to vector<16xi32>
        %add3A_1354 = arith.addi %add3A_880, %add3A_1353 : vector<16xi32>
        tpu.vector_store_idx %arg8[%add3A_1354], %gather3A_1300 : memref<4096xf32, #tpu.memory_space<vmem>>[vector<16xi32>], vector<16xf32>,
        %add3A_1355 = vector.broadcast %mul3A_1277 : i32 to vector<16xi32>
        %add3A_1356 = arith.addi %add3A_894, %add3A_1355 : vector<16xi32>
        tpu.vector_store_idx %arg8[%add3A_1356], %gather3A_1301 : memref<4096xf32, #tpu.memory_space<vmem>>[vector<16xi32>], vector<16xf32>,
        %add3A_1357 = vector.broadcast %mul3A_1277 : i32 to vector<16xi32>
        %add3A_1358 = arith.addi %add3A_908, %add3A_1357 : vector<16xi32>
        tpu.vector_store_idx %arg8[%add3A_1358], %gather3A_1302 : memref<4096xf32, #tpu.memory_space<vmem>>[vector<16xi32>], vector<16xf32>,
        %add3A_1359 = vector.broadcast %mul3A_1277 : i32 to vector<16xi32>
        %add3A_1360 = arith.addi %add3A_922, %add3A_1359 : vector<16xi32>
        tpu.vector_store_idx %arg8[%add3A_1360], %gather3A_1303 : memref<4096xf32, #tpu.memory_space<vmem>>[vector<16xi32>], vector<16xf32>,
        %add3A_1361 = vector.broadcast %mul3A_1277 : i32 to vector<16xi32>
        %add3A_1362 = arith.addi %add3A_936, %add3A_1361 : vector<16xi32>
        tpu.vector_store_idx %arg8[%add3A_1362], %gather3A_1304 : memref<4096xf32, #tpu.memory_space<vmem>>[vector<16xi32>], vector<16xf32>,
        %add3A_1363 = vector.broadcast %mul3A_1277 : i32 to vector<16xi32>
        %add3A_1364 = arith.addi %add3A_950, %add3A_1363 : vector<16xi32>
        tpu.vector_store_idx %arg8[%add3A_1364], %gather3A_1305 : memref<4096xf32, #tpu.memory_space<vmem>>[vector<16xi32>], vector<16xf32>,
        %add3A_1365 = vector.broadcast %mul3A_1277 : i32 to vector<16xi32>
        %add3A_1366 = arith.addi %add3A_964, %add3A_1365 : vector<16xi32>
        tpu.vector_store_idx %arg8[%add3A_1366], %gather3A_1306 : memref<4096xf32, #tpu.memory_space<vmem>>[vector<16xi32>], vector<16xf32>,
        %add3A_1367 = vector.broadcast %mul3A_1277 : i32 to vector<16xi32>
        %add3A_1368 = arith.addi %add3A_978, %add3A_1367 : vector<16xi32>
        tpu.vector_store_idx %arg8[%add3A_1368], %gather3A_1307 : memref<4096xf32, #tpu.memory_space<vmem>>[vector<16xi32>], vector<16xf32>,
        %add3A_1369 = vector.broadcast %mul3A_1277 : i32 to vector<16xi32>
        %add3A_1370 = arith.addi %add3A_992, %add3A_1369 : vector<16xi32>
        tpu.vector_store_idx %arg8[%add3A_1370], %gather3A_1308 : memref<4096xf32, #tpu.memory_space<vmem>>[vector<16xi32>], vector<16xf32>,
        %add3A_1371 = vector.broadcast %mul3A_1277 : i32 to vector<16xi32>
        %add3A_1372 = arith.addi %add3A_1006, %add3A_1371 : vector<16xi32>
        tpu.vector_store_idx %arg8[%add3A_1372], %gather3A_1309 : memref<4096xf32, #tpu.memory_space<vmem>>[vector<16xi32>], vector<16xf32>,
        %add3A_1373 = vector.broadcast %mul3A_1277 : i32 to vector<16xi32>
        %add3A_1374 = arith.addi %add3A_1020, %add3A_1373 : vector<16xi32>
        tpu.vector_store_idx %arg8[%add3A_1374], %gather3A_1310 : memref<4096xf32, #tpu.memory_space<vmem>>[vector<16xi32>], vector<16xf32>,
        %scan3A_1375 = arith.constant 0 : i32
        scf.yield %scan3A_1375 : i32
      }
      %scan3A_1095 = arith.constant 8 : i32
      %div3A_1096 = arith.constant 26 : i32
      %div3A_1097 = arith.divsi %add3A_1060, %div3A_1096 : i32
      %rem3A_1098 = arith.constant 26 : i32
      %rem3A_1099 = arith.remsi %add3A_1060, %rem3A_1098 : i32
      %mul3A_1100 = arith.constant 4 : i32
      %mul3A_1101 = arith.muli %add3A, %mul3A_1100 : i32
      %add3A_1102 = arith.addi %mul3A_1101, %div3A_1097 : i32
      %mul3A_1103 = arith.constant 4 : i32
      %mul3A_1104 = arith.muli %rem3A_1099, %mul3A_1103 : i32
      %add3A_1105 = arith.constant 0 : i32
      %add3A_1106 = arith.addi %mul3A_1104, %add3A_1105 : i32
      %mul3A_1107 = arith.constant 128 : i32
      %mul3A_1108 = arith.muli %add3A_1106, %mul3A_1107 : i32
      %add3A_1109 = arith.addi %mul3A_1108, %add3A_1102 : i32
      %mul3A_1110 = arith.constant 1024 : i32
      %mul3A_1111 = arith.muli %add3A_1109, %mul3A_1110 : i32
      %dma_start3A_1112 = arith.constant 0 : i32
      %dma_start3A_1113 = tpu.memref_slice %arg8[%dma_start3A_1112] : memref<4096xf32, #tpu.memory_space<vmem>> -> memref<1024xf32, #tpu.memory_space<vmem>>
      %dma_start3A_1114 = tpu.memref_slice %arg4[%mul3A_1111] : memref<13631488xf32, #tpu.memory_space<hbm>> -> memref<1024xf32, #tpu.memory_space<hbm>>
      %dma_start3A_1115 = tpu.memref_slice %arg4[%mul3A_1111] : memref<13631488xf32, #tpu.memory_space<hbm>> -> memref<1024xf32, #tpu.memory_space<hbm>>
      %dma_start3A_1116 = arith.constant 0 : i32
      %dma_start3A_1117 = tpu.memref_slice %arg8[%dma_start3A_1116] : memref<4096xf32, #tpu.memory_space<vmem>> -> memref<1024xf32, #tpu.memory_space<vmem>>
      tpu.enqueue_dma source(%dma_start3A_1117 : memref<1024xf32, #tpu.memory_space<vmem>>) target(%dma_start3A_1115 : memref<1024xf32, #tpu.memory_space<hbm>>) target_semaphore(%arg12 : memref<!tpu.dma_semaphore, #tpu.memory_space<semaphore_mem>>)
      %mul3A_1118 = arith.constant 4 : i32
      %mul3A_1119 = arith.muli %rem3A_1099, %mul3A_1118 : i32
      %add3A_1120 = arith.constant 1 : i32
      %add3A_1121 = arith.addi %mul3A_1119, %add3A_1120 : i32
      %mul3A_1122 = arith.constant 128 : i32
      %mul3A_1123 = arith.muli %add3A_1121, %mul3A_1122 : i32
      %add3A_1124 = arith.addi %mul3A_1123, %add3A_1102 : i32
      %mul3A_1125 = arith.constant 1024 : i32
      %mul3A_1126 = arith.muli %add3A_1124, %mul3A_1125 : i32
      %dma_start3A_1127 = arith.constant 1024 : i32
      %dma_start3A_1128 = tpu.memref_slice %arg8[%dma_start3A_1127] : memref<4096xf32, #tpu.memory_space<vmem>> -> memref<1024xf32, #tpu.memory_space<vmem>>
      %dma_start3A_1129 = tpu.memref_slice %arg4[%mul3A_1126] : memref<13631488xf32, #tpu.memory_space<hbm>> -> memref<1024xf32, #tpu.memory_space<hbm>>
      %dma_start3A_1130 = tpu.memref_slice %arg4[%mul3A_1126] : memref<13631488xf32, #tpu.memory_space<hbm>> -> memref<1024xf32, #tpu.memory_space<hbm>>
      %dma_start3A_1131 = arith.constant 1024 : i32
      %dma_start3A_1132 = tpu.memref_slice %arg8[%dma_start3A_1131] : memref<4096xf32, #tpu.memory_space<vmem>> -> memref<1024xf32, #tpu.memory_space<vmem>>
      tpu.enqueue_dma source(%dma_start3A_1132 : memref<1024xf32, #tpu.memory_space<vmem>>) target(%dma_start3A_1130 : memref<1024xf32, #tpu.memory_space<hbm>>) target_semaphore(%arg12 : memref<!tpu.dma_semaphore, #tpu.memory_space<semaphore_mem>>)
      %mul3A_1133 = arith.constant 4 : i32
      %mul3A_1134 = arith.muli %rem3A_1099, %mul3A_1133 : i32
      %add3A_1135 = arith.constant 2 : i32
      %add3A_1136 = arith.addi %mul3A_1134, %add3A_1135 : i32
      %mul3A_1137 = arith.constant 128 : i32
      %mul3A_1138 = arith.muli %add3A_1136, %mul3A_1137 : i32
      %add3A_1139 = arith.addi %mul3A_1138, %add3A_1102 : i32
      %mul3A_1140 = arith.constant 1024 : i32
      %mul3A_1141 = arith.muli %add3A_1139, %mul3A_1140 : i32
      %dma_start3A_1142 = arith.constant 2048 : i32
      %dma_start3A_1143 = tpu.memref_slice %arg8[%dma_start3A_1142] : memref<4096xf32, #tpu.memory_space<vmem>> -> memref<1024xf32, #tpu.memory_space<vmem>>
      %dma_start3A_1144 = tpu.memref_slice %arg4[%mul3A_1141] : memref<13631488xf32, #tpu.memory_space<hbm>> -> memref<1024xf32, #tpu.memory_space<hbm>>
      %dma_start3A_1145 = tpu.memref_slice %arg4[%mul3A_1141] : memref<13631488xf32, #tpu.memory_space<hbm>> -> memref<1024xf32, #tpu.memory_space<hbm>>
      %dma_start3A_1146 = arith.constant 2048 : i32
      %dma_start3A_1147 = tpu.memref_slice %arg8[%dma_start3A_1146] : memref<4096xf32, #tpu.memory_space<vmem>> -> memref<1024xf32, #tpu.memory_space<vmem>>
      tpu.enqueue_dma source(%dma_start3A_1147 : memref<1024xf32, #tpu.memory_space<vmem>>) target(%dma_start3A_1145 : memref<1024xf32, #tpu.memory_space<hbm>>) target_semaphore(%arg12 : memref<!tpu.dma_semaphore, #tpu.memory_space<semaphore_mem>>)
      %mul3A_1148 = arith.constant 4 : i32
      %mul3A_1149 = arith.muli %rem3A_1099, %mul3A_1148 : i32
      %add3A_1150 = arith.constant 3 : i32
      %add3A_1151 = arith.addi %mul3A_1149, %add3A_1150 : i32
      %mul3A_1152 = arith.constant 128 : i32
      %mul3A_1153 = arith.muli %add3A_1151, %mul3A_1152 : i32
      %add3A_1154 = arith.addi %mul3A_1153, %add3A_1102 : i32
      %mul3A_1155 = arith.constant 1024 : i32
      %mul3A_1156 = arith.muli %add3A_1154, %mul3A_1155 : i32
      %dma_start3A_1157 = arith.constant 3072 : i32
      %dma_start3A_1158 = tpu.memref_slice %arg8[%dma_start3A_1157] : memref<4096xf32, #tpu.memory_space<vmem>> -> memref<1024xf32, #tpu.memory_space<vmem>>
      %dma_start3A_1159 = tpu.memref_slice %arg4[%mul3A_1156] : memref<13631488xf32, #tpu.memory_space<hbm>> -> memref<1024xf32, #tpu.memory_space<hbm>>
      %dma_start3A_1160 = tpu.memref_slice %arg4[%mul3A_1156] : memref<13631488xf32, #tpu.memory_space<hbm>> -> memref<1024xf32, #tpu.memory_space<hbm>>
      %dma_start3A_1161 = arith.constant 3072 : i32
      %dma_start3A_1162 = tpu.memref_slice %arg8[%dma_start3A_1161] : memref<4096xf32, #tpu.memory_space<vmem>> -> memref<1024xf32, #tpu.memory_space<vmem>>
      tpu.enqueue_dma source(%dma_start3A_1162 : memref<1024xf32, #tpu.memory_space<vmem>>) target(%dma_start3A_1160 : memref<1024xf32, #tpu.memory_space<hbm>>) target_semaphore(%arg12 : memref<!tpu.dma_semaphore, #tpu.memory_space<semaphore_mem>>)
      %mul3A_1163 = arith.constant 2 : i32
      %mul3A_1164 = arith.muli %scan3A_1055, %mul3A_1163 : i32
      %add3A_1165 = arith.constant 1 : i32
      %add3A_1166 = arith.addi %mul3A_1164, %add3A_1165 : i32
      %add3A_1167 = arith.constant 1 : i32
      %add3A_1168 = arith.addi %add3A_1166, %add3A_1167 : i32
      %lt3A_1169 = arith.constant 104 : i32
      %lt3A_1170 = arith.cmpi slt, %add3A_1168, %lt3A_1169 : i32
      %convert_element_type3A_1171 = arith.extui %lt3A_1170 : i1 to i32
      %cond3A_1172 = arith.constant 0 : i32
      %cond3A_1173 = arith.cmpi ne, %convert_element_type3A_1171, %cond3A_1172 : i32
      scf.if %cond3A_1173 {
        %add3A_1274 = arith.constant 1 : i32
        %add3A_1275 = arith.addi %add3A_1166, %add3A_1274 : i32
        %div3A_1276 = arith.constant 26 : i32
        %div3A_1277 = arith.divsi %add3A_1275, %div3A_1276 : i32
        %rem3A_1278 = arith.constant 26 : i32
        %rem3A_1279 = arith.remsi %add3A_1275, %rem3A_1278 : i32
        %mul3A_1280 = arith.constant 4 : i32
        %mul3A_1281 = arith.muli %div3A_1277, %mul3A_1280 : i32
        %div3A_1282 = arith.constant 8 : i32
        %div3A_1283 = arith.divsi %rem3A_1279, %div3A_1282 : i32
        %add3A_1284 = arith.addi %mul3A_1281, %div3A_1283 : i32
        %mul3A_1285 = arith.constant 1024 : i32
        %mul3A_1286 = arith.muli %add3A_1284, %mul3A_1285 : i32
        %rem3A_1287 = arith.constant 8 : i32
        %rem3A_1288 = arith.remsi %rem3A_1279, %rem3A_1287 : i32
        %mul3A_1289 = arith.constant 128 : i32
        %mul3A_1290 = arith.muli %rem3A_1288, %mul3A_1289 : i32
        %add3A_1291 = arith.addi %mul3A_1286, %mul3A_1290 : i32
        %dma_start3A_1292 = tpu.memref_slice %arg5[%add3A_1291] : memref<16384xi32, #tpu.memory_space<vmem>> -> memref<128xi32, #tpu.memory_space<vmem>>
        %dma_start3A_1293 = arith.constant 0 : i32
        %dma_start3A_1294 = arith.constant 0 : i32
        %dma_start3A_1295 = tpu.memref_slice %arg2[%dma_start3A_1293, %dma_start3A_1294] : memref<1000000x32xf32, #tpu.memory_space<hbm>> -> memref<1000000x32xf32, #tpu.memory_space<hbm>>
        tpu.enqueue_indirect_dma source(%dma_start3A_1295 : memref<1000000x32xf32, #tpu.memory_space<hbm>>) target(%arg6 : memref<128x32xf32, #tpu.memory_space<vmem>>) offsets(%dma_start3A_1292 : memref<128xi32, #tpu.memory_space<vmem>>) semaphore(%arg11 : memref<!tpu.dma_semaphore, #tpu.memory_space<semaphore_mem>>)
      } else {
      }
      %div3A_1174 = arith.constant 26 : i32
      %div3A_1175 = arith.divsi %add3A_1166, %div3A_1174 : i32
      %rem3A_1176 = arith.constant 26 : i32
      %rem3A_1177 = arith.remsi %add3A_1166, %rem3A_1176 : i32
      %mul3A_1178 = arith.constant 4 : i32
      %mul3A_1179 = arith.muli %div3A_1175, %mul3A_1178 : i32
      %div3A_1180 = arith.constant 8 : i32
      %div3A_1181 = arith.divsi %rem3A_1177, %div3A_1180 : i32
      %add3A_1182 = arith.addi %mul3A_1179, %div3A_1181 : i32
      %mul3A_1183 = arith.constant 1024 : i32
      %mul3A_1184 = arith.muli %add3A_1182, %mul3A_1183 : i32
      %rem3A_1185 = arith.constant 8 : i32
      %rem3A_1186 = arith.remsi %rem3A_1177, %rem3A_1185 : i32
      %mul3A_1187 = arith.constant 128 : i32
      %mul3A_1188 = arith.muli %rem3A_1186, %mul3A_1187 : i32
      %add3A_1189 = arith.addi %mul3A_1184, %mul3A_1188 : i32
      %dma_wait3A_1190 = tpu.memref_slice %arg5[%add3A_1189] : memref<16384xi32, #tpu.memory_space<vmem>> -> memref<128xi32, #tpu.memory_space<vmem>>
      %dma_wait3A_1191 = arith.constant 0 : i32
      %dma_wait3A_1192 = arith.constant 0 : i32
      %dma_wait3A_1193 = tpu.memref_slice %arg2[%dma_wait3A_1191, %dma_wait3A_1192] : memref<1000000x32xf32, #tpu.memory_space<hbm>> -> memref<1000000x32xf32, #tpu.memory_space<hbm>>
      tpu.wait_indirect_dma semaphore(%arg11 : memref<!tpu.dma_semaphore, #tpu.memory_space<semaphore_mem>>) src(%dma_wait3A_1193 : memref<1000000x32xf32, #tpu.memory_space<hbm>>) dst(%arg7 : memref<128x32xf32, #tpu.memory_space<vmem>>)
      %ge3A_1194 = arith.constant 2 : i32
      %ge3A_1195 = arith.cmpi sge, %add3A_1166, %ge3A_1194 : i32
      %convert_element_type3A_1196 = arith.extui %ge3A_1195 : i1 to i32
      %cond3A_1197 = arith.constant 0 : i32
      %cond3A_1198 = arith.cmpi ne, %convert_element_type3A_1196, %cond3A_1197 : i32
      scf.if %cond3A_1198 {
        %dma_wait3A_1274 = arith.constant 0 : i32
        %dma_wait3A_1275 = tpu.memref_slice %arg4[%dma_wait3A_1274] : memref<13631488xf32, #tpu.memory_space<hbm>> -> memref<4096xf32, #tpu.memory_space<hbm>>
        %dma_wait3A_1276 = arith.constant 0 : i32
        %dma_wait3A_1277 = tpu.memref_slice %arg4[%dma_wait3A_1276] : memref<13631488xf32, #tpu.memory_space<hbm>> -> memref<4096xf32, #tpu.memory_space<hbm>>
        tpu.wait_dma2 semaphore(%arg12 : memref<!tpu.dma_semaphore, #tpu.memory_space<semaphore_mem>>) src(%arg9 : memref<4096xf32, #tpu.memory_space<vmem>>) dst(%dma_wait3A_1277 : memref<4096xf32, #tpu.memory_space<hbm>>)
      } else {
      }
      %scan3A_1199 = arith.constant 0 : i32
      %scan3A_1200 = arith.constant 0 : i32
      %scan3A_1201 = arith.constant 8 : i32
      %scan3A_1202 = arith.addi %scan3A_1200, %scan3A_1201 : i32
      %scan3A_1203 = arith.constant 1 : i32
      %scan3A_1204 = scf.for %scan3A_1274 = %scan3A_1200 to %scan3A_1202 step %scan3A_1203 iter_args(%scan3A_1275 = %scan3A_1199) -> (i32)  : i32 {
        %mul3A_1276 = arith.constant 16 : i32
        %mul3A_1277 = arith.muli %scan3A_1274, %mul3A_1276 : i32
        %add3A_1278 = vector.broadcast %mul3A_1277 : i32 to vector<16xi32>
        %add3A_1279 = arith.addi %add3A_1278, %iota3A : vector<16xi32>
        %gather3A = tpu.vector_load_idx %arg7[%add3A_1279, %and3A_387] : memref<128x32xf32, #tpu.memory_space<vmem>>[vector<16xi32>, vector<16xi32>], vector<16xf32>,
        %gather3A_1280 = tpu.vector_load_idx %arg7[%add3A_1279, %and3A_393] : memref<128x32xf32, #tpu.memory_space<vmem>>[vector<16xi32>, vector<16xi32>], vector<16xf32>,
        %gather3A_1281 = tpu.vector_load_idx %arg7[%add3A_1279, %and3A_399] : memref<128x32xf32, #tpu.memory_space<vmem>>[vector<16xi32>, vector<16xi32>], vector<16xf32>,
        %gather3A_1282 = tpu.vector_load_idx %arg7[%add3A_1279, %and3A_405] : memref<128x32xf32, #tpu.memory_space<vmem>>[vector<16xi32>, vector<16xi32>], vector<16xf32>,
        %gather3A_1283 = tpu.vector_load_idx %arg7[%add3A_1279, %and3A_411] : memref<128x32xf32, #tpu.memory_space<vmem>>[vector<16xi32>, vector<16xi32>], vector<16xf32>,
        %gather3A_1284 = tpu.vector_load_idx %arg7[%add3A_1279, %and3A_417] : memref<128x32xf32, #tpu.memory_space<vmem>>[vector<16xi32>, vector<16xi32>], vector<16xf32>,
        %gather3A_1285 = tpu.vector_load_idx %arg7[%add3A_1279, %and3A_423] : memref<128x32xf32, #tpu.memory_space<vmem>>[vector<16xi32>, vector<16xi32>], vector<16xf32>,
        %gather3A_1286 = tpu.vector_load_idx %arg7[%add3A_1279, %and3A_429] : memref<128x32xf32, #tpu.memory_space<vmem>>[vector<16xi32>, vector<16xi32>], vector<16xf32>,
        %gather3A_1287 = tpu.vector_load_idx %arg7[%add3A_1279, %and3A_435] : memref<128x32xf32, #tpu.memory_space<vmem>>[vector<16xi32>, vector<16xi32>], vector<16xf32>,
        %gather3A_1288 = tpu.vector_load_idx %arg7[%add3A_1279, %and3A_441] : memref<128x32xf32, #tpu.memory_space<vmem>>[vector<16xi32>, vector<16xi32>], vector<16xf32>,
        %gather3A_1289 = tpu.vector_load_idx %arg7[%add3A_1279, %and3A_447] : memref<128x32xf32, #tpu.memory_space<vmem>>[vector<16xi32>, vector<16xi32>], vector<16xf32>,
        %gather3A_1290 = tpu.vector_load_idx %arg7[%add3A_1279, %and3A_453] : memref<128x32xf32, #tpu.memory_space<vmem>>[vector<16xi32>, vector<16xi32>], vector<16xf32>,
        %gather3A_1291 = tpu.vector_load_idx %arg7[%add3A_1279, %and3A_459] : memref<128x32xf32, #tpu.memory_space<vmem>>[vector<16xi32>, vector<16xi32>], vector<16xf32>,
        %gather3A_1292 = tpu.vector_load_idx %arg7[%add3A_1279, %and3A_465] : memref<128x32xf32, #tpu.memory_space<vmem>>[vector<16xi32>, vector<16xi32>], vector<16xf32>,
        %gather3A_1293 = tpu.vector_load_idx %arg7[%add3A_1279, %and3A_471] : memref<128x32xf32, #tpu.memory_space<vmem>>[vector<16xi32>, vector<16xi32>], vector<16xf32>,
        %gather3A_1294 = tpu.vector_load_idx %arg7[%add3A_1279, %and3A_477] : memref<128x32xf32, #tpu.memory_space<vmem>>[vector<16xi32>, vector<16xi32>], vector<16xf32>,
        %gather3A_1295 = tpu.vector_load_idx %arg7[%add3A_1279, %and3A_483] : memref<128x32xf32, #tpu.memory_space<vmem>>[vector<16xi32>, vector<16xi32>], vector<16xf32>,
        %gather3A_1296 = tpu.vector_load_idx %arg7[%add3A_1279, %and3A_489] : memref<128x32xf32, #tpu.memory_space<vmem>>[vector<16xi32>, vector<16xi32>], vector<16xf32>,
        %gather3A_1297 = tpu.vector_load_idx %arg7[%add3A_1279, %and3A_495] : memref<128x32xf32, #tpu.memory_space<vmem>>[vector<16xi32>, vector<16xi32>], vector<16xf32>,
        %gather3A_1298 = tpu.vector_load_idx %arg7[%add3A_1279, %and3A_501] : memref<128x32xf32, #tpu.memory_space<vmem>>[vector<16xi32>, vector<16xi32>], vector<16xf32>,
        %gather3A_1299 = tpu.vector_load_idx %arg7[%add3A_1279, %and3A_507] : memref<128x32xf32, #tpu.memory_space<vmem>>[vector<16xi32>, vector<16xi32>], vector<16xf32>,
        %gather3A_1300 = tpu.vector_load_idx %arg7[%add3A_1279, %and3A_513] : memref<128x32xf32, #tpu.memory_space<vmem>>[vector<16xi32>, vector<16xi32>], vector<16xf32>,
        %gather3A_1301 = tpu.vector_load_idx %arg7[%add3A_1279, %and3A_519] : memref<128x32xf32, #tpu.memory_space<vmem>>[vector<16xi32>, vector<16xi32>], vector<16xf32>,
        %gather3A_1302 = tpu.vector_load_idx %arg7[%add3A_1279, %and3A_525] : memref<128x32xf32, #tpu.memory_space<vmem>>[vector<16xi32>, vector<16xi32>], vector<16xf32>,
        %gather3A_1303 = tpu.vector_load_idx %arg7[%add3A_1279, %and3A_531] : memref<128x32xf32, #tpu.memory_space<vmem>>[vector<16xi32>, vector<16xi32>], vector<16xf32>,
        %gather3A_1304 = tpu.vector_load_idx %arg7[%add3A_1279, %and3A_537] : memref<128x32xf32, #tpu.memory_space<vmem>>[vector<16xi32>, vector<16xi32>], vector<16xf32>,
        %gather3A_1305 = tpu.vector_load_idx %arg7[%add3A_1279, %and3A_543] : memref<128x32xf32, #tpu.memory_space<vmem>>[vector<16xi32>, vector<16xi32>], vector<16xf32>,
        %gather3A_1306 = tpu.vector_load_idx %arg7[%add3A_1279, %and3A_549] : memref<128x32xf32, #tpu.memory_space<vmem>>[vector<16xi32>, vector<16xi32>], vector<16xf32>,
        %gather3A_1307 = tpu.vector_load_idx %arg7[%add3A_1279, %and3A_555] : memref<128x32xf32, #tpu.memory_space<vmem>>[vector<16xi32>, vector<16xi32>], vector<16xf32>,
        %gather3A_1308 = tpu.vector_load_idx %arg7[%add3A_1279, %and3A_561] : memref<128x32xf32, #tpu.memory_space<vmem>>[vector<16xi32>, vector<16xi32>], vector<16xf32>,
        %gather3A_1309 = tpu.vector_load_idx %arg7[%add3A_1279, %and3A_567] : memref<128x32xf32, #tpu.memory_space<vmem>>[vector<16xi32>, vector<16xi32>], vector<16xf32>,
        %gather3A_1310 = tpu.vector_load_idx %arg7[%add3A_1279, %and3A_573] : memref<128x32xf32, #tpu.memory_space<vmem>>[vector<16xi32>, vector<16xi32>], vector<16xf32>,
        %add3A_1311 = vector.broadcast %mul3A_1277 : i32 to vector<16xi32>
        %add3A_1312 = arith.addi %add3A_586, %add3A_1311 : vector<16xi32>
        tpu.vector_store_idx %arg9[%add3A_1312], %gather3A : memref<4096xf32, #tpu.memory_space<vmem>>[vector<16xi32>], vector<16xf32>,
        %add3A_1313 = vector.broadcast %mul3A_1277 : i32 to vector<16xi32>
        %add3A_1314 = arith.addi %add3A_600, %add3A_1313 : vector<16xi32>
        tpu.vector_store_idx %arg9[%add3A_1314], %gather3A_1280 : memref<4096xf32, #tpu.memory_space<vmem>>[vector<16xi32>], vector<16xf32>,
        %add3A_1315 = vector.broadcast %mul3A_1277 : i32 to vector<16xi32>
        %add3A_1316 = arith.addi %add3A_614, %add3A_1315 : vector<16xi32>
        tpu.vector_store_idx %arg9[%add3A_1316], %gather3A_1281 : memref<4096xf32, #tpu.memory_space<vmem>>[vector<16xi32>], vector<16xf32>,
        %add3A_1317 = vector.broadcast %mul3A_1277 : i32 to vector<16xi32>
        %add3A_1318 = arith.addi %add3A_628, %add3A_1317 : vector<16xi32>
        tpu.vector_store_idx %arg9[%add3A_1318], %gather3A_1282 : memref<4096xf32, #tpu.memory_space<vmem>>[vector<16xi32>], vector<16xf32>,
        %add3A_1319 = vector.broadcast %mul3A_1277 : i32 to vector<16xi32>
        %add3A_1320 = arith.addi %add3A_642, %add3A_1319 : vector<16xi32>
        tpu.vector_store_idx %arg9[%add3A_1320], %gather3A_1283 : memref<4096xf32, #tpu.memory_space<vmem>>[vector<16xi32>], vector<16xf32>,
        %add3A_1321 = vector.broadcast %mul3A_1277 : i32 to vector<16xi32>
        %add3A_1322 = arith.addi %add3A_656, %add3A_1321 : vector<16xi32>
        tpu.vector_store_idx %arg9[%add3A_1322], %gather3A_1284 : memref<4096xf32, #tpu.memory_space<vmem>>[vector<16xi32>], vector<16xf32>,
        %add3A_1323 = vector.broadcast %mul3A_1277 : i32 to vector<16xi32>
        %add3A_1324 = arith.addi %add3A_670, %add3A_1323 : vector<16xi32>
        tpu.vector_store_idx %arg9[%add3A_1324], %gather3A_1285 : memref<4096xf32, #tpu.memory_space<vmem>>[vector<16xi32>], vector<16xf32>,
        %add3A_1325 = vector.broadcast %mul3A_1277 : i32 to vector<16xi32>
        %add3A_1326 = arith.addi %add3A_684, %add3A_1325 : vector<16xi32>
        tpu.vector_store_idx %arg9[%add3A_1326], %gather3A_1286 : memref<4096xf32, #tpu.memory_space<vmem>>[vector<16xi32>], vector<16xf32>,
        %add3A_1327 = vector.broadcast %mul3A_1277 : i32 to vector<16xi32>
        %add3A_1328 = arith.addi %add3A_698, %add3A_1327 : vector<16xi32>
        tpu.vector_store_idx %arg9[%add3A_1328], %gather3A_1287 : memref<4096xf32, #tpu.memory_space<vmem>>[vector<16xi32>], vector<16xf32>,
        %add3A_1329 = vector.broadcast %mul3A_1277 : i32 to vector<16xi32>
        %add3A_1330 = arith.addi %add3A_712, %add3A_1329 : vector<16xi32>
        tpu.vector_store_idx %arg9[%add3A_1330], %gather3A_1288 : memref<4096xf32, #tpu.memory_space<vmem>>[vector<16xi32>], vector<16xf32>,
        %add3A_1331 = vector.broadcast %mul3A_1277 : i32 to vector<16xi32>
        %add3A_1332 = arith.addi %add3A_726, %add3A_1331 : vector<16xi32>
        tpu.vector_store_idx %arg9[%add3A_1332], %gather3A_1289 : memref<4096xf32, #tpu.memory_space<vmem>>[vector<16xi32>], vector<16xf32>,
        %add3A_1333 = vector.broadcast %mul3A_1277 : i32 to vector<16xi32>
        %add3A_1334 = arith.addi %add3A_740, %add3A_1333 : vector<16xi32>
        tpu.vector_store_idx %arg9[%add3A_1334], %gather3A_1290 : memref<4096xf32, #tpu.memory_space<vmem>>[vector<16xi32>], vector<16xf32>,
        %add3A_1335 = vector.broadcast %mul3A_1277 : i32 to vector<16xi32>
        %add3A_1336 = arith.addi %add3A_754, %add3A_1335 : vector<16xi32>
        tpu.vector_store_idx %arg9[%add3A_1336], %gather3A_1291 : memref<4096xf32, #tpu.memory_space<vmem>>[vector<16xi32>], vector<16xf32>,
        %add3A_1337 = vector.broadcast %mul3A_1277 : i32 to vector<16xi32>
        %add3A_1338 = arith.addi %add3A_768, %add3A_1337 : vector<16xi32>
        tpu.vector_store_idx %arg9[%add3A_1338], %gather3A_1292 : memref<4096xf32, #tpu.memory_space<vmem>>[vector<16xi32>], vector<16xf32>,
        %add3A_1339 = vector.broadcast %mul3A_1277 : i32 to vector<16xi32>
        %add3A_1340 = arith.addi %add3A_782, %add3A_1339 : vector<16xi32>
        tpu.vector_store_idx %arg9[%add3A_1340], %gather3A_1293 : memref<4096xf32, #tpu.memory_space<vmem>>[vector<16xi32>], vector<16xf32>,
        %add3A_1341 = vector.broadcast %mul3A_1277 : i32 to vector<16xi32>
        %add3A_1342 = arith.addi %add3A_796, %add3A_1341 : vector<16xi32>
        tpu.vector_store_idx %arg9[%add3A_1342], %gather3A_1294 : memref<4096xf32, #tpu.memory_space<vmem>>[vector<16xi32>], vector<16xf32>,
        %add3A_1343 = vector.broadcast %mul3A_1277 : i32 to vector<16xi32>
        %add3A_1344 = arith.addi %add3A_810, %add3A_1343 : vector<16xi32>
        tpu.vector_store_idx %arg9[%add3A_1344], %gather3A_1295 : memref<4096xf32, #tpu.memory_space<vmem>>[vector<16xi32>], vector<16xf32>,
        %add3A_1345 = vector.broadcast %mul3A_1277 : i32 to vector<16xi32>
        %add3A_1346 = arith.addi %add3A_824, %add3A_1345 : vector<16xi32>
        tpu.vector_store_idx %arg9[%add3A_1346], %gather3A_1296 : memref<4096xf32, #tpu.memory_space<vmem>>[vector<16xi32>], vector<16xf32>,
        %add3A_1347 = vector.broadcast %mul3A_1277 : i32 to vector<16xi32>
        %add3A_1348 = arith.addi %add3A_838, %add3A_1347 : vector<16xi32>
        tpu.vector_store_idx %arg9[%add3A_1348], %gather3A_1297 : memref<4096xf32, #tpu.memory_space<vmem>>[vector<16xi32>], vector<16xf32>,
        %add3A_1349 = vector.broadcast %mul3A_1277 : i32 to vector<16xi32>
        %add3A_1350 = arith.addi %add3A_852, %add3A_1349 : vector<16xi32>
        tpu.vector_store_idx %arg9[%add3A_1350], %gather3A_1298 : memref<4096xf32, #tpu.memory_space<vmem>>[vector<16xi32>], vector<16xf32>,
        %add3A_1351 = vector.broadcast %mul3A_1277 : i32 to vector<16xi32>
        %add3A_1352 = arith.addi %add3A_866, %add3A_1351 : vector<16xi32>
        tpu.vector_store_idx %arg9[%add3A_1352], %gather3A_1299 : memref<4096xf32, #tpu.memory_space<vmem>>[vector<16xi32>], vector<16xf32>,
        %add3A_1353 = vector.broadcast %mul3A_1277 : i32 to vector<16xi32>
        %add3A_1354 = arith.addi %add3A_880, %add3A_1353 : vector<16xi32>
        tpu.vector_store_idx %arg9[%add3A_1354], %gather3A_1300 : memref<4096xf32, #tpu.memory_space<vmem>>[vector<16xi32>], vector<16xf32>,
        %add3A_1355 = vector.broadcast %mul3A_1277 : i32 to vector<16xi32>
        %add3A_1356 = arith.addi %add3A_894, %add3A_1355 : vector<16xi32>
        tpu.vector_store_idx %arg9[%add3A_1356], %gather3A_1301 : memref<4096xf32, #tpu.memory_space<vmem>>[vector<16xi32>], vector<16xf32>,
        %add3A_1357 = vector.broadcast %mul3A_1277 : i32 to vector<16xi32>
        %add3A_1358 = arith.addi %add3A_908, %add3A_1357 : vector<16xi32>
        tpu.vector_store_idx %arg9[%add3A_1358], %gather3A_1302 : memref<4096xf32, #tpu.memory_space<vmem>>[vector<16xi32>], vector<16xf32>,
        %add3A_1359 = vector.broadcast %mul3A_1277 : i32 to vector<16xi32>
        %add3A_1360 = arith.addi %add3A_922, %add3A_1359 : vector<16xi32>
        tpu.vector_store_idx %arg9[%add3A_1360], %gather3A_1303 : memref<4096xf32, #tpu.memory_space<vmem>>[vector<16xi32>], vector<16xf32>,
        %add3A_1361 = vector.broadcast %mul3A_1277 : i32 to vector<16xi32>
        %add3A_1362 = arith.addi %add3A_936, %add3A_1361 : vector<16xi32>
        tpu.vector_store_idx %arg9[%add3A_1362], %gather3A_1304 : memref<4096xf32, #tpu.memory_space<vmem>>[vector<16xi32>], vector<16xf32>,
        %add3A_1363 = vector.broadcast %mul3A_1277 : i32 to vector<16xi32>
        %add3A_1364 = arith.addi %add3A_950, %add3A_1363 : vector<16xi32>
        tpu.vector_store_idx %arg9[%add3A_1364], %gather3A_1305 : memref<4096xf32, #tpu.memory_space<vmem>>[vector<16xi32>], vector<16xf32>,
        %add3A_1365 = vector.broadcast %mul3A_1277 : i32 to vector<16xi32>
        %add3A_1366 = arith.addi %add3A_964, %add3A_1365 : vector<16xi32>
        tpu.vector_store_idx %arg9[%add3A_1366], %gather3A_1306 : memref<4096xf32, #tpu.memory_space<vmem>>[vector<16xi32>], vector<16xf32>,
        %add3A_1367 = vector.broadcast %mul3A_1277 : i32 to vector<16xi32>
        %add3A_1368 = arith.addi %add3A_978, %add3A_1367 : vector<16xi32>
        tpu.vector_store_idx %arg9[%add3A_1368], %gather3A_1307 : memref<4096xf32, #tpu.memory_space<vmem>>[vector<16xi32>], vector<16xf32>,
        %add3A_1369 = vector.broadcast %mul3A_1277 : i32 to vector<16xi32>
        %add3A_1370 = arith.addi %add3A_992, %add3A_1369 : vector<16xi32>
        tpu.vector_store_idx %arg9[%add3A_1370], %gather3A_1308 : memref<4096xf32, #tpu.memory_space<vmem>>[vector<16xi32>], vector<16xf32>,
        %add3A_1371 = vector.broadcast %mul3A_1277 : i32 to vector<16xi32>
        %add3A_1372 = arith.addi %add3A_1006, %add3A_1371 : vector<16xi32>
        tpu.vector_store_idx %arg9[%add3A_1372], %gather3A_1309 : memref<4096xf32, #tpu.memory_space<vmem>>[vector<16xi32>], vector<16xf32>,
        %add3A_1373 = vector.broadcast %mul3A_1277 : i32 to vector<16xi32>
        %add3A_1374 = arith.addi %add3A_1020, %add3A_1373 : vector<16xi32>
        tpu.vector_store_idx %arg9[%add3A_1374], %gather3A_1310 : memref<4096xf32, #tpu.memory_space<vmem>>[vector<16xi32>], vector<16xf32>,
        %scan3A_1375 = arith.constant 0 : i32
        scf.yield %scan3A_1375 : i32
      }
      %scan3A_1205 = arith.constant 8 : i32
      %div3A_1206 = arith.constant 26 : i32
      %div3A_1207 = arith.divsi %add3A_1166, %div3A_1206 : i32
      %rem3A_1208 = arith.constant 26 : i32
      %rem3A_1209 = arith.remsi %add3A_1166, %rem3A_1208 : i32
      %mul3A_1210 = arith.constant 4 : i32
      %mul3A_1211 = arith.muli %add3A, %mul3A_1210 : i32
      %add3A_1212 = arith.addi %mul3A_1211, %div3A_1207 : i32
      %mul3A_1213 = arith.constant 4 : i32
      %mul3A_1214 = arith.muli %rem3A_1209, %mul3A_1213 : i32
      %add3A_1215 = arith.constant 0 : i32
      %add3A_1216 = arith.addi %mul3A_1214, %add3A_1215 : i32
      %mul3A_1217 = arith.constant 128 : i32
      %mul3A_1218 = arith.muli %add3A_1216, %mul3A_1217 : i32
      %add3A_1219 = arith.addi %mul3A_1218, %add3A_1212 : i32
      %mul3A_1220 = arith.constant 1024 : i32
      %mul3A_1221 = arith.muli %add3A_1219, %mul3A_1220 : i32
      %dma_start3A_1222 = arith.constant 0 : i32
      %dma_start3A_1223 = tpu.memref_slice %arg9[%dma_start3A_1222] : memref<4096xf32, #tpu.memory_space<vmem>> -> memref<1024xf32, #tpu.memory_space<vmem>>
      %dma_start3A_1224 = tpu.memref_slice %arg4[%mul3A_1221] : memref<13631488xf32, #tpu.memory_space<hbm>> -> memref<1024xf32, #tpu.memory_space<hbm>>
      %dma_start3A_1225 = tpu.memref_slice %arg4[%mul3A_1221] : memref<13631488xf32, #tpu.memory_space<hbm>> -> memref<1024xf32, #tpu.memory_space<hbm>>
      %dma_start3A_1226 = arith.constant 0 : i32
      %dma_start3A_1227 = tpu.memref_slice %arg9[%dma_start3A_1226] : memref<4096xf32, #tpu.memory_space<vmem>> -> memref<1024xf32, #tpu.memory_space<vmem>>
      tpu.enqueue_dma source(%dma_start3A_1227 : memref<1024xf32, #tpu.memory_space<vmem>>) target(%dma_start3A_1225 : memref<1024xf32, #tpu.memory_space<hbm>>) target_semaphore(%arg12 : memref<!tpu.dma_semaphore, #tpu.memory_space<semaphore_mem>>)
      %mul3A_1228 = arith.constant 4 : i32
      %mul3A_1229 = arith.muli %rem3A_1209, %mul3A_1228 : i32
      %add3A_1230 = arith.constant 1 : i32
      %add3A_1231 = arith.addi %mul3A_1229, %add3A_1230 : i32
      %mul3A_1232 = arith.constant 128 : i32
      %mul3A_1233 = arith.muli %add3A_1231, %mul3A_1232 : i32
      %add3A_1234 = arith.addi %mul3A_1233, %add3A_1212 : i32
      %mul3A_1235 = arith.constant 1024 : i32
      %mul3A_1236 = arith.muli %add3A_1234, %mul3A_1235 : i32
      %dma_start3A_1237 = arith.constant 1024 : i32
      %dma_start3A_1238 = tpu.memref_slice %arg9[%dma_start3A_1237] : memref<4096xf32, #tpu.memory_space<vmem>> -> memref<1024xf32, #tpu.memory_space<vmem>>
      %dma_start3A_1239 = tpu.memref_slice %arg4[%mul3A_1236] : memref<13631488xf32, #tpu.memory_space<hbm>> -> memref<1024xf32, #tpu.memory_space<hbm>>
      %dma_start3A_1240 = tpu.memref_slice %arg4[%mul3A_1236] : memref<13631488xf32, #tpu.memory_space<hbm>> -> memref<1024xf32, #tpu.memory_space<hbm>>
      %dma_start3A_1241 = arith.constant 1024 : i32
      %dma_start3A_1242 = tpu.memref_slice %arg9[%dma_start3A_1241] : memref<4096xf32, #tpu.memory_space<vmem>> -> memref<1024xf32, #tpu.memory_space<vmem>>
      tpu.enqueue_dma source(%dma_start3A_1242 : memref<1024xf32, #tpu.memory_space<vmem>>) target(%dma_start3A_1240 : memref<1024xf32, #tpu.memory_space<hbm>>) target_semaphore(%arg12 : memref<!tpu.dma_semaphore, #tpu.memory_space<semaphore_mem>>)
      %mul3A_1243 = arith.constant 4 : i32
      %mul3A_1244 = arith.muli %rem3A_1209, %mul3A_1243 : i32
      %add3A_1245 = arith.constant 2 : i32
      %add3A_1246 = arith.addi %mul3A_1244, %add3A_1245 : i32
      %mul3A_1247 = arith.constant 128 : i32
      %mul3A_1248 = arith.muli %add3A_1246, %mul3A_1247 : i32
      %add3A_1249 = arith.addi %mul3A_1248, %add3A_1212 : i32
      %mul3A_1250 = arith.constant 1024 : i32
      %mul3A_1251 = arith.muli %add3A_1249, %mul3A_1250 : i32
      %dma_start3A_1252 = arith.constant 2048 : i32
      %dma_start3A_1253 = tpu.memref_slice %arg9[%dma_start3A_1252] : memref<4096xf32, #tpu.memory_space<vmem>> -> memref<1024xf32, #tpu.memory_space<vmem>>
      %dma_start3A_1254 = tpu.memref_slice %arg4[%mul3A_1251] : memref<13631488xf32, #tpu.memory_space<hbm>> -> memref<1024xf32, #tpu.memory_space<hbm>>
      %dma_start3A_1255 = tpu.memref_slice %arg4[%mul3A_1251] : memref<13631488xf32, #tpu.memory_space<hbm>> -> memref<1024xf32, #tpu.memory_space<hbm>>
      %dma_start3A_1256 = arith.constant 2048 : i32
      %dma_start3A_1257 = tpu.memref_slice %arg9[%dma_start3A_1256] : memref<4096xf32, #tpu.memory_space<vmem>> -> memref<1024xf32, #tpu.memory_space<vmem>>
      tpu.enqueue_dma source(%dma_start3A_1257 : memref<1024xf32, #tpu.memory_space<vmem>>) target(%dma_start3A_1255 : memref<1024xf32, #tpu.memory_space<hbm>>) target_semaphore(%arg12 : memref<!tpu.dma_semaphore, #tpu.memory_space<semaphore_mem>>)
      %mul3A_1258 = arith.constant 4 : i32
      %mul3A_1259 = arith.muli %rem3A_1209, %mul3A_1258 : i32
      %add3A_1260 = arith.constant 3 : i32
      %add3A_1261 = arith.addi %mul3A_1259, %add3A_1260 : i32
      %mul3A_1262 = arith.constant 128 : i32
      %mul3A_1263 = arith.muli %add3A_1261, %mul3A_1262 : i32
      %add3A_1264 = arith.addi %mul3A_1263, %add3A_1212 : i32
      %mul3A_1265 = arith.constant 1024 : i32
      %mul3A_1266 = arith.muli %add3A_1264, %mul3A_1265 : i32
      %dma_start3A_1267 = arith.constant 3072 : i32
      %dma_start3A_1268 = tpu.memref_slice %arg9[%dma_start3A_1267] : memref<4096xf32, #tpu.memory_space<vmem>> -> memref<1024xf32, #tpu.memory_space<vmem>>
      %dma_start3A_1269 = tpu.memref_slice %arg4[%mul3A_1266] : memref<13631488xf32, #tpu.memory_space<hbm>> -> memref<1024xf32, #tpu.memory_space<hbm>>
      %dma_start3A_1270 = tpu.memref_slice %arg4[%mul3A_1266] : memref<13631488xf32, #tpu.memory_space<hbm>> -> memref<1024xf32, #tpu.memory_space<hbm>>
      %dma_start3A_1271 = arith.constant 3072 : i32
      %dma_start3A_1272 = tpu.memref_slice %arg9[%dma_start3A_1271] : memref<4096xf32, #tpu.memory_space<vmem>> -> memref<1024xf32, #tpu.memory_space<vmem>>
      tpu.enqueue_dma source(%dma_start3A_1272 : memref<1024xf32, #tpu.memory_space<vmem>>) target(%dma_start3A_1270 : memref<1024xf32, #tpu.memory_space<hbm>>) target_semaphore(%arg12 : memref<!tpu.dma_semaphore, #tpu.memory_space<semaphore_mem>>)
      %scan3A_1273 = arith.constant 0 : i32
      scf.yield %scan3A_1273 : i32
    }
    %scan3A_1046 = arith.constant 52 : i32
    %dma_wait3A_1047 = arith.constant 0 : i32
    %dma_wait3A_1048 = tpu.memref_slice %arg4[%dma_wait3A_1047] : memref<13631488xf32, #tpu.memory_space<hbm>> -> memref<4096xf32, #tpu.memory_space<hbm>>
    %dma_wait3A_1049 = arith.constant 0 : i32
    %dma_wait3A_1050 = tpu.memref_slice %arg4[%dma_wait3A_1049] : memref<13631488xf32, #tpu.memory_space<hbm>> -> memref<4096xf32, #tpu.memory_space<hbm>>
    tpu.wait_dma2 semaphore(%arg12 : memref<!tpu.dma_semaphore, #tpu.memory_space<semaphore_mem>>) src(%arg8 : memref<4096xf32, #tpu.memory_space<vmem>>) dst(%dma_wait3A_1050 : memref<4096xf32, #tpu.memory_space<hbm>>)
    %dma_wait3A_1051 = arith.constant 0 : i32
    %dma_wait3A_1052 = tpu.memref_slice %arg4[%dma_wait3A_1051] : memref<13631488xf32, #tpu.memory_space<hbm>> -> memref<4096xf32, #tpu.memory_space<hbm>>
    %dma_wait3A_1053 = arith.constant 0 : i32
    %dma_wait3A_1054 = tpu.memref_slice %arg4[%dma_wait3A_1053] : memref<13631488xf32, #tpu.memory_space<hbm>> -> memref<4096xf32, #tpu.memory_space<hbm>>
    tpu.wait_dma2 semaphore(%arg12 : memref<!tpu.dma_semaphore, #tpu.memory_space<semaphore_mem>>) src(%arg9 : memref<4096xf32, #tpu.memory_space<vmem>>) dst(%dma_wait3A_1054 : memref<4096xf32, #tpu.memory_space<hbm>>)
    return
  }
}

</mosaic_0001>

<sc_bundles>
// kernel: kernel.3.cloned.1.call-start
scs
__scs_entry_jumppad:
0x0: {  	(pc) =	sbr.rel $0x88, $3  }
0x1: {  	(tag) =	ssettag $0x0;
	lr =	simm.s32 $0x1  }
0x2: {  	[smem:$0x3F9F] =	sst lr;
	_ =	strace $0xD0000000  }
0x3: {  	_ = 	snop  }
0x4: {  	_ = 	snop  }
0x5: {  	_ = 	snop  }
0x6: {  	_ = 	snop  }
0x7: {  	_ = 	snop  }
__scs_overlays_trampoline_lowered:
0x8: {  	[smem:$0x3FAE] =	sst s0  }
0x9: {  	[smem:$0x3FAF] =	sst s1  }
0xa: {  	[smem:$0x3FB0] =	sst s2  }
0xb: {  	[smem:$0x3FB1] =	sst s3  }
0xc: {  	[smem:$0x3FB2] =	sst s4  }
0xd: {  	[smem:$0x3FB3] =	sst s5  }
0xe: {  	[smem:$0x3FB4] =	sst s6  }
0xf: {  	[smem:$0x3FB5] =	sst s7  }
0x10: {  	[smem:$0x3FB6] =	sst s8  }
0x11: {  	[smem:$0x3FB7] =	sst s9;
	s0 =	simm.s32 @!p0 $0x0  }
0x12: {  	s1 =	sld [smem:$0x3F9D];
	s0 =	simm.s32 @p0 $0x1  }
0x13: {  	[smem:$0x3FB8] =	sst s0;
	s0 =	simm.s32 @!p1 $0x0  }
0x14: {  	s2 =	sld [smem:$0x3F9C];
	s0 =	simm.s32 @p1 $0x1  }
0x15: {  	[smem:$0x3FB9] =	sst s0;
	s0 =	simm.s32 @!p2 $0x0  }
0x16: {  	s3 =	sld [smem:$0x3FDB];
	s0 =	simm.s32 @p2 $0x1  }
0x17: {  	s4 =	simm.s32 $0x1BF5;
	[smem:$0x3FBB] =	sst s0  }
0x18: {  	s0 =	sld [smem:$0x3F9E];
	_ =	swait.ge [sflag:s4], $0x0  }
0x19: {  	s7 =	sld [smem:$0x3F9F]  }
0x1a: {  	s8 =	sadd.s32 $0xFFFFE003, lr  }
0x1b: {  	s9 =	sadd.s32 $0xFFFFFEF7, lr;
	s5 =	simm.s32 $0xFFFFFFFF;
	p2 =	slt.u32 s8, $0xFFFFF086  }
0x1c: {  	p1 =	slt.u32 s9, $0xF7A;
	s5 =	simm.s32 @!p2 $0x0  }
0x1d: {  	s5 =	simm.s32 @p1 $0x1;
	p0 =	seq.s32 s7, s2  }
0x1e: {  	s7 =	smul.u32 @!p0 $0xF7A, s2;
	p2 =	seq.s32 @!p0 s5, $0x0  }
0x1f: {  	s9 =	smul.u32 $0xF7A, s1;
	s8 =	simm.s32 @!p0 $0x1BF5;
	p2 =	por !p2, p0  }
0x20: {  	[sflag:s8] =	ssyncset.s32 @!p0 $0xFFFFF086;
	s6 =	sadd.s32 @!p0 s3, s7;
	s7 =	simm.s32 @!p0 $0x108  }
0x21: {  	s3 =	sadd.s32 s3, s9;
	s6 =	sadd.s32 @!p0 $0x88, s6;
	s7 =	simm.s32 @p2 $0x1082  }
0x22: {  	[simem:s7], [sflag:s8] =	dma.local @!p0 [hbm:s6], $0xF7A  }
0x23: {  	s9 =	sor.u32 $0xD0000000, s2;
	s6 =	simm.s32 $0x108;
	_ =	swait.ge @!p0 [sflag:s8], $0x0  }
0x24: {  	s3 =	sadd.s32 $0x88, s3;
	s6 =	simm.s32 @!p1 $0x1082;
	[sflag:s4] =	ssyncset.s32 $0xFFFFF086  }
0x25: {  	[simem:s6], [sflag:s4] =	dma.local [hbm:s3], $0xF7A  }
0x26: {  	[smem:$0x3F9F] =	sst s1;
	(tag) =	ssettag s2;
	_ =	strace s9  }
0x27: {  	s1 =	sld [smem:$0x3FAF]  }
0x28: {  	s2 =	sld [smem:$0x3FB0]  }
0x29: {  	s4 =	sld [smem:$0x3FB2]  }
0x2a: {  	p0 =	seq.s32 s5, $0x0;
	s5 =	sld [smem:$0x3FB3]  }
0x2b: {  	s6 =	sld [smem:$0x3FB4]  }
0x2c: {  	s7 =	sld [smem:$0x3FB5]  }
0x2d: {  	s3 =	simm.s32 $0x108;
	s8 =	sld [smem:$0x3FB6]  }
0x2e: {  	s3 =	simm.s32 @!p0 $0x1082;
	s9 =	sld [smem:$0x3FB7]  }
0x2f: {  	lr =	sadd.s32 s0, s3;
	s0 =	sld [smem:$0x3FAE]  }
0x30: {  	s3 =	sld [smem:$0x3FB1]  }
0x31: {  	[smem:$0x3FBA] =	sst s10  }
0x32: {  	s10 =	sld [smem:$0x3FB8];
	_ =	sdelay $0x3  }
0x33: {  	p0 =	seq.s32 s10, $0x1;
	s10 =	sld [smem:$0x3FBA];
	_ =	sdelay $0x3  }
0x34: {  	[smem:$0x3FBA] =	sst s10  }
0x35: {  	s10 =	sld [smem:$0x3FB9];
	_ =	sdelay $0x3  }
0x36: {  	p1 =	seq.s32 s10, $0x1;
	s10 =	sld [smem:$0x3FBA];
	_ =	sdelay $0x3  }
0x37: {  	[smem:$0x3FBA] =	sst s10  }
0x38: {  	s10 =	sld [smem:$0x3FBB]  }
0x39: {  	_ = 	snop;
	(pc) =	sbr.ind lr, $3  }
0x3a: {  	_ = 	snop  }
0x3b: {  	_ = 	snop  }
0x3c: {  	p2 =	seq.s32 s10, $0x1;
	s10 =	sld [smem:$0x3FBA]  }
0x3d: {  	_ =	shalt  }
0x3e: {  	_ =	shalt  }
0x3f: {  	_ =	shalt  }
0x40: {  	_ =	shalt  }
0x41: {  	_ =	shalt  }
0x42: {  	_ =	shalt  }
0x43: {  	_ =	shalt  }
0x44: {  	_ =	shalt  }
0x45: {  	_ =	shalt  }
0x46: {  	_ =	shalt  }
0x47: {  	_ =	shalt  }
0x48: {  	_ =	shalt  }
0x49: {  	_ =	shalt  }
0x4a: {  	_ =	shalt  }
0x4b: {  	_ =	shalt  }
0x4c: {  	_ =	shalt  }
0x4d: {  	_ =	shalt  }
0x4e: {  	_ =	shalt  }
0x4f: {  	_ =	shalt  }
0x50: {  	_ =	shalt  }
0x51: {  	_ =	shalt  }
0x52: {  	_ =	shalt  }
0x53: {  	_ =	shalt  }
0x54: {  	_ =	shalt  }
0x55: {  	_ =	shalt  }
0x56: {  	_ =	shalt  }
0x57: {  	_ =	shalt  }
0x58: {  	_ =	shalt  }
0x59: {  	_ =	shalt  }
0x5a: {  	_ =	shalt  }
0x5b: {  	_ =	shalt  }
0x5c: {  	_ =	shalt  }
0x5d: {  	_ =	shalt  }
0x5e: {  	_ =	shalt  }
0x5f: {  	_ =	shalt  }
0x60: {  	_ =	shalt  }
0x61: {  	_ =	shalt  }
0x62: {  	_ =	shalt  }
0x63: {  	_ =	shalt  }
0x64: {  	_ =	shalt  }
0x65: {  	_ =	shalt  }
0x66: {  	_ =	shalt  }
0x67: {  	_ =	shalt  }
0x68: {  	_ =	shalt  }
0x69: {  	_ =	shalt  }
0x6a: {  	_ =	shalt  }
0x6b: {  	_ =	shalt  }
0x6c: {  	_ =	shalt  }
0x6d: {  	_ =	shalt  }
0x6e: {  	_ =	shalt  }
0x6f: {  	_ =	shalt  }
0x70: {  	_ =	shalt  }
0x71: {  	_ =	shalt  }
0x72: {  	_ =	shalt  }
0x73: {  	_ =	shalt  }
0x74: {  	_ =	shalt  }
0x75: {  	_ =	shalt  }
0x76: {  	_ =	shalt  }
0x77: {  	_ =	shalt  }
0x78: {  	_ =	shalt  }
0x79: {  	_ =	shalt  }
0x7a: {  	_ =	shalt  }
0x7b: {  	_ =	shalt  }
0x7c: {  	_ =	shalt  }
0x7d: {  	_ =	shalt  }
0x7e: {  	_ =	shalt  }
0x7f: {  	_ =	shalt  }
0x80: {  	_ =	shalt  }
0x81: {  	_ =	shalt  }
0x82: {  	_ =	shalt  }
0x83: {  	_ =	shalt  }
0x84: {  	_ =	shalt  }
0x85: {  	_ =	shalt  }
0x86: {  	_ =	shalt  }
0x87: {  	_ =	shalt  }
.Lfunc_end0:
.L_simem_size_0:
called_computation_lowered:
.L_overlay_start_0:
0x88: {  	s2 =	sld [smem:$0x3FD9]  }
0x89: {  	s3 =	sld [smem:$0x3FFE];
	_ =	sdelay $0x1  }
0x8a: {  	s1 =	srdreg.scid  }
0x8b: {  	s0 =	sand.u32 $0x1, s1  }
0x8c: {  	s17 =	sshll.u32 s0, $0xA;
	s2 =	sadd.s32 s3, s2  }
0x8d: {  	s2 =	sadd.s32 s2, s17  }
0x8e: {  	[smem:$0x3FC6] =	sst s2  }
0x8f: {  	_ = 	snop  }
0x90: {  	s2 =	sld [smem:$0x3FD0];
	(tm) =	ssettm $0x1  }
0x91: {  	s18 =	sld [smem:$0x3FFB];
	_ =	sdelay $0x3  }
0x92: {  	_ =	strace s18  }
0x93: {  	s3 =	sld [smem:$0x3FFC];
	_ =	sdelay $0x3  }
0x94: {  	_ =	strace s3  }
0x95: {  	s3 =	sld [smem:$0x3FFD];
	_ =	sdelay $0x3  }
0x96: {  	_ =	strace s3  }
0x97: {  	_ =	strace $0x8FFFFFFF  }
0x98: {  	s19 =	sld [smem:$0x3FDB];
	_ =	sdelay $0x1  }
0x99: {  	s4 =	simm.s32 $_scs_section_size  }
0x9a: {  	s5 =	simm.s32 $_size__tile_overlayer_lowered;
	s6 =	simm.s32 $_tile_overlayer_lowered  }
0x9b: {  	s22 =	simm.s32 $0x1BFF;
	s21 =	sshll.u32 s6, $0x1;
	s3 =	sadd.s32 s4, s19  }
0x9c: {  	s7 =	simm.s32 $0x0;
	s20 =	sshll.u32 s5, $0x1;
	s5 =	sadd.s32 s21, s3  }
0x9d: {  	[timem:s7], [sflag:s22] =	dma.local [hbm:s5], s20  }
0x9e: {  	_ =	swait.ge [sflag:s22], s20  }
0x9f: {  	s4 =	ssub.s32 $0x0, s20;
	[sflag:s22] =	ssyncset.done $0x0  }
0xa0: {  	[sflag:s22] =	ssyncadd.s32 s4;
	_ =	sdelay $0x1  }
0xa1: {  	s23 =	simm.s32 $0x1B8B  }
0xa2: {  	_ =	swait.ge [sflag:s23], $0x1  }
0xa3: {  	[sflag:s23] =	ssyncset.done $0x0  }
0xa4: {  	s25 =	simm.s32 $0x1B8E;
	s24 =	sld [smem:$0x3FFE];
	[sflag:s23] =	ssyncadd.s32 $0xFFFFFFFF  }
0xa5: {  	s26 =	simm.s32 $execute0_lowered;
	[smem:$0x3FD2] =	sst s25  }
0xa6: {  	s5 =	sshll.u32 s26, $0x1;
	_ =	strace $0x80000046;
	[dreg:$0x1] =	wrdreg $0xFFFFFFFF  }
0xa7: {  	s28 =	simm.s32 $_size_execute0_lowered;
	s3 =	sadd.s32 s3, s5;
	[dreg:$0x0] =	wrdreg $0x0  }
0xa8: {  	s5 =	sshll.u32 s28, $0x1;
	[dreg:$0x2] =	wrdreg s3  }
0xa9: {  	[dreg:$0x3] =	wrdreg s5  }
0xaa: {  	[dreg:$0x4] =	wrdreg $0xC0  }
0xab: {  	_ =	task [dreg:s7], $0x5FFFF  }
0xac: {  	[dreg:$0x1] =	wrdreg $0xFFFFFFFF  }
0xad: {  	[dreg:$0x0] =	wrdreg $0x60  }
0xae: {  	[dreg:$0x2] =	wrdreg s24  }
0xaf: {  	[dreg:$0x3] =	wrdreg s2  }
0xb0: {  	[dreg:$0x4] =	wrdreg $0x9  }
0xb1: {  	_ =	task.clear_ibuf [dreg:s7], $0x5FFFF;
	_ =	strace $0x90000046  }
0xb2: {  	s29 =	simm.s32 $0x9;
	_ =	strace $0x80000048  }
0xb3: {  	_ =	swait.ge [sflag:s29], $0x1  }
0xb4: {  	[sflag:s29] =	ssyncadd.s32 $0xFFFFFFFF  }
0xb5: {  	_ =	strace $0x90000048  }
0xb6: {  	_ =	sfence  }
0xb7: {  	s30 =	sld [smem:$0x0];
	_ =	sdelay $0x2  }
0xb8: {  	s31 =	sshll.u32 s1, $0xD;
	s1 =	sshrl.u32 s1, $0x2  }
0xb9: {  	s3 =	sand.u32 $0x4000, s31;
	s1 =	sadd.s32 s1, s30  }
0xba: {  	s0 =	sor.u32 s3, s0;
	s1 =	sshll.u32 s1, $0x11  }
0xbb: {  	s0 =	sor.u32 s1, s0  }
0xbc: {  	s0 =	sadd.s32 $0x8F2B, s0  }
0xbd: {  	[sflag:s0] =	ssyncadd.remote.s32 $0x1  }
0xbe: {  	_ =	sfence.sel $0xFFFF  }
0xbf: {  	[dreg:$0x0] =	wrdreg $0xFFFFFFFF;
	(pc) =	sbr.abs _section_cstart, $3  }
0xc0: {  	[dreg:$0x1] =	wrdreg $0xFFFFFFFF  }
0xc1: {  	_ =	task.clear_ibuf [dreg:s7], $0x2FFFF;
	_ =	strace $0x9FFFFFFF  }
0xc2: {  	(tm) =	ssettm $0x7FFFFFFF  }
0xc3: {  	_ =	shalt  }
tec
execute0_lowered:
.L_overlay_start_1:
0x0: {  	(tag) =	ssettag $0x1  }
0x1: {  	v38 =	vlaneseq.u32;
	v0 =	vimm.s32 $0x14131211  }
0x2: {  	v1 =	vimm.s32 $0x18171615;
	vm0 =	vcmask $0x1F10;
	v61 =	vimm.s32 $0x1C1B1A19  }
0x3: {  	v3 =	vimm.s32 $0x1F1E1D;
	v4 =	vimm.s32 $0x15141312;
	v5 =	vimm.s32 $0x19181716  }
0x4: {  	v6 =	vimm.s32 $0x1D1C1B1A;
	v7 =	vimm.s32 $0x1001F1E;
	v8 =	vimm.s32 $0x16151413  }
0x5: {  	v9 =	vimm.s32 $0x1A191817;
	v35 =	vimm.s32 $0x1E1D1C1B;
	v11 =	vimm.s32 $0x201001F  }
0x6: {  	v12 =	vimm.s32 $0x3020100;
	v13 =	vimm.s32 $0x1F1E1D1C;
	v14 =	vimm.s32 $0x17161514  }
0x7: {  	v15 =	vimm.s32 $0x1B1A1918;
	v37 =	vimm.s32 $0x4030201;
	v17 =	vimm.s32 $0x5040302  }
0x8: {  	v43 =	vimm.s32 $0x6050403;
	v47 =	vimm.s32 $0x76543210;
	v49 =	vimm.s32 $0x87654321  }
0x9: {  	v51 =	vimm.s32 $0x98765432;
	v52 =	vimm.s32 $0xA9876543;
	v54 =	vimm.s32 $0x32107654  }
0xa: {  	vm14 =	vcmask $0x2F10;
	vm1 =	vcmask $0x3F30;
	vm13 =	vcmask $0x704  }
0xb: {  	vm12 =	vcmask $0xB08;
	vm11 =	vcmask $0xF0C;
	vm10 =	vcmask $0x1310  }
0xc: {  	vm9 =	vcmask $0x1714;
	vm8 =	vcmask $0x1B18;
	vm7 =	vcmask $0x1F1C  }
0xd: {  	vm15 =	vcmask $0x2724;
	vm2 =	vcmask $0x2B28;
	vm3 =	vcmask $0x2F2C  }
0xe: {  	vm4 =	vcmask $0x3330;
	vm5 =	vcmask $0x3734;
	vm6 =	vcmask $0x3B38  }
0xf: {  	v25 =	vadd.s32 $0x2, v38;
	v20 =	vadd.s32 $0x4, v38;
	v21 =	vadd.s32 $0x5, v38  }
0x10: {  	v18 =	vadd.s32 $0x6, v38;
	v23 =	vadd.s32 $0x7, v38;
	v24 =	vadd.s32 $0x8, v38  }
0x11: {  	v53 =	vadd.s32 $0x9, v38;
	v26 =	vadd.s32 $0xA, v38;
	v27 =	vadd.s32 $0xB, v38  }
0x12: {  	v29 =	vadd.s32 $0xC, v38;
	v30 =	vadd.s32 $0xD, v38;
	v59 =	vadd.s32 $0xE, v38  }
0x13: {  	v0 =	vunpack.c.0.s8.s32 v0;
	v1 =	vunpack.c.0.s8.s32 v1;
	v2 =	vadd.s32 $0xF, v38  }
0x14: {  	v60 =	vor.u32 $0x10, v38;
	v3 =	vunpack.c.0.s8.s32 v3;
	v4 =	vunpack.c.0.s8.s32 v4  }
0x15: {  	v5 =	vunpack.c.0.s8.s32 v5;
	v6 =	vunpack.c.0.s8.s32 v6;
	v7 =	vunpack.c.0.s8.s32 v7  }
0x16: {  	v8 =	vunpack.c.0.s8.s32 v8;
	v9 =	vunpack.c.0.s8.s32 v9;
	v11 =	vunpack.c.0.s8.s32 v11  }
0x17: {  	v12 =	vunpack.c.0.s8.s32 v12;
	v13 =	vunpack.c.0.s8.s32 v13;
	v14 =	vunpack.c.0.s8.s32 v14  }
0x18: {  	v15 =	vunpack.c.0.s8.s32 v15;
	v42 =	vunpack.c.0.s8.s32 v17;
	v44 =	vunpack.c.0.s8.s32 v43  }
0x19: {  	v50 =	vunpack.c.l.s4.s8 v49;
	[tilespmem:$0x1FC30] =	vst v2;
	v2 =	vunpack.c.0.s8.s32 v61;
	v0 =	vsel vm0, v1, v0  }
0x1a: {  	v62 =	vsel vm0, v5, v4;
	v63 =	vsel vm0, v7, v6;
	v34 =	vsel vm0, v9, v8  }
0x1b: {  	v8 =	vunpack.c.0.s8.s32 v35;
	v36 =	vsel vm0, v12, v13;
	v14 =	vsel vm0, v15, v14  }
0x1c: {  	v12 =	vunpack.c.0.s8.s32 v37;
	v45 =	vsel vm0, v6, v5;
	v46 =	vsel vm0, v44, v11  }
0x1d: {  	v5 =	vunpack.c.l.s4.s8 v52;
	v55 =	vsel vm0, v13, v15;
	v6 =	vunpack.c.l.s4.s8 v54  }
0x1e: {  	v44 =	vimm.s32 $0xD0C0B0A;
	v10 =	vsel vm0, v3, v2;
	v28 =	vcombine.low v62, v63  }
0x1f: {  	v33 =	vcombine.low v14, v36;
	v1 =	vsel vm0, v2, v1;
	v2 =	vunpack.c.l.s4.s8 v51  }
0x20: {  	v62 =	vimm.s32 $0x43218765;
	v14 =	vimm.s32 $0xC0B0A09;
	v56 =	vcombine.low v0, v10  }
0x21: {  	v16 =	vsel vm0, v11, v8;
	v12 =	vsel vm0, v12, v3;
	v0 =	vsel vm0, v42, v7  }
0x22: {  	[tilespmem:$0x1FC40] =	vst v60;
	v48 =	vsel vm0, v8, v9;
	v57 =	vunpack.c.0.s8.s32 v5;
	v60 =	vunpack.c.0.s8.s32 v6  }
0x23: {  	v8 =	vimm.s32 $0xB0A0908;
	v9 =	vimm.s32 $0x54329876;
	v6 =	vmul.u32 $0x81, v38  }
0x24: {  	vm0 =	vcmask $0x2320;
	v32 =	vcombine.low v34, v16;
	v17 =	vcombine.low v1, v12  }
0x25: {  	v37 =	vcombine.low v45, v0;
	v1 =	vunpack.c.l.s4.s8 v47;
	v42 =	vcombine.low v48, v46  }
0x26: {  	v0 =	vunpack.c.0.s8.s32 v50;
	v2 =	vunpack.c.0.s8.s32 v2;
	v46 =	vimm.s32 $0xE0D0C0B  }
0x27: {  	v4 =	vunpack.c.l.s4.s8 v9;
	v61 =	vand.u32 $0xF, v57;
	v5 =	vunpack.c.0.s8.s32 v46  }
0x28: {  	v48 =	vadd.s32 $0x80, v6;
	v50 =	vadd.s32 $0x100, v6;
	v51 =	vadd.s32 $0x180, v6  }
0x29: {  	v52 =	vadd.s32 $0x200, v6;
	v54 =	vadd.s32 $0x380, v6;
	v15 =	vadd.s32 $0x580, v6  }
0x2a: {  	v57 =	vadd.s32 $0x600, v6;
	v9 =	vadd.s32 $0x780, v6;
	v22 =	vor.u32 $0x800, v6  }
0x2b: {  	v1 =	vunpack.c.0.s8.s32 v1;
	v0 =	vand.u32 $0xF, v0;
	v58 =	vand.u32 $0xF, v2  }
0x2c: {  	v2 =	vand.u32 $0xF, v60;
	v34 =	vcombine.low v16, v61;
	v36 =	vunpack.c.0.s8.s32 v4;
	[tilespmem:$0x1FC60] =	vst v50  }
0x2d: {  	v4 =	vunpack.c.0.s8.s32 v44;
	[tilespmem:$0x1FC70] =	vst v51;
	v61 =	vadd.s32 $0x500, v6;
	v60 =	vadd.s32 $0x700, v6  }
0x2e: {  	[tilespmem:$0x1FC80] =	vst v52;
	v50 =	vimm.s32 $0x30F;
	v51 =	vimm.s32 $0x38F;
	v52 =	vimm.s32 $0x40F  }
0x2f: {  	[tilespmem:$0x1FCA0] =	vst v57;
	v57 =	vimm.s32 $0x48F;
	v45 =	vcombine.low v10, v0;
	v35 =	vcombine.low v63, v58  }
0x30: {  	v63 =	vsel vm14, v2, v13;
	v2 =	vunpack.c.0.s8.s32 v8;
	v10 =	vimm.s32 $0x6543A987  }
0x31: {  	v58 =	vadd.s32 $0x680, v6;
	v43 =	vcombine.low v55, v1;
	v1 =	vunpack.c.l.s4.s8 v62  }
0x32: {  	[tilespmem:$0x1FCC0] =	vst v60;
	v60 =	vimm.s32 $0x58F;
	v13 =	vunpack.c.l.s4.s8 v10;
	v62 =	vadd.s32 $0x280, v6  }
0x33: {  	v55 =	vimm.s32 $0xF;
	v10 =	vimm.s32 $0x18F;
	v1 =	vunpack.c.0.s8.s32 v1  }
0x34: {  	[tilespmem:$0x1FCB0] =	vst v58;
	v58 =	vimm.s32 $0x50F;
	v31 =	vsel vm1, v2, v63;
	v2 =	vunpack.c.0.s8.s32 v14  }
0x35: {  	v63 =	vimm.s32 $0x8F;
	v12 =	vand.u32 $0xF, v1;
	v1 =	vunpack.c.0.s8.s32 v13  }
0x36: {  	v14 =	vimm.s32 $0x28F;
	v0 =	vsel vm14, v12, v3;
	v3 =	vand.u32 $0xF, v36  }
0x37: {  	v12 =	vimm.s32 $0x20F;
	v1 =	vand.u32 $0xF, v1;
	v46 =	vsel vm1, v2, v0  }
0x38: {  	v47 =	vsel vm14, v3, v7;
	v7 =	vadd.s32 $0x400, v6;
	v1 =	vsel vm14, v1, v11  }
0x39: {  	v36 =	vsel vm1, v4, v47;
	v47 =	vadd.s32 $0x300, v6;
	vm14 =	vcmask $0x300  }
0x3a: {  	v11 =	vadd.s32 $0x480, v6;
	v4 =	vimm.s32 $0x10F;
	v49 =	vsel vm1, v5, v1  }
0x3b: {  	v0 =	vsel vm14, $0x880, v55;
	v1 =	vsel vm14, $0x900, v63;
	v2 =	vsel vm14, $0x980, v4  }
0x3c: {  	v0 =	vsel vm13, $0x901, v0;
	v1 =	vsel vm13, $0x981, v1;
	v2 =	vsel vm13, $0xA01, v2  }
0x3d: {  	v0 =	vsel vm12, $0x982, v0;
	v1 =	vsel vm12, $0xA02, v1;
	v2 =	vsel vm12, $0xA82, v2  }
0x3e: {  	v0 =	vsel vm11, $0xA03, v0;
	v1 =	vsel vm11, $0xA83, v1;
	v2 =	vsel vm11, $0xB03, v2  }
0x3f: {  	v0 =	vsel vm10, $0xA84, v0;
	v1 =	vsel vm10, $0xB04, v1;
	v2 =	vsel vm10, $0xB84, v2  }
0x40: {  	v0 =	vsel vm9, $0xB05, v0;
	v1 =	vsel vm9, $0xB85, v1;
	v2 =	vsel vm9, $0xC05, v2  }
0x41: {  	v0 =	vsel vm8, $0xB86, v0;
	v1 =	vsel vm8, $0xC06, v1;
	v2 =	vsel vm8, $0xC86, v2  }
0x42: {  	v0 =	vsel vm7, $0xC07, v0;
	v1 =	vsel vm7, $0xC87, v1;
	v2 =	vsel vm7, $0xD07, v2  }
0x43: {  	v0 =	vsel vm0, $0xC88, v0;
	v1 =	vsel vm0, $0xD08, v1;
	v2 =	vsel vm0, $0xD88, v2  }
0x44: {  	v0 =	vsel vm15, $0xD09, v0;
	v1 =	vsel vm15, $0xD89, v1;
	v2 =	vsel vm15, $0xE09, v2  }
0x45: {  	v0 =	vsel vm2, $0xD8A, v0;
	v1 =	vsel vm2, $0xE0A, v1;
	v2 =	vsel vm2, $0xE8A, v2  }
0x46: {  	v0 =	vsel vm3, $0xE0B, v0;
	v1 =	vsel vm3, $0xE8B, v1;
	v2 =	vsel vm3, $0xF0B, v2  }
0x47: {  	v0 =	vsel vm4, $0xE8C, v0;
	v1 =	vsel vm4, $0xF0C, v1;
	v2 =	vsel vm4, $0xF8C, v2  }
0x48: {  	v0 =	vsel vm5, $0xF0D, v0;
	v5 =	vsel vm5, $0xF8D, v1;
	v8 =	vsel vm5, $0xD, v2  }
0x49: {  	v1 =	vsel vm14, $0xA80, v12;
	v2 =	vsel vm14, $0xB00, v14;
	v13 =	vsel vm6, $0xF8E, v0  }
0x4a: {  	v3 =	vsel vm6, $0xE, v5;
	v16 =	vsel vm6, $0x8E, v8;
	v0 =	vsel vm14, $0xA00, v10  }
0x4b: {  	v1 =	vsel vm13, $0xB01, v1;
	v2 =	vsel vm13, $0xB81, v2;
	v0 =	vsel vm13, $0xA81, v0  }
0x4c: {  	v1 =	vsel vm12, $0xB82, v1;
	v2 =	vsel vm12, $0xC02, v2;
	v0 =	vsel vm12, $0xB02, v0  }
0x4d: {  	v1 =	vsel vm11, $0xC03, v1;
	v2 =	vsel vm11, $0xC83, v2;
	v0 =	vsel vm11, $0xB83, v0  }
0x4e: {  	v1 =	vsel vm10, $0xC84, v1;
	v2 =	vsel vm10, $0xD04, v2;
	v0 =	vsel vm10, $0xC04, v0  }
0x4f: {  	v1 =	vsel vm9, $0xD05, v1;
	v2 =	vsel vm9, $0xD85, v2;
	v0 =	vsel vm9, $0xC85, v0  }
0x50: {  	v1 =	vsel vm8, $0xD86, v1;
	v2 =	vsel vm8, $0xE06, v2;
	v0 =	vsel vm8, $0xD06, v0  }
0x51: {  	v1 =	vsel vm7, $0xE07, v1;
	v2 =	vsel vm7, $0xE87, v2;
	v0 =	vsel vm7, $0xD87, v0  }
0x52: {  	v1 =	vsel vm0, $0xE88, v1;
	v2 =	vsel vm0, $0xF08, v2;
	v0 =	vsel vm0, $0xE08, v0  }
0x53: {  	s3 =	stileid.u32;
	v1 =	vsel vm15, $0xF09, v1;
	v2 =	vsel vm15, $0xF89, v2;
	v0 =	vsel vm15, $0xE89, v0  }
0x54: {  	s0 =	rddreg [dreg:$0x0];
	s4 =	sshll.u32 s3, $0x1;
	s3 =	simm.s32 $0x0;
	[tilespmem:$0x1FC50] =	vst v48;
	v1 =	vsel vm2, $0xF8A, v1;
	v2 =	vsel vm2, $0xA, v2;
	v0 =	vsel vm2, $0xF0A, v0  }
0x55: {  	[smem:$0x7FF] =	sst s3;
	[tilespmem:$0x1FC90] =	vst v54;
	v1 =	vsel vm3, $0xB, v1;
	v2 =	vsel vm3, $0x8B, v2;
	v0 =	vsel vm3, $0xF8B, v0  }
0x56: {  	s2 =	rddreg [dreg:$0x1];
	_ =	strace $0x80000047;
	[tilespmem:$0x1FCD0] =	vst v6;
	v1 =	vsel vm4, $0x8C, v1;
	v2 =	vsel vm4, $0x10C, v2;
	v0 =	vsel vm4, $0xC, v0  }
0x57: {  	[tilespmem:$0x1FCE0] =	vst v9;
	v44 =	vsel vm5, $0x10D, v1;
	v48 =	vsel vm5, $0x18D, v2;
	v1 =	vsel vm14, $0xC00, v51  }
0x58: {  	[tilespmem:$0x1FDB0] =	vst v42;
	v2 =	vsel vm14, $0xC80, v52;
	v0 =	vsel vm5, $0x8D, v0;
	v63 =	vsel vm6, $0x18E, v44  }
0x59: {  	[tilespmem:$0x1FDD0] =	vst v45;
	v14 =	vsel vm6, $0x20E, v48;
	v1 =	vsel vm13, $0xC81, v1;
	v2 =	vsel vm13, $0xD01, v2  }
0x5a: {  	[tilespmem:$0x1FDE0] =	vst v35;
	v4 =	vsel vm6, $0x10E, v0;
	v0 =	vsel vm14, $0xB80, v50;
	v1 =	vsel vm12, $0xD02, v1  }
0x5b: {  	[tilespmem:$0x1FDF0] =	vst v34;
	v2 =	vsel vm12, $0xD82, v2;
	v50 =	vimm.s32 $0x60F;
	v0 =	vsel vm13, $0xC01, v0  }
0x5c: {  	[tilespmem:$0x1FE10] =	vst v37;
	v1 =	vsel vm11, $0xD83, v1;
	v2 =	vsel vm11, $0xE03, v2;
	v0 =	vsel vm12, $0xC82, v0  }
0x5d: {  	[tilespmem:$0x1FE30] =	vst v33;
	v1 =	vsel vm10, $0xE04, v1;
	v2 =	vsel vm10, $0xE84, v2;
	v0 =	vsel vm11, $0xD03, v0  }
0x5e: {  	[tilespmem:$0x1FE60] =	vst v17;
	v1 =	vsel vm9, $0xE85, v1;
	v2 =	vsel vm9, $0xF05, v2;
	v0 =	vsel vm10, $0xD84, v0  }
0x5f: {  	[tilespmem:$0x1FE70] =	vst v25;
	v1 =	vsel vm8, $0xF06, v1;
	v2 =	vsel vm8, $0xF86, v2;
	v0 =	vsel vm9, $0xE05, v0  }
0x60: {  	[tilespmem:$0x1FE80] =	vst v53;
	v1 =	vsel vm7, $0xF87, v1;
	v2 =	vsel vm7, $0x7, v2;
	v0 =	vsel vm8, $0xE86, v0  }
0x61: {  	[tilespmem:$0x1FEB0] =	vst v61;
	v1 =	vsel vm0, $0x8, v1;
	v2 =	vsel vm0, $0x88, v2;
	v0 =	vsel vm7, $0xF07, v0  }
0x62: {  	[tilespmem:$0x1FEC0] =	vst v15;
	v1 =	vsel vm15, $0x89, v1;
	v2 =	vsel vm15, $0x109, v2;
	v0 =	vsel vm0, $0xF88, v0  }
0x63: {  	[tilespmem:$0x1FF00] =	vst v62;
	v1 =	vsel vm2, $0x10A, v1;
	v2 =	vsel vm2, $0x18A, v2;
	v0 =	vsel vm15, $0x9, v0  }
0x64: {  	[tilespmem:$0x1FF10] =	vst v22;
	v1 =	vsel vm3, $0x18B, v1;
	v2 =	vsel vm3, $0x20B, v2;
	v0 =	vsel vm2, $0x8A, v0  }
0x65: {  	[tilespmem:$0x1FF20] =	vst v18;
	v1 =	vsel vm4, $0x20C, v1;
	v2 =	vsel vm4, $0x28C, v2;
	v0 =	vsel vm3, $0x10B, v0  }
0x66: {  	[tilespmem:$0x1FF30] =	vst v28;
	v54 =	vsel vm5, $0x28D, v1;
	v55 =	vsel vm5, $0x30D, v2;
	v1 =	vsel vm14, $0xD80, v58  }
0x67: {  	[tilespmem:$0x1FF40] =	vst v32;
	v2 =	vsel vm14, $0xE00, v60;
	v0 =	vsel vm4, $0x18C, v0;
	v8 =	vsel vm6, $0x30E, v54  }
0x68: {  	[tilespmem:$0x1FF50] =	vst v21;
	v52 =	vsel vm6, $0x38E, v55;
	v1 =	vsel vm13, $0xE01, v1;
	v2 =	vsel vm13, $0xE81, v2  }
0x69: {  	[tilespmem:$0x1FF60] =	vst v20;
	v54 =	vimm.s32 $0x68F;
	v55 =	vimm.s32 $0x70F;
	v0 =	vsel vm5, $0x20D, v0  }
0x6a: {  	[tilespmem:$0x1FF70] =	vst v23;
	v1 =	vsel vm12, $0xE82, v1;
	v2 =	vsel vm12, $0xF02, v2;
	v10 =	vsel vm6, $0x28E, v0  }
0x6b: {  	[tilespmem:$0x1FF80] =	vst v24;
	v0 =	vsel vm14, $0xD00, v57;
	v1 =	vsel vm11, $0xF03, v1;
	v2 =	vsel vm11, $0xF83, v2  }
0x6c: {  	[tilespmem:$0x1FF90] =	vst v26;
	v0 =	vsel vm13, $0xD81, v0;
	v1 =	vsel vm10, $0xF84, v1;
	v2 =	vsel vm10, $0x4, v2  }
0x6d: {  	[tilespmem:$0x1FFA0] =	vst v27;
	v0 =	vsel vm12, $0xE02, v0;
	v1 =	vsel vm9, $0x5, v1;
	v2 =	vsel vm9, $0x85, v2  }
0x6e: {  	[tilespmem:$0x1FFB0] =	vst v29;
	v0 =	vsel vm11, $0xE83, v0;
	v1 =	vsel vm8, $0x86, v1;
	v2 =	vsel vm8, $0x106, v2  }
0x6f: {  	[tilespmem:$0x1FFC0] =	vst v59;
	v0 =	vsel vm10, $0xF04, v0;
	v1 =	vsel vm7, $0x107, v1;
	v2 =	vsel vm7, $0x187, v2  }
0x70: {  	[tilespmem:$0x1FFD0] =	vst v30;
	v0 =	vsel vm9, $0xF85, v0;
	v1 =	vsel vm0, $0x188, v1;
	v2 =	vsel vm0, $0x208, v2  }
0x71: {  	[tilespmem:$0x1FFE0] =	vst v56;
	v0 =	vsel vm8, $0x6, v0;
	v1 =	vsel vm15, $0x209, v1;
	v2 =	vsel vm15, $0x289, v2  }
0x72: {  	s1 =	srdreg.scid;
	[tilespmem:$0x1FDC0] =	vst v43;
	v0 =	vsel vm7, $0x87, v0;
	v1 =	vsel vm2, $0x28A, v1;
	v2 =	vsel vm2, $0x30A, v2  }
0x73: {  	s1 =	sand.u32 $0x1, s1;
	[tilespmem:$0x1FE00] =	vst v31;
	v0 =	vsel vm0, $0x108, v0;
	v1 =	vsel vm3, $0x30B, v1;
	v2 =	vsel vm3, $0x38B, v2  }
0x74: {  	s5 =	sor.u32 s1, s4;
	[tilespmem:$0x1FE20] =	vst v46;
	v0 =	vsel vm15, $0x189, v0;
	v1 =	vsel vm4, $0x38C, v1;
	v2 =	vsel vm4, $0x40C, v2  }
0x75: {  	s4 =	sshll.u32 s5, $0x9;
	[tilespmem:$0x1FFF0] =	vst v7;
	v0 =	vsel vm2, $0x20A, v0;
	v5 =	vsel vm5, $0x40D, v1;
	v12 =	vsel vm5, $0x48D, v2  }
0x76: {  	s7 =	sadd.s32 s4, s0;
	[tilespmem:$0x1FE40] =	vst v36;
	v1 =	vsel vm14, $0xF00, v54;
	v2 =	vsel vm14, $0xF80, v55;
	v0 =	vsel vm3, $0x28B, v0  }
0x77: {  	s31 =	simm.s32 $0x1;
	s12 =	sadd.s32 $0x600, s7;
	[tilespmem:$0x1FE90] =	vst v47;
	v51 =	vsel vm6, $0x48E, v5;
	v44 =	vsel vm6, $0x50E, v12;
	v0 =	vsel vm4, $0x30C, v0  }
0x78: {  	s28 =	simm.s32 $0x6400;
	s13 =	sadd.s32 $0x4600, s7;
	[dreg:$0x3] =	wrdreg s12;
	[tilespmem:$0x1FEA0] =	vst v11;
	v1 =	vsel vm13, $0xF81, v1;
	v2 =	vsel vm13, $0x1, v2;
	v0 =	vsel vm5, $0x38D, v0  }
0x79: {  	s29 =	simm.s32 $0x6800;
	s14 =	sadd.s32 $0x8600, s7;
	[dreg:$0x4] =	wrdreg s13;
	[tilespmem:$0x1FE50] =	vst v49;
	v1 =	vsel vm12, $0x2, v1;
	v60 =	vsel vm6, $0x40E, v0;
	v0 =	vsel vm14, $0xE80, v50  }
0x7a: {  	s30 =	simm.s32 $0x6C00;
	s15 =	sadd.s32 $0xC600, s7;
	[dreg:$0x5] =	wrdreg s14;
	[tilespmem:$0x1FCF0] =	vst v13;
	v2 =	vsel vm12, $0x82, v2;
	v1 =	vsel vm11, $0x83, v1;
	v0 =	vsel vm13, $0xF01, v0  }
0x7b: {  	s8 =	simm.s32 $0x7400;
	s16 =	sadd.s32 $0x680, s7;
	[dreg:$0x6] =	wrdreg s15;
	[tilespmem:$0x1FD00] =	vst v16;
	v2 =	vsel vm11, $0x103, v2;
	v1 =	vsel vm10, $0x104, v1;
	v0 =	vsel vm12, $0xF82, v0  }
0x7c: {  	s4 =	sadd.s32 $0xF42A00, s0;
	s17 =	sadd.s32 $0x4680, s7;
	[dreg:$0x7] =	wrdreg s16;
	[tilespmem:$0x1FED0] =	vst v3;
	v2 =	vsel vm10, $0x184, v2;
	v1 =	vsel vm9, $0x185, v1;
	v0 =	vsel vm11, $0x3, v0  }
0x7d: {  	s9 =	simm.s32 $0x7800;
	s18 =	sadd.s32 $0x8680, s7;
	[dreg:$0x8] =	wrdreg s17;
	[tilespmem:$0x1FD10] =	vst v14;
	v2 =	vsel vm9, $0x205, v2;
	v1 =	vsel vm8, $0x206, v1;
	v0 =	vsel vm10, $0x84, v0  }
0x7e: {  	s10 =	simm.s32 $0x7C00;
	s19 =	sadd.s32 $0xC680, s7;
	[dreg:$0x9] =	wrdreg s18;
	[tilespmem:$0x1FEF0] =	vst v63;
	v2 =	vsel vm8, $0x286, v2;
	v1 =	vsel vm7, $0x287, v1;
	v0 =	vsel vm9, $0x105, v0  }
0x7f: {  	s1 =	ssub.s32 $0x2, s1;
	s20 =	sadd.s32 $0x700, s7;
	[dreg:$0xa] =	wrdreg s19;
	[tilespmem:$0x1FEE0] =	vst v4;
	v2 =	vsel vm7, $0x307, v2;
	v1 =	vsel vm0, $0x308, v1;
	v0 =	vsel vm8, $0x186, v0  }
0x80: {  	s6 =	sshrl.u32 s1, $0x1;
	s21 =	sadd.s32 $0x4700, s7;
	[dreg:$0xb] =	wrdreg s20;
	[tilespmem:$0x1FD30] =	vst v8;
	v2 =	vsel vm0, $0x388, v2;
	v1 =	vsel vm15, $0x389, v1;
	v0 =	vsel vm7, $0x207, v0  }
0x81: {  	s11 =	ssub.s32 s1, s6;
	s22 =	sadd.s32 $0x8700, s7;
	[dreg:$0xc] =	wrdreg s21;
	[tilespmem:$0x1FD40] =	vst v52;
	v2 =	vsel vm15, $0x409, v2;
	v1 =	vsel vm2, $0x40A, v1;
	v0 =	vsel vm0, $0x288, v0  }
0x82: {  	s6 =	sshll.u32 s5, $0x2;
	s23 =	sadd.s32 $0xC700, s7;
	[dreg:$0xd] =	wrdreg s22;
	[tilespmem:$0x1FD20] =	vst v10;
	v2 =	vsel vm2, $0x48A, v2;
	v1 =	vsel vm3, $0x48B, v1;
	v0 =	vsel vm15, $0x309, v0  }
0x83: {  	s1 =	simm.s32 $0x80;
	s24 =	sadd.s32 $0x780, s7;
	[dreg:$0xe] =	wrdreg s23;
	[tilespmem:$0x1FD60] =	vst v51;
	v2 =	vsel vm3, $0x50B, v2;
	v1 =	vsel vm4, $0x50C, v1;
	v0 =	vsel vm2, $0x38A, v0  }
0x84: {  	s0 =	simm.s32 $0x4000;
	s25 =	sadd.s32 $0x4780, s7;
	[dreg:$0xf] =	wrdreg s24;
	[tilespmem:$0x1FD70] =	vst v44;
	v2 =	vsel vm4, $0x58C, v2;
	v57 =	vsel vm5, $0x58D, v1;
	v0 =	vsel vm3, $0x40B, v0  }
0x85: {  	s5 =	simm.s32 $0x3;
	s26 =	sadd.s32 $0x8780, s7;
	[dreg:$0x10] =	wrdreg s25;
	[tilespmem:$0x1FD50] =	vst v60;
	v58 =	vsel vm5, $0x60D, v2;
	v50 =	vsel vm6, $0x60E, v57;
	v0 =	vsel vm4, $0x48C, v0  }
0x86: {  	[dreg:$0x11] =	wrdreg s26;
	s21 =	sadd.s32 $0xC780, s7;
	s22 =	sadd.s32 $0x8000, s2;
	v54 =	vsel vm6, $0x68E, v58;
	[tilespmem:$0x1FD90] =	vst v50;
	v0 =	vsel vm5, $0x50D, v0  }
0x87: {  	s23 =	smax.u32 s11, $0x1;
	s24 =	simm.s32 $0x5000;
	s25 =	simm.s32 $0x2;
	[tilespmem:$0x1FDA0] =	vst v54;
	v48 =	vsel vm6, $0x58E, v0  }
0x88: {  	v39 =	vmul.u32 $0x20, v38;
	v40 =	vadd.s32 $0x1, v38;
	v41 =	vadd.s32 $0x3, v38;
	s26 =	simm.s32 $0x6000;
	s7 =	simm.s32 $0x7000;
	s11 =	simm.s32 $0x0;
	[tilespmem:$0x1FD80] =	vst v48  }
.LBB2_1:
0x89: {  	s12 =	rddreg [dreg:$0x3]  }
0x8a: {  	[tilespmem:s3], [sflag:$0x1] =	stream.linear.gather [hbm4b:s12+s3], $0x400, $0x38;
	[tilespmem:$0x8000] =	vst v63  }
0x8b: {  	s16 =	rddreg [dreg:$0x4];
	s13 =	simm.s32 $0x400  }
0x8c: {  	[tilespmem:s13], [sflag:$0x1] =	stream.linear.gather [hbm4b:s16+s3], $0x400, $0x38;
	[tilespmem:$0x8000] =	vst v63  }
0x8d: {  	s17 =	rddreg [dreg:$0x5];
	s18 =	simm.s32 $0x800  }
0x8e: {  	[tilespmem:s18], [sflag:$0x1] =	stream.linear.gather [hbm4b:s17+s3], $0x400, $0x38;
	[tilespmem:$0x8000] =	vst v63  }
0x8f: {  	s19 =	rddreg [dreg:$0x6];
	s20 =	simm.s32 $0xC00  }
0x90: {  	[tilespmem:s20], [sflag:$0x1] =	stream.linear.gather [hbm4b:s19+s3], $0x400, $0x38;
	[tilespmem:$0x8000] =	vst v63  }
0x91: {  	s14 =	simm.s32 $0x1000;
	s13 =	rddreg [dreg:$0x7]  }
0x92: {  	[tilespmem:s14], [sflag:$0x1] =	stream.linear.gather [hbm4b:s13+s3], $0x400, $0x38;
	[tilespmem:$0x8000] =	vst v63  }
0x93: {  	s15 =	rddreg [dreg:$0x8];
	s16 =	simm.s32 $0x1400  }
0x94: {  	[tilespmem:s16], [sflag:$0x1] =	stream.linear.gather [hbm4b:s15+s3], $0x400, $0x38;
	[tilespmem:$0x8000] =	vst v63  }
0x95: {  	s17 =	rddreg [dreg:$0x9];
	s18 =	simm.s32 $0x1800  }
0x96: {  	[tilespmem:s18], [sflag:$0x1] =	stream.linear.gather [hbm4b:s17+s3], $0x400, $0x38;
	[tilespmem:$0x8000] =	vst v63  }
0x97: {  	s19 =	rddreg [dreg:$0xa];
	s20 =	simm.s32 $0x1C00  }
0x98: {  	[tilespmem:s20], [sflag:$0x1] =	stream.linear.gather [hbm4b:s19+s3], $0x400, $0x38;
	[tilespmem:$0x8000] =	vst v63  }
0x99: {  	s13 =	rddreg [dreg:$0xb];
	s14 =	simm.s32 $0x2000  }
0x9a: {  	[tilespmem:s14], [sflag:$0x1] =	stream.linear.gather [hbm4b:s13+s3], $0x400, $0x38;
	[tilespmem:$0x8000] =	vst v63  }
0x9b: {  	s15 =	rddreg [dreg:$0xc];
	s16 =	simm.s32 $0x2400  }
0x9c: {  	[tilespmem:s16], [sflag:$0x1] =	stream.linear.gather [hbm4b:s15+s3], $0x400, $0x38;
	[tilespmem:$0x8000] =	vst v63  }
0x9d: {  	s17 =	rddreg [dreg:$0xd];
	s18 =	simm.s32 $0x2800  }
0x9e: {  	[tilespmem:s18], [sflag:$0x1] =	stream.linear.gather [hbm4b:s17+s3], $0x400, $0x38;
	[tilespmem:$0x8000] =	vst v63  }
0x9f: {  	s19 =	rddreg [dreg:$0xe];
	s20 =	simm.s32 $0x2C00  }
0xa0: {  	[tilespmem:s20], [sflag:$0x1] =	stream.linear.gather [hbm4b:s19+s3], $0x400, $0x38;
	[tilespmem:$0x8000] =	vst v63  }
0xa1: {  	s14 =	rddreg [dreg:$0xf];
	s15 =	simm.s32 $0x3000  }
0xa2: {  	[tilespmem:s15], [sflag:$0x1] =	stream.linear.gather [hbm4b:s14+s3], $0x400, $0x38;
	[tilespmem:$0x8000] =	vst v63  }
0xa3: {  	s16 =	rddreg [dreg:$0x10];
	s17 =	simm.s32 $0x3400  }
0xa4: {  	[tilespmem:s17], [sflag:$0x1] =	stream.linear.gather [hbm4b:s16+s3], $0x400, $0x38;
	[tilespmem:$0x8000] =	vst v63  }
0xa5: {  	s18 =	rddreg [dreg:$0x11];
	s19 =	simm.s32 $0x3800  }
0xa6: {  	[tilespmem:s19], [sflag:$0x1] =	stream.linear.gather [hbm4b:s18+s3], $0x400, $0x38;
	[tilespmem:$0x8000] =	vst v63  }
0xa7: {  	s20 =	simm.s32 $0x3C00  }
0xa8: {  	[tilespmem:s20], [sflag:$0x1] =	stream.linear.gather [hbm4b:s21+s3], $0x400, $0x38;
	[tilespmem:$0x8000] =	vst v63  }
0xa9: {  	_ =	swait.ge [sflag:s31], $0x400  }
0xaa: {  	[sflag:s31] =	ssyncset.done $0x0  }
0xab: {  	[sflag:s31] =	ssyncadd.s32 $0xFFFFFC00  }
0xac: {  	_ =	swait.ge [sflag:s31], $0x400  }
0xad: {  	[sflag:s31] =	ssyncset.done $0x0  }
0xae: {  	[sflag:s31] =	ssyncadd.s32 $0xFFFFFC00  }
0xaf: {  	_ =	swait.ge [sflag:s31], $0x400  }
0xb0: {  	[sflag:s31] =	ssyncset.done $0x0  }
0xb1: {  	[sflag:s31] =	ssyncadd.s32 $0xFFFFFC00  }
0xb2: {  	_ =	swait.ge [sflag:s31], $0x400  }
0xb3: {  	[sflag:s31] =	ssyncset.done $0x0  }
0xb4: {  	[sflag:s31] =	ssyncadd.s32 $0xFFFFFC00  }
0xb5: {  	_ =	swait.ge [sflag:s31], $0x400  }
0xb6: {  	[sflag:s31] =	ssyncset.done $0x0  }
0xb7: {  	[sflag:s31] =	ssyncadd.s32 $0xFFFFFC00  }
0xb8: {  	_ =	swait.ge [sflag:s31], $0x400  }
0xb9: {  	[sflag:s31] =	ssyncset.done $0x0  }
0xba: {  	[sflag:s31] =	ssyncadd.s32 $0xFFFFFC00  }
0xbb: {  	_ =	swait.ge [sflag:s31], $0x400  }
0xbc: {  	[sflag:s31] =	ssyncset.done $0x0  }
0xbd: {  	[sflag:s31] =	ssyncadd.s32 $0xFFFFFC00  }
0xbe: {  	_ =	swait.ge [sflag:s31], $0x400  }
0xbf: {  	[sflag:s31] =	ssyncset.done $0x0  }
0xc0: {  	[sflag:s31] =	ssyncadd.s32 $0xFFFFFC00  }
0xc1: {  	_ =	swait.ge [sflag:s31], $0x400  }
0xc2: {  	[sflag:s31] =	ssyncset.done $0x0  }
0xc3: {  	[sflag:s31] =	ssyncadd.s32 $0xFFFFFC00  }
0xc4: {  	_ =	swait.ge [sflag:s31], $0x400  }
0xc5: {  	[sflag:s31] =	ssyncset.done $0x0  }
0xc6: {  	[sflag:s31] =	ssyncadd.s32 $0xFFFFFC00  }
0xc7: {  	_ =	swait.ge [sflag:s31], $0x400  }
0xc8: {  	[sflag:s31] =	ssyncset.done $0x0  }
0xc9: {  	[sflag:s31] =	ssyncadd.s32 $0xFFFFFC00  }
0xca: {  	_ =	swait.ge [sflag:s31], $0x400  }
0xcb: {  	[sflag:s31] =	ssyncset.done $0x0  }
0xcc: {  	[sflag:s31] =	ssyncadd.s32 $0xFFFFFC00  }
0xcd: {  	_ =	swait.ge [sflag:s31], $0x400  }
0xce: {  	[sflag:s31] =	ssyncset.done $0x0  }
0xcf: {  	[sflag:s31] =	ssyncadd.s32 $0xFFFFFC00  }
0xd0: {  	_ =	swait.ge [sflag:s31], $0x400  }
0xd1: {  	[sflag:s31] =	ssyncset.done $0x0  }
0xd2: {  	[sflag:s31] =	ssyncadd.s32 $0xFFFFFC00  }
0xd3: {  	_ =	swait.ge [sflag:s31], $0x400  }
0xd4: {  	[sflag:s31] =	ssyncset.done $0x0  }
0xd5: {  	[sflag:s31] =	ssyncadd.s32 $0xFFFFFC00  }
0xd6: {  	_ =	swait.ge [sflag:s31], $0x400  }
0xd7: {  	[sflag:s31] =	ssyncset.done $0x0  }
0xd8: {  	s12 =	simm.s32 $0x0;
	[sflag:s31] =	ssyncadd.s32 $0xFFFFFC00  }
0xd9: {  	[tilespmem:s0], [sflag:$0x2] =	stream.indirect.gather [hbm4b:s4+s1], $0x20, s3, s1, $0xb8;
	[tilespmem:$0x8000] =	vst v63  }
.LBB2_2:
0xda: {  	s13 =	sshllo.u32 s12, $0x1  }
0xdb: {  	s14 =	sand.u32 $0xFF, s13  }
0xdc: {  	s14 =	smul.u32 $0x4F, s14;
	_ =	sdelay $0x1  }
0xdd: {  	s14 =	sshrl.u32 s14, $0xB  }
0xde: {  	s14 =	smul.u32 $0x1A, s14  }
0xdf: {  	s15 =	smul.u32 $0x4F, s12  }
0xe0: {  	s13 =	ssub.s32 s13, s14  }
0xe1: {  	s19 =	sshrl.u32 s15, $0xA;
	s13 =	sand.u32 $0xFF, s13  }
0xe2: {  	s15 =	sand.u32 $0x3F, s19;
	s20 =	sshll.u32 s13, $0x7  }
0xe3: {  	s16 =	sshll.u32 s15, $0xC;
	s17 =	sand.u32 $0xC00, s20  }
0xe4: {  	s14 =	sand.u32 $0x380, s20;
	s17 =	sor.u32 s17, s16  }
0xe5: {  	s14 =	sor.u32 s14, s17  }
0xe6: {  	[tilespmem:s24], [sflag:$0x2] =	stream.indirect.gather [hbm4b:s4+s1], $0x20, s14, s1, $0xb8;
	[tilespmem:$0x8000] =	vst v63  }
0xe7: {  	s16 =	simm.s32 $0x0;
	_ =	swait.ge [sflag:s25], $0x1000  }
0xe8: {  	p0 =	seq.s32 s12, $0x0;
	v1 =	vmov s16;
	[sflag:s25] =	ssyncset.done $0x0  }
0xe9: {  	v1 =	vshll.u32 v1, $0x5;
	s14 =	simm.s32 @!p0 $0x3;
	[sflag:s25] =	ssyncadd.s32 $0xFFFFF000  }
0xea: {  	v19 =	vor.u32 v39, v1;
	_ =	swait.ge @!p0 [sflag:s14], $0x1000  }
0xeb: {  	v1 =	vor.u32 v33, v19;
	v58 =	vld [tilespmem:$0x1FC40]  }
0xec: {  	v2 =	vor.u32 v24, v19;
	v57 =	vld [tilespmem:$0x1FC30]  }
0xed: {  	v3 =	vor.u32 v18, v19;
	v52 =	vld [tilespmem:$0x1FCD0]  }
0xee: {  	v4 =	vor.u32 v23, v19;
	[sflag:s14] =	ssyncset.done @!p0 $0x0;
	v44 =	vld [tilespmem:$0x1FC50]  }
0xef: {  	v5 =	vor.u32 v21, v19;
	v51 =	vld [tilespmem:$0x1FC60];
	[sflag:s14] =	ssyncadd.s32 @!p0 $0xFFFFF000  }
0xf0: {  	v6 =	vor.u32 v27, v19;
	v1 =	vld.idx.msk [tilespmem:v1+s0+$0x0], $0xffff  }
0xf1: {  	v7 =	vor.u32 v32, v19;
	v8 =	vld.idx.msk [tilespmem:v2+s0+$0x0], $0xffff  }
0xf2: {  	v12 =	vor.u32 v40, v19;
	v11 =	vld.idx.msk [tilespmem:v3+s0+$0x0], $0xffff  }
0xf3: {  	v14 =	vor.u32 v41, v19;
	v10 =	vld.idx.msk [tilespmem:v4+s0+$0x0], $0xffff  }
0xf4: {  	v15 =	vor.u32 v38, v19;
	v13 =	vld.idx.msk [tilespmem:v5+s0+$0x0], $0xffff  }
0xf5: {  	v16 =	vor.u32 v53, v19;
	v9 =	vld.idx.msk [tilespmem:v6+s0+$0x0], $0xffff  }
0xf6: {  	v3 =	vor.u32 v20, v19;
	v2 =	vld.idx.msk [tilespmem:v7+s0+$0x0], $0xffff  }
0xf7: {  	v4 =	vor.u32 v26, v19;
	v24 =	vld.idx.msk [tilespmem:v12+s0+$0x0], $0xffff  }
0xf8: {  	v5 =	vor.u32 v28, v19;
	v28 =	vld.idx.msk [tilespmem:v14+s0+$0x0], $0xffff  }
0xf9: {  	v7 =	vor.u32 v37, v19;
	v32 =	vld.idx.msk [tilespmem:v15+s0+$0x0], $0xffff  }
0xfa: {  	v14 =	vor.u32 v25, v19;
	v21 =	vld.idx.msk [tilespmem:v16+s0+$0x0], $0xffff  }
0xfb: {  	v15 =	vor.u32 v30, v19;
	v22 =	vld.idx.msk [tilespmem:v3+s0+$0x0], $0xffff  }
0xfc: {  	v16 =	vor.u32 v59, v19;
	v12 =	vld.idx.msk [tilespmem:v4+s0+$0x0], $0xffff  }
0xfd: {  	v20 =	vor.u32 v29, v19;
	v6 =	vld.idx.msk [tilespmem:v5+s0+$0x0], $0xffff  }
0xfe: {  	v26 =	vor.u32 v57, v19;
	v3 =	vld.idx.msk [tilespmem:v7+s0+$0x0], $0xffff  }
0xff: {  	v4 =	vor.u32 v42, v19;
	v33 =	vld.idx.msk [tilespmem:v14+s0+$0x0], $0xffff  }
0x100: {  	v5 =	vor.u32 v17, v19;
	v18 =	vld.idx.msk [tilespmem:v15+s0+$0x0], $0xffff  }
0x101: {  	v17 =	vor.u32 v43, v19;
	v16 =	vld.idx.msk [tilespmem:v16+s0+$0x0], $0xffff  }
0x102: {  	v14 =	vor.u32 v56, v19;
	v25 =	vld.idx.msk [tilespmem:v20+s0+$0x0], $0xffff  }
0x103: {  	v23 =	vor.u32 v58, v19;
	v26 =	vld.idx.msk [tilespmem:v26+s0+$0x0], $0xffff  }
0x104: {  	v50 =	vmovc v56;
	v54 =	vmovc v29;
	v47 =	vmov v31;
	v55 =	vmov v30;
	v62 =	vmov v36;
	v4 =	vld.idx.msk [tilespmem:v4+s0+$0x0], $0xffff  }
0x105: {  	v0 =	vmovc v37;
	v61 =	vmovc v42;
	v63 =	vmov v34;
	v60 =	vmov v35;
	v53 =	vmov v27;
	v7 =	vld.idx.msk [tilespmem:v5+s0+$0x0], $0xffff  }
0x106: {  	v27 =	vor.u32 v34, v19;
	v29 =	vor.u32 v31, v19;
	v30 =	vor.u32 v46, v19;
	v5 =	vld.idx.msk [tilespmem:v17+s0+$0x0], $0xffff  }
0x107: {  	v48 =	vmovc v45;
	v31 =	vor.u32 v35, v19;
	v20 =	vor.u32 v45, v19;
	v56 =	vmov v59;
	v14 =	vld.idx.msk [tilespmem:v14+s0+$0x0], $0xffff  }
0x108: {  	s18 =	simm.s32 $0x10;
	s17 =	sshll.u32 s12, $0x1;
	s14 =	sshll.u32 s13, $0x9;
	v15 =	vor.u32 v49, v19;
	v19 =	vor.u32 v36, v19;
	v59 =	vmovc v50;
	v50 =	vmov v43;
	v17 =	vld.idx.msk [tilespmem:v23+s0+$0x0], $0xffff  }
.LBB2_3:
0x109: {  	_ =	sdelay $0x3  }
0x10a: {  	v15 =	vld.idx.msk [tilespmem:v15+s0+$0x0], $0xffff  }
0x10b: {  	v19 =	vld.idx.msk [tilespmem:v19+s0+$0x0], $0xffff  }
0x10c: {  	v23 =	vld.idx.msk [tilespmem:v30+s0+$0x0], $0xffff  }
0x10d: {  	v34 =	vld.idx.msk [tilespmem:v29+s0+$0x0], $0xffff  }
0x10e: {  	v30 =	vor.u32 s16, v52;
	v35 =	vld.idx.msk [tilespmem:v27+s0+$0x0], $0xffff  }
0x10f: {  	v29 =	vor.u32 s16, v44;
	v31 =	vld.idx.msk [tilespmem:v31+s0+$0x0], $0xffff  }
0x110: {  	v36 =	vld [tilespmem:$0x1FC70]  }
0x111: {  	v37 =	vld.idx.msk [tilespmem:v20+s0+$0x0], $0xffff  }
0x112: {  	v20 =	vld [tilespmem:$0x1FC80]  }
0x113: {  	[tilespmem:v30+s26+$0x0] =	vst.idx.msk $0xffff, v32;
	v30 =	vld [tilespmem:$0x1FF00]  }
0x114: {  	v27 =	vor.u32 s16, v51;
	[tilespmem:v29+s26+$0x0] =	vst.idx.msk $0xffff, v24;
	v24 =	vld [tilespmem:$0x1FE90]  }
0x115: {  	v36 =	vor.u32 s16, v36;
	_ =	sdelay $0x1  }
0x116: {  	v20 =	vor.u32 s16, v20  }
0x117: {  	v30 =	vor.u32 s16, v30  }
0x118: {  	[tilespmem:v27+s26+$0x0] =	vst.idx.msk $0xffff, v33;
	v27 =	vld [tilespmem:$0x1FC90];
	v24 =	vor.u32 s16, v24  }
0x119: {  	[tilespmem:v36+s26+$0x0] =	vst.idx.msk $0xffff, v28;
	v28 =	vld [tilespmem:$0x1FFF0];
	_ =	sdelay $0x1  }
0x11a: {  	[tilespmem:v20+s26+$0x0] =	vst.idx.msk $0xffff, v22;
	v20 =	vld [tilespmem:$0x1FEA0]  }
0x11b: {  	[tilespmem:v30+s26+$0x0] =	vst.idx.msk $0xffff, v13;
	v13 =	vld [tilespmem:$0x1FEB0]  }
0x11c: {  	v27 =	vor.u32 s16, v27;
	[tilespmem:v24+s26+$0x0] =	vst.idx.msk $0xffff, v11;
	v11 =	vld [tilespmem:$0x1FEC0]  }
0x11d: {  	v28 =	vor.u32 s16, v28;
	_ =	sdelay $0x1  }
0x11e: {  	v20 =	vor.u32 s16, v20  }
0x11f: {  	v13 =	vor.u32 s16, v13  }
0x120: {  	[tilespmem:v27+s26+$0x0] =	vst.idx.msk $0xffff, v10;
	v10 =	vld [tilespmem:$0x1FCA0];
	v11 =	vor.u32 s16, v11  }
0x121: {  	[tilespmem:v28+s26+$0x0] =	vst.idx.msk $0xffff, v8;
	v8 =	vld [tilespmem:$0x1FCB0];
	_ =	sdelay $0x1  }
0x122: {  	[tilespmem:v20+s26+$0x0] =	vst.idx.msk $0xffff, v21;
	v20 =	vld [tilespmem:$0x1FCC0]  }
0x123: {  	[tilespmem:v13+s26+$0x0] =	vst.idx.msk $0xffff, v12;
	v12 =	vld [tilespmem:$0x1FCE0]  }
0x124: {  	v10 =	vor.u32 s16, v10;
	[tilespmem:v11+s26+$0x0] =	vst.idx.msk $0xffff, v9;
	v9 =	vld [tilespmem:$0x1FF10]  }
0x125: {  	v8 =	vor.u32 s16, v8;
	_ =	sdelay $0x1  }
0x126: {  	v20 =	vor.u32 s16, v20  }
0x127: {  	v12 =	vor.u32 s16, v12  }
0x128: {  	s19 =	smov.u32 s18;
	[tilespmem:v10+s26+$0x0] =	vst.idx.msk $0xffff, v25;
	v10 =	vld [tilespmem:$0x1FCF0];
	v9 =	vor.u32 s16, v9  }
0x129: {  	v11 =	vmov s19;
	[tilespmem:v8+s26+$0x0] =	vst.idx.msk $0xffff, v18;
	v8 =	vld [tilespmem:$0x1FED0]  }
0x12a: {  	v11 =	vshll.u32 v11, $0x5  }
0x12b: {  	v36 =	vor.u32 v39, v11;
	v11 =	vld [tilespmem:$0x1FD00];
	[tilespmem:v20+s26+$0x0] =	vst.idx.msk $0xffff, v16  }
0x12c: {  	[tilespmem:v12+s26+$0x0] =	vst.idx.msk $0xffff, v26;
	v12 =	vld [tilespmem:$0x1FEE0]  }
0x12d: {  	v10 =	vor.u32 s16, v10;
	[tilespmem:v9+s26+$0x0] =	vst.idx.msk $0xffff, v17;
	v9 =	vld [tilespmem:$0x1FEF0]  }
0x12e: {  	v8 =	vor.u32 s16, v8;
	_ =	sdelay $0x1  }
0x12f: {  	v11 =	vor.u32 s16, v11  }
0x130: {  	v12 =	vor.u32 s16, v12  }
0x131: {  	[tilespmem:v10+s26+$0x0] =	vst.idx.msk $0xffff, v14;
	v10 =	vld [tilespmem:$0x1FD10];
	v9 =	vor.u32 s16, v9  }
0x132: {  	[tilespmem:v8+s26+$0x0] =	vst.idx.msk $0xffff, v6;
	v8 =	vld [tilespmem:$0x1FF30]  }
0x133: {  	v6 =	vld [tilespmem:$0x1FD20]  }
0x134: {  	[tilespmem:v11+s26+$0x0] =	vst.idx.msk $0xffff, v2;
	v2 =	vld [tilespmem:$0x1FD30]  }
0x135: {  	[tilespmem:v12+s26+$0x0] =	vst.idx.msk $0xffff, v1;
	v1 =	vld [tilespmem:$0x1FD40]  }
0x136: {  	v10 =	vor.u32 s16, v10;
	[tilespmem:v9+s26+$0x0] =	vst.idx.msk $0xffff, v7;
	v7 =	vld [tilespmem:$0x1FD50]  }
0x137: {  	v28 =	vor.u32 v8, v36;
	v8 =	vld [tilespmem:$0x1FF40]  }
0x138: {  	v6 =	vor.u32 s16, v6  }
0x139: {  	v2 =	vor.u32 s16, v2  }
0x13a: {  	v13 =	vld [tilespmem:$0x1FF60];
	v1 =	vor.u32 s16, v1  }
0x13b: {  	[tilespmem:v10+s26+$0x0] =	vst.idx.msk $0xffff, v3;
	v3 =	vld [tilespmem:$0x1FD60];
	v7 =	vor.u32 s16, v7  }
0x13c: {  	v12 =	vor.u32 v8, v36;
	v8 =	vld [tilespmem:$0x1FE60]  }
0x13d: {  	[tilespmem:v6+s26+$0x0] =	vst.idx.msk $0xffff, v4;
	v4 =	vld [tilespmem:$0x1FD70]  }
0x13e: {  	[tilespmem:v2+s26+$0x0] =	vst.idx.msk $0xffff, v5;
	v2 =	vld [tilespmem:$0x1FD80]  }
0x13f: {  	[tilespmem:v1+s26+$0x0] =	vst.idx.msk $0xffff, v37;
	v1 =	vld [tilespmem:$0x1FD90]  }
0x140: {  	[tilespmem:v7+s26+$0x0] =	vst.idx.msk $0xffff, v31;
	v7 =	vld [tilespmem:$0x1FDA0]  }
0x141: {  	v3 =	vor.u32 s16, v3;
	v33 =	vor.u32 v8, v36;
	v8 =	vld [tilespmem:$0x1FF80]  }
0x142: {  	v22 =	vor.u32 v13, v36;
	v13 =	vld [tilespmem:$0x1FF20];
	v4 =	vor.u32 s16, v4  }
0x143: {  	v17 =	vld [tilespmem:$0x1FF70];
	v2 =	vor.u32 s16, v2  }
0x144: {  	v6 =	vld [tilespmem:$0x1FF50];
	v1 =	vor.u32 s16, v1  }
0x145: {  	v7 =	vor.u32 s16, v7  }
0x146: {  	[tilespmem:v3+s26+$0x0] =	vst.idx.msk $0xffff, v35;
	v8 =	vor.u32 v8, v36  }
0x147: {  	v20 =	vld [tilespmem:$0x1FF90];
	v13 =	vor.u32 v13, v36;
	[tilespmem:v4+s26+$0x0] =	vst.idx.msk $0xffff, v34  }
0x148: {  	v14 =	vld [tilespmem:$0x1FE80];
	v17 =	vor.u32 v17, v36;
	[tilespmem:v2+s26+$0x0] =	vst.idx.msk $0xffff, v23  }
0x149: {  	v9 =	vld [tilespmem:$0x1FE30];
	v6 =	vor.u32 v6, v36;
	[tilespmem:v1+s26+$0x0] =	vst.idx.msk $0xffff, v19  }
0x14a: {  	v1 =	vld [tilespmem:$0x1FE70];
	[tilespmem:v7+s26+$0x0] =	vst.idx.msk $0xffff, v15  }
0x14b: {  	v18 =	vor.u32 v40, v36;
	v8 =	vld.idx.msk [tilespmem:v8+s0+$0x0], $0xffff  }
0x14c: {  	v11 =	vld.idx.msk [tilespmem:v13+s0+$0x0], $0xffff  }
0x14d: {  	v25 =	vor.u32 v20, v36;
	v10 =	vld.idx.msk [tilespmem:v17+s0+$0x0], $0xffff  }
0x14e: {  	v13 =	vld.idx.msk [tilespmem:v6+s0+$0x0], $0xffff  }
0x14f: {  	v21 =	vor.u32 v41, v36;
	v2 =	vld.idx.msk [tilespmem:v12+s0+$0x0], $0xffff  }
0x150: {  	v32 =	vor.u32 v0, v36;
	v24 =	vld.idx.msk [tilespmem:v18+s0+$0x0], $0xffff  }
0x151: {  	v16 =	vor.u32 v38, v36;
	v22 =	vld.idx.msk [tilespmem:v22+s0+$0x0], $0xffff  }
0x152: {  	v14 =	vor.u32 v14, v36;
	v12 =	vld.idx.msk [tilespmem:v25+s0+$0x0], $0xffff  }
0x153: {  	v4 =	vor.u32 v61, v36;
	v6 =	vld.idx.msk [tilespmem:v28+s0+$0x0], $0xffff  }
0x154: {  	v28 =	vld.idx.msk [tilespmem:v21+s0+$0x0], $0xffff  }
0x155: {  	v38 =	vor.u32 v55, v36;
	v3 =	vld.idx.msk [tilespmem:v32+s0+$0x0], $0xffff  }
0x156: {  	v26 =	vor.u32 v54, v36;
	v32 =	vld.idx.msk [tilespmem:v16+s0+$0x0], $0xffff  }
0x157: {  	v42 =	vmov v39;
	v39 =	vor.u32 v57, v36;
	v21 =	vld.idx.msk [tilespmem:v14+s0+$0x0], $0xffff  }
0x158: {  	v9 =	vor.u32 v9, v36;
	v4 =	vld.idx.msk [tilespmem:v4+s0+$0x0], $0xffff  }
0x159: {  	v5 =	vor.u32 v53, v36;
	v7 =	vld.idx.msk [tilespmem:v33+s0+$0x0], $0xffff  }
0x15a: {  	v45 =	vmov v41;
	v41 =	vor.u32 v50, v36;
	v18 =	vld.idx.msk [tilespmem:v38+s0+$0x0], $0xffff  }
0x15b: {  	v17 =	vor.u32 v56, v36;
	v25 =	vld.idx.msk [tilespmem:v26+s0+$0x0], $0xffff  }
0x15c: {  	v14 =	vor.u32 v59, v36;
	v26 =	vld.idx.msk [tilespmem:v39+s0+$0x0], $0xffff  }
0x15d: {  	v43 =	vmov v40;
	v40 =	vor.u32 v58, v36;
	v15 =	vor.u32 v1, v36;
	v1 =	vld.idx.msk [tilespmem:v9+s0+$0x0], $0xffff  }
0x15e: {  	p1 =	sne.s32 s18, $0x70;
	v9 =	vld.idx.msk [tilespmem:v5+s0+$0x0], $0xffff  }
.Ltmp0:
0x15f: {  	v5 =	vld.idx.msk [tilespmem:v41+s0+$0x0], $0xffff;
	(pc) =	sbr.rel @p1 .LBB2_3-.Ltmp0, $4  }
0x160: {  	v16 =	vld.idx.msk [tilespmem:v17+s0+$0x0], $0xffff  }
0x161: {  	v27 =	vor.u32 v63, v36;
	v29 =	vor.u32 v47, v36;
	v30 =	vor.u32 v46, v36;
	v14 =	vld.idx.msk [tilespmem:v14+s0+$0x0], $0xffff  }
0x162: {  	v20 =	vor.u32 v48, v36;
	v31 =	vor.u32 v60, v36;
	v19 =	vor.u32 v62, v36;
	v17 =	vld.idx.msk [tilespmem:v40+s0+$0x0], $0xffff  }
0x163: {  	s18 =	sadd.s32 $0x10, s18;
	s16 =	smov.u32 s19;
	v38 =	vlaneseq.u32;
	v39 =	vmovc v42;
	v41 =	vmovc v45;
	v40 =	vmov v43;
	v33 =	vld.idx.msk [tilespmem:v15+s0+$0x0], $0xffff;
	v15 =	vor.u32 v49, v36  }
0x164: {  	_ =	sdelay $0x3  }
0x165: {  	v15 =	vld.idx.msk [tilespmem:v15+s0+$0x0], $0xffff  }
0x166: {  	v19 =	vld.idx.msk [tilespmem:v19+s0+$0x0], $0xffff  }
0x167: {  	v36 =	vld [tilespmem:$0x1FC70]  }
0x168: {  	v23 =	vld.idx.msk [tilespmem:v30+s0+$0x0], $0xffff  }
0x169: {  	v46 =	vor.u32 s16, v52;
	v29 =	vld.idx.msk [tilespmem:v29+s0+$0x0], $0xffff  }
0x16a: {  	v34 =	vor.u32 s16, v44;
	v27 =	vld.idx.msk [tilespmem:v27+s0+$0x0], $0xffff  }
0x16b: {  	v35 =	vor.u32 s16, v51;
	v37 =	vld [tilespmem:$0x1FC80]  }
0x16c: {  	v31 =	vld.idx.msk [tilespmem:v31+s0+$0x0], $0xffff;
	v36 =	vor.u32 s16, v36  }
0x16d: {  	v20 =	vld.idx.msk [tilespmem:v20+s0+$0x0], $0xffff  }
0x16e: {  	v49 =	vld [tilespmem:$0x1FF00];
	[tilespmem:v46+s26+$0x0] =	vst.idx.msk $0xffff, v32  }
0x16f: {  	v51 =	vld [tilespmem:$0x1FE90];
	[tilespmem:v34+s26+$0x0] =	vst.idx.msk $0xffff, v24  }
0x170: {  	v52 =	vld [tilespmem:$0x1FC90];
	v37 =	vor.u32 s16, v37;
	[tilespmem:v35+s26+$0x0] =	vst.idx.msk $0xffff, v33  }
0x171: {  	[tilespmem:v36+s26+$0x0] =	vst.idx.msk $0xffff, v28;
	v36 =	vld [tilespmem:$0x1FFF0];
	_ =	sdelay $0x1  }
0x172: {  	v30 =	vor.u32 s16, v49  }
0x173: {  	v24 =	vor.u32 s16, v51  }
0x174: {  	v32 =	vor.u32 s16, v52;
	[tilespmem:v37+s26+$0x0] =	vst.idx.msk $0xffff, v22;
	v37 =	vld [tilespmem:$0x1FEA0]  }
0x175: {  	v44 =	vld [tilespmem:$0x1FEB0];
	v28 =	vor.u32 s16, v36  }
0x176: {  	v49 =	vld [tilespmem:$0x1FEC0]  }
0x177: {  	v51 =	vld [tilespmem:$0x1FCA0];
	[tilespmem:v30+s26+$0x0] =	vst.idx.msk $0xffff, v13  }
0x178: {  	v52 =	vld [tilespmem:$0x1FCB0];
	[tilespmem:v24+s26+$0x0] =	vst.idx.msk $0xffff, v11  }
0x179: {  	v24 =	vld [tilespmem:$0x1FCC0];
	[tilespmem:v32+s26+$0x0] =	vst.idx.msk $0xffff, v10;
	v22 =	vor.u32 s16, v37  }
0x17a: {  	v13 =	vor.u32 s16, v44;
	[tilespmem:v28+s26+$0x0] =	vst.idx.msk $0xffff, v8;
	v28 =	vld [tilespmem:$0x1FCE0]  }
0x17b: {  	v30 =	vld [tilespmem:$0x1FF10];
	v11 =	vor.u32 s16, v49  }
0x17c: {  	v10 =	vor.u32 s16, v51;
	v32 =	vld [tilespmem:$0x1FCF0]  }
0x17d: {  	v33 =	vld [tilespmem:$0x1FED0];
	v8 =	vor.u32 s16, v52  }
0x17e: {  	v34 =	vld [tilespmem:$0x1FD00];
	[tilespmem:v22+s26+$0x0] =	vst.idx.msk $0xffff, v21;
	v21 =	vor.u32 s16, v24  }
0x17f: {  	v35 =	vld [tilespmem:$0x1FEE0];
	[tilespmem:v13+s26+$0x0] =	vst.idx.msk $0xffff, v12;
	v12 =	vor.u32 s16, v28  }
0x180: {  	[tilespmem:v11+s26+$0x0] =	vst.idx.msk $0xffff, v9;
	v9 =	vor.u32 s16, v30  }
0x181: {  	[tilespmem:v10+s26+$0x0] =	vst.idx.msk $0xffff, v25;
	v10 =	vor.u32 s16, v32  }
0x182: {  	[tilespmem:v8+s26+$0x0] =	vst.idx.msk $0xffff, v18;
	v8 =	vor.u32 s16, v33  }
0x183: {  	v11 =	vor.u32 s16, v34;
	[tilespmem:v21+s26+$0x0] =	vst.idx.msk $0xffff, v16  }
0x184: {  	[tilespmem:v12+s26+$0x0] =	vst.idx.msk $0xffff, v26;
	v12 =	vor.u32 s16, v35  }
0x185: {  	v46 =	vmov v36;
	v36 =	vld [tilespmem:$0x1FEF0];
	[tilespmem:v9+s26+$0x0] =	vst.idx.msk $0xffff, v17  }
0x186: {  	v37 =	vld [tilespmem:$0x1FD10];
	[tilespmem:v10+s26+$0x0] =	vst.idx.msk $0xffff, v14  }
0x187: {  	v44 =	vld [tilespmem:$0x1FD20];
	[tilespmem:v8+s26+$0x0] =	vst.idx.msk $0xffff, v6  }
0x188: {  	[tilespmem:v11+s26+$0x0] =	vst.idx.msk $0xffff, v2;
	v2 =	vld [tilespmem:$0x1FD30]  }
0x189: {  	[tilespmem:v12+s26+$0x0] =	vst.idx.msk $0xffff, v1;
	v1 =	vld [tilespmem:$0x1FD40]  }
0x18a: {  	v9 =	vor.u32 s16, v36  }
0x18b: {  	v10 =	vor.u32 s16, v37  }
0x18c: {  	v6 =	vor.u32 s16, v44  }
0x18d: {  	v2 =	vor.u32 s16, v2  }
0x18e: {  	v1 =	vor.u32 s16, v1  }
0x18f: {  	v49 =	vld [tilespmem:$0x1FD50];
	[tilespmem:v9+s26+$0x0] =	vst.idx.msk $0xffff, v7  }
0x190: {  	[tilespmem:v10+s26+$0x0] =	vst.idx.msk $0xffff, v3;
	v3 =	vld [tilespmem:$0x1FD60]  }
0x191: {  	v51 =	vld [tilespmem:$0x1FD70];
	[tilespmem:v6+s26+$0x0] =	vst.idx.msk $0xffff, v4  }
0x192: {  	[tilespmem:v2+s26+$0x0] =	vst.idx.msk $0xffff, v5;
	v2 =	vld [tilespmem:$0x1FD80]  }
0x193: {  	[tilespmem:v1+s26+$0x0] =	vst.idx.msk $0xffff, v20;
	v1 =	vld [tilespmem:$0x1FD90]  }
0x194: {  	v52 =	vld [tilespmem:$0x1FDA0];
	v7 =	vor.u32 s16, v49  }
0x195: {  	v3 =	vor.u32 s16, v3  }
0x196: {  	s18 =	smulhi.u32 $0x4EC4EC4F, s17;
	v4 =	vor.u32 s16, v51  }
0x197: {  	v2 =	vor.u32 s16, v2  }
0x198: {  	s18 =	sshrl.u32 s18, $0x3;
	v1 =	vor.u32 s16, v1  }
0x199: {  	s19 =	smul.u32 $0x1A, s18;
	v5 =	vor.u32 s16, v52;
	[tilespmem:v7+s26+$0x0] =	vst.idx.msk $0xffff, v31  }
0x19a: {  	[tilespmem:v3+s26+$0x0] =	vst.idx.msk $0xffff, v27  }
0x19b: {  	s18 =	ssub.s32 s17, s19;
	[tilespmem:v4+s26+$0x0] =	vst.idx.msk $0xffff, v29  }
0x19c: {  	s18 =	sshll.u32 s18, $0x10;
	s16 =	sadd.s32 s15, s6;
	[tilespmem:v2+s26+$0x0] =	vst.idx.msk $0xffff, v23  }
0x19d: {  	s19 =	sadd.s32 s2, s18;
	s15 =	sshll.u32 s16, $0x7;
	[tilespmem:v1+s26+$0x0] =	vst.idx.msk $0xffff, v19  }
0x19e: {  	s19 =	sadd.s32 s15, s19;
	s18 =	sor.u32 s15, s18;
	[tilespmem:v5+s26+$0x0] =	vst.idx.msk $0xffff, v15  }
0x19f: {  	[hbm4b:s19+s3] =	stream.linear.scatter [tilespmem:s26], [sflag:$0x3], $0x400, $0x38;
	[tilespmem:$0x8000] =	vst v63  }
0x1a0: {  	v61 =	vld [tilespmem:$0x1FF40];
	s19 =	sadd.s32 s2, s18  }
0x1a1: {  	v60 =	vld [tilespmem:$0x1FF30];
	p1 =	sne.s32 s12, $0x33;
	s20 =	sadd.s32 $0x4000, s19  }
0x1a2: {  	v0 =	vld [tilespmem:$0x1FF90];
	[hbm4b:s20+s3] =	stream.linear.scatter [tilespmem:s28], [sflag:$0x3], $0x400, $0x38  }
.Ltmp1:
0x1a3: {  	v50 =	vld [tilespmem:$0x1FF80];
	(pc) =	sbr.rel @p1 .LBB2_6-.Ltmp1, $4  }
0x1a4: {  	v62 =	vld [tilespmem:$0x1FF70];
	s18 =	sadd.s32 s18, s22  }
0x1a5: {  	v48 =	vld [tilespmem:$0x1FF20];
	[hbm4b:s18+s3] =	stream.linear.scatter [tilespmem:s29], [sflag:$0x3], $0x400, $0x38  }
0x1a6: {  	v47 =	vld [tilespmem:$0x1FF50];
	s20 =	sadd.s32 $0xC000, s19  }
0x1a7: {  	v63 =	vld [tilespmem:$0x1FF60];
	[hbm4b:s20+s3] =	stream.linear.scatter [tilespmem:s30], [sflag:$0x3], $0x400, $0x38  }
.Ltmp2:
0x1a8: {  	(pc) =	sbr.rel .LBB2_7-.Ltmp2, $4  }
0x1a9: {  	_ =	swait.ge [sflag:s25], $0x1000  }
0x1aa: {  	v2 =	vld [tilespmem:$0x1FE30]  }
0x1ab: {  	[sflag:s25] =	ssyncset.done $0x0;
	v17 =	vld [tilespmem:$0x1FE60]  }
0x1ac: {  	v9 =	vmov v0;
	v0 =	vld [tilespmem:$0x1FE10];
	[sflag:s25] =	ssyncadd.s32 $0xFFFFF000  }
.LBB2_6:
0x1ad: {  	s17 =	sadd.s32 $0x2, s17  }
0x1ae: {  	s18 =	smulhi.u32 $0x4EC4EC4F, s17;
	_ =	sdelay $0x1  }
0x1af: {  	s18 =	sshrl.u32 s18, $0x3  }
0x1b0: {  	s19 =	smul.u32 $0x1A, s18;
	_ =	sdelay $0x1  }
0x1b1: {  	s17 =	ssub.s32 s17, s19  }
0x1b2: {  	s18 =	sshll.u32 s18, $0xC;
	s17 =	sshll.u32 s17, $0x7  }
0x1b3: {  	s17 =	sor.u32 s18, s17  }
0x1b4: {  	s17 =	sand.u32 $0x3FFFFF00, s17  }
0x1b5: {  	[tilespmem:s0], [sflag:$0x2] =	stream.indirect.gather [hbm4b:s4+s1], $0x20, s17, s1, $0xb8;
	[tilespmem:$0x8000] =	vst v63  }
.Ltmp3:
0x1b6: {  	_ = 	snop;
	(pc) =	sbr.rel @p0 .LBB2_8-.Ltmp3, $4  }
0x1b7: {  	_ =	swait.ge [sflag:s25], $0x1000  }
0x1b8: {  	v2 =	vld [tilespmem:$0x1FE30]  }
0x1b9: {  	[sflag:s25] =	ssyncset.done $0x0;
	v17 =	vld [tilespmem:$0x1FE60]  }
0x1ba: {  	v9 =	vmov v0;
	v0 =	vld [tilespmem:$0x1FE10];
	[sflag:s25] =	ssyncadd.s32 $0xFFFFF000  }
.LBB2_7:
0x1bb: {  	_ =	swait.ge [sflag:s5], $0x1000  }
0x1bc: {  	[sflag:s5] =	ssyncset.done $0x0  }
0x1bd: {  	[sflag:s5] =	ssyncadd.s32 $0xFFFFF000  }
.LBB2_8:
0x1be: {  	v34 =	vld [tilespmem:$0x1FCD0]  }
0x1bf: {  	v35 =	vld [tilespmem:$0x1FC50]  }
0x1c0: {  	v36 =	vld [tilespmem:$0x1FC60]  }
0x1c1: {  	v37 =	vld [tilespmem:$0x1FC70]  }
0x1c2: {  	s17 =	simm.s32 $0x0;
	v52 =	vld [tilespmem:$0x1FEA0]  }
0x1c3: {  	v44 =	vld [tilespmem:$0x1FED0];
	v1 =	vmov s17  }
0x1c4: {  	v51 =	vld [tilespmem:$0x1FD30];
	v1 =	vshll.u32 v1, $0x5  }
0x1c5: {  	v49 =	vld [tilespmem:$0x1FD50];
	v18 =	vor.u32 v39, v1  }
0x1c6: {  	v4 =	vor.u32 v62, v18;
	v62 =	vld [tilespmem:$0x1FC80]  }
0x1c7: {  	v5 =	vor.u32 v47, v18;
	v47 =	vld [tilespmem:$0x1FF00]  }
0x1c8: {  	v23 =	vor.u32 v58, v18;
	v58 =	vld [tilespmem:$0x1FE90]  }
0x1c9: {  	v7 =	vor.u32 v61, v18;
	v61 =	vld [tilespmem:$0x1FEB0]  }
0x1ca: {  	v1 =	vor.u32 v2, v18;
	v20 =	vor.u32 v54, v18;
	v54 =	vld [tilespmem:$0x1FCE0]  }
0x1cb: {  	v3 =	vor.u32 v48, v18;
	v24 =	vor.u32 v57, v18;
	v57 =	vld [tilespmem:$0x1FD00]  }
0x1cc: {  	v2 =	vor.u32 v50, v18;
	v50 =	vld [tilespmem:$0x1FEE0]  }
0x1cd: {  	v48 =	vld [tilespmem:$0x1FD10]  }
0x1ce: {  	v6 =	vor.u32 v53, v18;
	v15 =	vor.u32 v38, v18;
	v53 =	vld [tilespmem:$0x1FD40]  }
0x1cf: {  	v1 =	vld.idx.msk [tilespmem:v1+s24+$0x0], $0xffff  }
0x1d0: {  	v11 =	vld.idx.msk [tilespmem:v3+s24+$0x0], $0xffff;
	v3 =	vor.u32 v63, v18  }
0x1d1: {  	v8 =	vld.idx.msk [tilespmem:v2+s24+$0x0], $0xffff  }
0x1d2: {  	v10 =	vld.idx.msk [tilespmem:v4+s24+$0x0], $0xffff  }
0x1d3: {  	v32 =	vld.idx.msk [tilespmem:v15+s24+$0x0], $0xffff;
	v15 =	vor.u32 v55, v18  }
0x1d4: {  	v13 =	vld.idx.msk [tilespmem:v5+s24+$0x0], $0xffff  }
0x1d5: {  	v22 =	vld.idx.msk [tilespmem:v3+s24+$0x0], $0xffff  }
0x1d6: {  	v3 =	vld [tilespmem:$0x1FE80]  }
0x1d7: {  	v12 =	vor.u32 v40, v18;
	v4 =	vor.u32 v9, v18;
	v9 =	vld.idx.msk [tilespmem:v6+s24+$0x0], $0xffff  }
0x1d8: {  	v19 =	vld.idx.msk [tilespmem:v15+s24+$0x0], $0xffff  }
0x1d9: {  	v15 =	vld [tilespmem:$0x1FDD0]  }
0x1da: {  	v2 =	vld.idx.msk [tilespmem:v7+s24+$0x0], $0xffff  }
0x1db: {  	v16 =	vor.u32 v3, v18;
	v3 =	vld [tilespmem:$0x1FDB0]  }
0x1dc: {  	v14 =	vor.u32 v41, v18;
	v25 =	vld.idx.msk [tilespmem:v12+s24+$0x0], $0xffff  }
0x1dd: {  	v26 =	vld.idx.msk [tilespmem:v20+s24+$0x0], $0xffff  }
0x1de: {  	v20 =	vor.u32 v15, v18;
	v15 =	vld [tilespmem:$0x1FDF0]  }
0x1df: {  	v12 =	vld.idx.msk [tilespmem:v4+s24+$0x0], $0xffff  }
0x1e0: {  	v7 =	vor.u32 v0, v18;
	v4 =	vor.u32 v3, v18;
	v3 =	vld [tilespmem:$0x1FE70]  }
0x1e1: {  	v28 =	vld.idx.msk [tilespmem:v14+s24+$0x0], $0xffff  }
0x1e2: {  	v24 =	vld.idx.msk [tilespmem:v24+s24+$0x0], $0xffff  }
0x1e3: {  	v27 =	vor.u32 v15, v18;
	v15 =	vld [tilespmem:$0x1FE00]  }
0x1e4: {  	v5 =	vor.u32 v60, v18;
	v60 =	vld [tilespmem:$0x1FEC0]  }
0x1e5: {  	v14 =	vor.u32 v3, v18;
	v3 =	vld.idx.msk [tilespmem:v7+s24+$0x0], $0xffff  }
0x1e6: {  	v7 =	vld [tilespmem:$0x1FDC0]  }
0x1e7: {  	v0 =	vld [tilespmem:$0x1FCF0]  }
0x1e8: {  	v29 =	vor.u32 v15, v18;
	v15 =	vld [tilespmem:$0x1FE20]  }
0x1e9: {  	v6 =	vld.idx.msk [tilespmem:v5+s24+$0x0], $0xffff;
	v5 =	vor.u32 v17, v18  }
0x1ea: {  	v63 =	vld [tilespmem:$0x1FEF0]  }
0x1eb: {  	v55 =	vld [tilespmem:$0x1FF10];
	v17 =	vor.u32 v7, v18  }
0x1ec: {  	v21 =	vld.idx.msk [tilespmem:v16+s24+$0x0], $0xffff  }
0x1ed: {  	v31 =	vor.u32 v15, v18;
	v15 =	vld [tilespmem:$0x1FDE0]  }
0x1ee: {  	v7 =	vld.idx.msk [tilespmem:v5+s24+$0x0], $0xffff  }
0x1ef: {  	v33 =	vld.idx.msk [tilespmem:v14+s24+$0x0], $0xffff  }
0x1f0: {  	v5 =	vld.idx.msk [tilespmem:v17+s24+$0x0], $0xffff  }
0x1f1: {  	v16 =	vor.u32 v56, v18;
	v17 =	vld.idx.msk [tilespmem:v23+s24+$0x0], $0xffff  }
0x1f2: {  	v30 =	vor.u32 v15, v18;
	v15 =	vld [tilespmem:$0x1FE50]  }
0x1f3: {  	v14 =	vor.u32 v59, v18;
	v23 =	vld [tilespmem:$0x1FE40]  }
0x1f4: {  	v56 =	vld [tilespmem:$0x1FD20]  }
0x1f5: {  	v4 =	vld.idx.msk [tilespmem:v4+s24+$0x0], $0xffff  }
0x1f6: {  	v16 =	vld.idx.msk [tilespmem:v16+s24+$0x0], $0xffff  }
0x1f7: {  	v59 =	vld [tilespmem:$0x1FC90];
	v15 =	vor.u32 v15, v18  }
0x1f8: {  	s18 =	simm.s32 $0x10;
	v14 =	vld.idx.msk [tilespmem:v14+s24+$0x0], $0xffff;
	v18 =	vor.u32 v23, v18  }
.LBB2_9:
0x1f9: {  	_ =	sdelay $0x2  }
0x1fa: {  	v15 =	vld.idx.msk [tilespmem:v15+s24+$0x0], $0xffff  }
0x1fb: {  	v23 =	vld.idx.msk [tilespmem:v31+s24+$0x0], $0xffff;
	v31 =	vor.u32 s17, v34  }
0x1fc: {  	v34 =	vld.idx.msk [tilespmem:v29+s24+$0x0], $0xffff;
	v29 =	vor.u32 s17, v35  }
0x1fd: {  	v35 =	vld.idx.msk [tilespmem:v27+s24+$0x0], $0xffff;
	v27 =	vor.u32 s17, v36  }
0x1fe: {  	v18 =	vld.idx.msk [tilespmem:v18+s24+$0x0], $0xffff;
	v36 =	vor.u32 s17, v37  }
0x1ff: {  	v37 =	vld.idx.msk [tilespmem:v20+s24+$0x0], $0xffff;
	v20 =	vor.u32 s17, v62  }
0x200: {  	v30 =	vld.idx.msk [tilespmem:v30+s24+$0x0], $0xffff;
	[tilespmem:v31+s7+$0x0] =	vst.idx.msk $0xffff, v32;
	v31 =	vor.u32 s17, v47  }
0x201: {  	[tilespmem:v29+s7+$0x0] =	vst.idx.msk $0xffff, v25;
	v25 =	vor.u32 s17, v58  }
0x202: {  	[tilespmem:v27+s7+$0x0] =	vst.idx.msk $0xffff, v33;
	v27 =	vor.u32 s17, v59  }
0x203: {  	[tilespmem:v36+s7+$0x0] =	vst.idx.msk $0xffff, v28;
	v28 =	vor.u32 s17, v46  }
0x204: {  	[tilespmem:v20+s7+$0x0] =	vst.idx.msk $0xffff, v22;
	v20 =	vor.u32 s17, v52  }
0x205: {  	[tilespmem:v31+s7+$0x0] =	vst.idx.msk $0xffff, v13  }
0x206: {  	[tilespmem:v25+s7+$0x0] =	vst.idx.msk $0xffff, v11  }
0x207: {  	[tilespmem:v27+s7+$0x0] =	vst.idx.msk $0xffff, v10;
	v10 =	vld [tilespmem:$0x1FCA0]  }
0x208: {  	[tilespmem:v28+s7+$0x0] =	vst.idx.msk $0xffff, v8;
	v8 =	vld [tilespmem:$0x1FCB0]  }
0x209: {  	[tilespmem:v20+s7+$0x0] =	vst.idx.msk $0xffff, v21;
	v20 =	vld [tilespmem:$0x1FCC0]  }
0x20a: {  	v13 =	vor.u32 s17, v61  }
0x20b: {  	v11 =	vor.u32 s17, v60  }
0x20c: {  	v10 =	vor.u32 s17, v10  }
0x20d: {  	v8 =	vor.u32 s17, v8  }
0x20e: {  	v20 =	vor.u32 s17, v20  }
0x20f: {  	[tilespmem:v13+s7+$0x0] =	vst.idx.msk $0xffff, v12;
	v12 =	vor.u32 s17, v54  }
0x210: {  	[tilespmem:v11+s7+$0x0] =	vst.idx.msk $0xffff, v9;
	v9 =	vor.u32 s17, v55  }
0x211: {  	s19 =	smov.u32 s18;
	v13 =	vld [tilespmem:$0x1FF60];
	[tilespmem:v10+s7+$0x0] =	vst.idx.msk $0xffff, v26;
	v10 =	vor.u32 s17, v0  }
0x212: {  	v11 =	vmov s19;
	[tilespmem:v8+s7+$0x0] =	vst.idx.msk $0xffff, v19;
	v8 =	vor.u32 s17, v44  }
0x213: {  	v11 =	vshll.u32 v11, $0x5;
	[tilespmem:v20+s7+$0x0] =	vst.idx.msk $0xffff, v16  }
0x214: {  	v36 =	vor.u32 v39, v11;
	v11 =	vor.u32 s17, v57;
	[tilespmem:v12+s7+$0x0] =	vst.idx.msk $0xffff, v24  }
0x215: {  	v12 =	vor.u32 s17, v50;
	[tilespmem:v9+s7+$0x0] =	vst.idx.msk $0xffff, v17  }
0x216: {  	v22 =	vor.u32 v13, v36;
	v13 =	vld [tilespmem:$0x1FF20];
	v9 =	vor.u32 s17, v63;
	[tilespmem:v10+s7+$0x0] =	vst.idx.msk $0xffff, v14  }
0x217: {  	[tilespmem:v8+s7+$0x0] =	vst.idx.msk $0xffff, v6;
	v8 =	vld [tilespmem:$0x1FFB0]  }
0x218: {  	v20 =	vld [tilespmem:$0x1FF90];
	v10 =	vor.u32 s17, v48  }
0x219: {  	v17 =	vld [tilespmem:$0x1FF70];
	[tilespmem:v11+s7+$0x0] =	vst.idx.msk $0xffff, v2  }
0x21a: {  	v14 =	vld [tilespmem:$0x1FE80];
	v6 =	vor.u32 s17, v56;
	[tilespmem:v12+s7+$0x0] =	vst.idx.msk $0xffff, v1  }
0x21b: {  	[tilespmem:v9+s7+$0x0] =	vst.idx.msk $0xffff, v7;
	v9 =	vld [tilespmem:$0x1FE30]  }
0x21c: {  	v26 =	vor.u32 v8, v36;
	v8 =	vld [tilespmem:$0x1FFD0]  }
0x21d: {  	v2 =	vor.u32 s17, v51;
	[tilespmem:v10+s7+$0x0] =	vst.idx.msk $0xffff, v3;
	v3 =	vld [tilespmem:$0x1FD60]  }
0x21e: {  	v1 =	vor.u32 s17, v53;
	v10 =	vld [tilespmem:$0x1FDE0]  }
0x21f: {  	v7 =	vor.u32 s17, v49;
	[tilespmem:v6+s7+$0x0] =	vst.idx.msk $0xffff, v4;
	v4 =	vld [tilespmem:$0x1FD70]  }
0x220: {  	v6 =	vld [tilespmem:$0x1FDF0]  }
0x221: {  	v16 =	vor.u32 v38, v36;
	v38 =	vor.u32 v8, v36;
	v8 =	vld [tilespmem:$0x1FC30]  }
0x222: {  	[tilespmem:v2+s7+$0x0] =	vst.idx.msk $0xffff, v5;
	v2 =	vld [tilespmem:$0x1FD80]  }
0x223: {  	[tilespmem:v1+s7+$0x0] =	vst.idx.msk $0xffff, v37;
	v1 =	vld [tilespmem:$0x1FD90]  }
0x224: {  	[tilespmem:v7+s7+$0x0] =	vst.idx.msk $0xffff, v30;
	v7 =	vld [tilespmem:$0x1FDA0];
	v3 =	vor.u32 s17, v3  }
0x225: {  	v27 =	vor.u32 v6, v36;
	v6 =	vld [tilespmem:$0x1FE00]  }
0x226: {  	v4 =	vor.u32 s17, v4;
	v39 =	vor.u32 v8, v36;
	v8 =	vld [tilespmem:$0x1FC40]  }
0x227: {  	v5 =	vld [tilespmem:$0x1FFA0];
	v2 =	vor.u32 s17, v2  }
0x228: {  	v37 =	vld [tilespmem:$0x1FC70];
	v1 =	vor.u32 s17, v1  }
0x229: {  	v7 =	vor.u32 s17, v7;
	[tilespmem:v3+s7+$0x0] =	vst.idx.msk $0xffff, v35;
	v35 =	vld [tilespmem:$0x1FC50]  }
0x22a: {  	v13 =	vor.u32 v13, v36;
	v29 =	vor.u32 v6, v36;
	v6 =	vld [tilespmem:$0x1FE20]  }
0x22b: {  	v19 =	vor.u32 v40, v36;
	[tilespmem:v4+s7+$0x0] =	vst.idx.msk $0xffff, v34;
	v40 =	vor.u32 v8, v36;
	v8 =	vld [tilespmem:$0x1FF30]  }
0x22c: {  	v17 =	vor.u32 v17, v36;
	v34 =	vld [tilespmem:$0x1FCD0];
	[tilespmem:v2+s7+$0x0] =	vst.idx.msk $0xffff, v23  }
0x22d: {  	v2 =	vld [tilespmem:$0x1FDB0];
	[tilespmem:v1+s7+$0x0] =	vst.idx.msk $0xffff, v18  }
0x22e: {  	v1 =	vld [tilespmem:$0x1FE70];
	[tilespmem:v7+s7+$0x0] =	vst.idx.msk $0xffff, v15  }
0x22f: {  	v11 =	vld.idx.msk [tilespmem:v13+s24+$0x0], $0xffff  }
0x230: {  	v28 =	vor.u32 v8, v36;
	v8 =	vld [tilespmem:$0x1FF40]  }
0x231: {  	v30 =	vor.u32 v10, v36;
	v10 =	vld.idx.msk [tilespmem:v17+s24+$0x0], $0xffff  }
0x232: {  	v25 =	vld.idx.msk [tilespmem:v19+s24+$0x0], $0xffff  }
0x233: {  	v22 =	vld.idx.msk [tilespmem:v22+s24+$0x0], $0xffff  }
0x234: {  	v9 =	vor.u32 v9, v36;
	v31 =	vor.u32 v6, v36;
	v6 =	vld [tilespmem:$0x1FF50]  }
0x235: {  	v12 =	vor.u32 v8, v36;
	v8 =	vld [tilespmem:$0x1FE60]  }
0x236: {  	v5 =	vor.u32 v5, v36;
	v19 =	vld.idx.msk [tilespmem:v38+s24+$0x0], $0xffff  }
0x237: {  	v26 =	vld.idx.msk [tilespmem:v26+s24+$0x0], $0xffff  }
0x238: {  	v4 =	vor.u32 v2, v36;
	v2 =	vld [tilespmem:$0x1FFC0]  }
0x239: {  	v15 =	vor.u32 v1, v36;
	v1 =	vld.idx.msk [tilespmem:v9+s24+$0x0], $0xffff;
	v6 =	vor.u32 v6, v36  }
0x23a: {  	v33 =	vor.u32 v8, v36;
	v8 =	vld [tilespmem:$0x1FE10]  }
0x23b: {  	v9 =	vld.idx.msk [tilespmem:v5+s24+$0x0], $0xffff  }
0x23c: {  	v21 =	vor.u32 v41, v36;
	v5 =	vld [tilespmem:$0x1FFE0]  }
0x23d: {  	v14 =	vor.u32 v14, v36;
	v4 =	vld.idx.msk [tilespmem:v4+s24+$0x0], $0xffff  }
0x23e: {  	v13 =	vld.idx.msk [tilespmem:v6+s24+$0x0], $0xffff  }
0x23f: {  	v32 =	vor.u32 v8, v36;
	v8 =	vld [tilespmem:$0x1FDC0]  }
0x240: {  	v24 =	vor.u32 v20, v36;
	v6 =	vld.idx.msk [tilespmem:v28+s24+$0x0], $0xffff  }
0x241: {  	v28 =	vld.idx.msk [tilespmem:v21+s24+$0x0], $0xffff  }
0x242: {  	v21 =	vld.idx.msk [tilespmem:v14+s24+$0x0], $0xffff  }
0x243: {  	v17 =	vor.u32 v2, v36;
	v2 =	vld.idx.msk [tilespmem:v12+s24+$0x0], $0xffff  }
0x244: {  	v41 =	vor.u32 v8, v36;
	v8 =	vld [tilespmem:$0x1FDD0]  }
0x245: {  	v12 =	vld.idx.msk [tilespmem:v24+s24+$0x0], $0xffff  }
0x246: {  	v7 =	vld.idx.msk [tilespmem:v33+s24+$0x0], $0xffff  }
0x247: {  	v33 =	vld.idx.msk [tilespmem:v15+s24+$0x0], $0xffff  }
0x248: {  	v3 =	vld.idx.msk [tilespmem:v32+s24+$0x0], $0xffff  }
0x249: {  	v14 =	vor.u32 v5, v36;
	v20 =	vor.u32 v8, v36;
	v8 =	vld [tilespmem:$0x1FF80]  }
0x24a: {  	v32 =	vld.idx.msk [tilespmem:v16+s24+$0x0], $0xffff  }
0x24b: {  	v16 =	vld.idx.msk [tilespmem:v17+s24+$0x0], $0xffff  }
0x24c: {  	v17 =	vld [tilespmem:$0x1FE40]  }
0x24d: {  	v15 =	vld [tilespmem:$0x1FE50]  }
0x24e: {  	p0 =	sne.s32 s18, $0x70;
	v14 =	vld.idx.msk [tilespmem:v14+s24+$0x0], $0xffff;
	v8 =	vor.u32 v8, v36  }
.Ltmp4:
0x24f: {  	v24 =	vld.idx.msk [tilespmem:v39+s24+$0x0], $0xffff;
	(pc) =	sbr.rel @p0 .LBB2_9-.Ltmp4, $4  }
0x250: {  	v5 =	vld.idx.msk [tilespmem:v41+s24+$0x0], $0xffff  }
0x251: {  	v18 =	vor.u32 v17, v36;
	v17 =	vld.idx.msk [tilespmem:v40+s24+$0x0], $0xffff  }
0x252: {  	v15 =	vor.u32 v15, v36;
	v36 =	vld [tilespmem:$0x1FC60]  }
0x253: {  	s18 =	sadd.s32 $0x10, s18;
	s17 =	smov.u32 s19;
	v38 =	vlaneseq.u32;
	v39 =	vmovc v42;
	v41 =	vmov v45;
	v40 =	vmov v43;
	v8 =	vld.idx.msk [tilespmem:v8+s24+$0x0], $0xffff  }
0x254: {  	_ =	sdelay $0x3  }
0x255: {  	v15 =	vld.idx.msk [tilespmem:v15+s24+$0x0], $0xffff  }
0x256: {  	v23 =	vld.idx.msk [tilespmem:v31+s24+$0x0], $0xffff;
	v31 =	vor.u32 s17, v34  }
0x257: {  	v18 =	vld.idx.msk [tilespmem:v18+s24+$0x0], $0xffff;
	v34 =	vor.u32 s17, v35  }
0x258: {  	v29 =	vld.idx.msk [tilespmem:v29+s24+$0x0], $0xffff;
	v42 =	vor.u32 s17, v36  }
0x259: {  	v27 =	vld.idx.msk [tilespmem:v27+s24+$0x0], $0xffff;
	v43 =	vor.u32 s17, v37  }
0x25a: {  	v30 =	vld.idx.msk [tilespmem:v30+s24+$0x0], $0xffff;
	v45 =	vor.u32 s17, v62  }
0x25b: {  	v20 =	vld.idx.msk [tilespmem:v20+s24+$0x0], $0xffff;
	[tilespmem:v31+s7+$0x0] =	vst.idx.msk $0xffff, v32;
	v31 =	vor.u32 s17, v47  }
0x25c: {  	[tilespmem:v34+s7+$0x0] =	vst.idx.msk $0xffff, v25;
	v25 =	vor.u32 s17, v58  }
0x25d: {  	v47 =	vor.u32 s17, v59;
	[tilespmem:v42+s7+$0x0] =	vst.idx.msk $0xffff, v33  }
0x25e: {  	[tilespmem:v43+s7+$0x0] =	vst.idx.msk $0xffff, v28;
	v28 =	vor.u32 s17, v46  }
0x25f: {  	[tilespmem:v45+s7+$0x0] =	vst.idx.msk $0xffff, v22;
	v22 =	vor.u32 s17, v52  }
0x260: {  	[tilespmem:v31+s7+$0x0] =	vst.idx.msk $0xffff, v13  }
0x261: {  	[tilespmem:v25+s7+$0x0] =	vst.idx.msk $0xffff, v11  }
0x262: {  	v59 =	vld [tilespmem:$0x1FCA0];
	[tilespmem:v47+s7+$0x0] =	vst.idx.msk $0xffff, v10  }
0x263: {  	v58 =	vor.u32 s17, v60;
	v60 =	vld [tilespmem:$0x1FCB0];
	[tilespmem:v28+s7+$0x0] =	vst.idx.msk $0xffff, v8  }
0x264: {  	[tilespmem:v22+s7+$0x0] =	vst.idx.msk $0xffff, v21;
	v21 =	vld [tilespmem:$0x1FCC0]  }
0x265: {  	v52 =	vor.u32 s17, v61;
	_ =	sdelay $0x1  }
0x266: {  	v10 =	vor.u32 s17, v59  }
0x267: {  	v37 =	vor.u32 s17, v48;
	v48 =	vld [tilespmem:$0x1FD70];
	v8 =	vor.u32 s17, v60  }
0x268: {  	v35 =	vor.u32 s17, v50;
	v50 =	vld [tilespmem:$0x1FD80];
	v21 =	vor.u32 s17, v21  }
0x269: {  	v33 =	vor.u32 s17, v44;
	v44 =	vor.u32 s17, v53;
	v53 =	vld [tilespmem:$0x1FE80];
	v61 =	vor.u32 s17, v54;
	[tilespmem:v52+s7+$0x0] =	vst.idx.msk $0xffff, v12  }
0x26a: {  	v62 =	vor.u32 s17, v55;
	v42 =	vor.u32 s17, v56;
	v56 =	vld [tilespmem:$0x1FFE0];
	[tilespmem:v58+s7+$0x0] =	vst.idx.msk $0xffff, v9  }
0x26b: {  	v32 =	vor.u32 s17, v0;
	v46 =	vld [tilespmem:$0x1FD60];
	[tilespmem:v10+s7+$0x0] =	vst.idx.msk $0xffff, v26  }
0x26c: {  	v31 =	vld [tilespmem:$0x1FE00];
	[tilespmem:v8+s7+$0x0] =	vst.idx.msk $0xffff, v19  }
0x26d: {  	v34 =	vor.u32 s17, v57;
	v25 =	vld [tilespmem:$0x1FE70];
	[tilespmem:v21+s7+$0x0] =	vst.idx.msk $0xffff, v16  }
0x26e: {  	v59 =	vld [tilespmem:$0x1FFC0];
	[tilespmem:v61+s7+$0x0] =	vst.idx.msk $0xffff, v24  }
0x26f: {  	v36 =	vor.u32 s17, v63;
	v60 =	vld [tilespmem:$0x1FD90];
	[tilespmem:v62+s7+$0x0] =	vst.idx.msk $0xffff, v17  }
0x270: {  	v28 =	vld [tilespmem:$0x1FF30];
	[tilespmem:v32+s7+$0x0] =	vst.idx.msk $0xffff, v14  }
0x271: {  	v47 =	vor.u32 s17, v46;
	v46 =	vld [tilespmem:$0x1FE20];
	[tilespmem:v33+s7+$0x0] =	vst.idx.msk $0xffff, v6  }
0x272: {  	v43 =	vor.u32 s17, v51;
	v26 =	vld [tilespmem:$0x1FF90];
	[tilespmem:v34+s7+$0x0] =	vst.idx.msk $0xffff, v2  }
0x273: {  	v21 =	vld [tilespmem:$0x1FF50];
	[tilespmem:v35+s7+$0x0] =	vst.idx.msk $0xffff, v1  }
0x274: {  	v45 =	vor.u32 s17, v49;
	v62 =	vld [tilespmem:$0x1FDA0];
	[tilespmem:v36+s7+$0x0] =	vst.idx.msk $0xffff, v7  }
0x275: {  	v24 =	vld [tilespmem:$0x1FF80];
	[tilespmem:v37+s7+$0x0] =	vst.idx.msk $0xffff, v3  }
0x276: {  	v49 =	vor.u32 s17, v48;
	v17 =	vld [tilespmem:$0x1FE60];
	[tilespmem:v42+s7+$0x0] =	vst.idx.msk $0xffff, v4  }
0x277: {  	v51 =	vor.u32 s17, v50;
	v32 =	vld [tilespmem:$0x1FF40];
	[tilespmem:v43+s7+$0x0] =	vst.idx.msk $0xffff, v5  }
0x278: {  	v61 =	vor.u32 s17, v60;
	v33 =	vld [tilespmem:$0x1FE30];
	[tilespmem:v44+s7+$0x0] =	vst.idx.msk $0xffff, v20  }
0x279: {  	v34 =	vld [tilespmem:$0x1FDF0];
	v63 =	vor.u32 s17, v62;
	[tilespmem:v45+s7+$0x0] =	vst.idx.msk $0xffff, v30  }
0x27a: {  	v35 =	vld [tilespmem:$0x1FDE0];
	[tilespmem:v47+s7+$0x0] =	vst.idx.msk $0xffff, v27  }
0x27b: {  	v36 =	vld [tilespmem:$0x1FE40];
	[tilespmem:v49+s7+$0x0] =	vst.idx.msk $0xffff, v29  }
0x27c: {  	s14 =	sadd.s32 s14, s16;
	v37 =	vld [tilespmem:$0x1FE10];
	[tilespmem:v51+s7+$0x0] =	vst.idx.msk $0xffff, v23  }
0x27d: {  	s13 =	sshll.u32 s13, $0x10;
	s18 =	sadd.s32 s2, s15;
	s14 =	sshll.u32 s14, $0x7;
	v42 =	vld [tilespmem:$0x1FDB0];
	[tilespmem:v61+s7+$0x0] =	vst.idx.msk $0xffff, v18  }
0x27e: {  	s12 =	sadd.s32 $0x1, s12;
	s14 =	sadd.s32 s2, s14;
	s17 =	sadd.s32 s13, s18;
	v43 =	vld [tilespmem:$0x1FDC0];
	[tilespmem:v63+s7+$0x0] =	vst.idx.msk $0xffff, v15  }
0x27f: {  	v20 =	vld [tilespmem:$0x1FF60];
	[hbm4b:s17+s3] =	stream.linear.scatter [tilespmem:s7], [sflag:$0x3], $0x400, $0x38  }
0x280: {  	p0 =	sne.s32 s12, $0x34;
	s19 =	sadd.s32 $0x4000, s14;
	v30 =	vld [tilespmem:$0x1FFD0]  }
0x281: {  	v45 =	vld [tilespmem:$0x1FDD0];
	[hbm4b:s19+s3] =	stream.linear.scatter [tilespmem:s8], [sflag:$0x3], $0x400, $0x38  }
.Ltmp5:
0x282: {  	s13 =	sor.u32 s15, s13;
	v27 =	vld [tilespmem:$0x1FFA0];
	(pc) =	sbr.rel @p0 .LBB2_2-.Ltmp5, $4  }
0x283: {  	s13 =	sadd.s32 s13, s22;
	v29 =	vld [tilespmem:$0x1FFB0]  }
0x284: {  	v49 =	vld [tilespmem:$0x1FE50];
	[hbm4b:s13+s3] =	stream.linear.scatter [tilespmem:s9], [sflag:$0x3], $0x400, $0x38  }
0x285: {  	s20 =	sadd.s32 $0xC000, s14;
	v23 =	vld [tilespmem:$0x1FF70]  }
0x286: {  	v18 =	vld [tilespmem:$0x1FF20];
	[hbm4b:s20+s3] =	stream.linear.scatter [tilespmem:s10], [sflag:$0x3], $0x400, $0x38  }
0x287: {  	s11 =	sadd.s32 $0x1, s11  }
0x288: {  	_ =	swait.ge [sflag:s5], $0x1000;
	p0 =	sne.s32 s11, s23  }
.Ltmp6:
0x289: {  	[sflag:s5] =	ssyncset.done $0x0;
	(pc) =	sbr.rel @p0 .LBB2_1-.Ltmp6, $4  }
0x28a: {  	[sflag:s5] =	ssyncadd.s32 $0xFFFFF000  }
0x28b: {  	_ =	swait.ge [sflag:s5], $0x1000  }
0x28c: {  	[sflag:s5] =	ssyncset.done $0x0  }
0x28d: {  	[sflag:s5] =	ssyncadd.s32 $0xFFFFF000  }
0x28e: {  	_ =	sfence.sel $0x180000  }
0x28f: {  	[bflag:$0x0] =	sbarrier.arrive $0xFFFF  }
0x290: {  	_ =	strace $0x90000047  }
0x291: {  	s0 =	stileid.u32;
	[bflag:$0x2] =	sbarrier.arrive $0xFFFF  }
0x292: {  	p0 =	sne.s32 s0, $0x0;
	s0 =	rddreg [dreg:$0x2]  }
0x293: {  	s0 =	sadd.s32 @!p0 $0x100000, s0  }
0x294: {  	[sflag:s0] =	ssyncadd.tile.s32 @!p0 $0x1;
	_ =	shalt  }
.Lfunc_end2:
_tile_overlayer_lowered:
.L_overlay_start_2:
0x295: {  	(tag) =	ssettag $0x2  }
0x296: {  	s0 =	rddreg [dreg:$0x0];
	s2 =	stileid.u32  }
0x297: {  	s1 =	rddreg [dreg:$0x1];
	p0 =	sne.s32 s2, $0x0  }
0x298: {  	s3 =	rddreg [dreg:$0x2];
	[bflag:$0x3] =	sbarrier.arrive $0xFFFF;
	s2 =	simm.s32 @!p0 $0x1C04  }
0x299: {  	[timem:s3], [sflag:s2] =	dma.local @!p0 [hbm:s0], s1  }
0x29a: {  	s0 =	simm.s32 @!p0 $0x4  }
0x29b: {  	_ =	swait.ge @!p0 [sflag:s0], s1  }
0x29c: {  	s1 =	ssub.s32 @!p0 $0x0, s1;
	[sflag:s0] =	ssyncset.done @!p0 $0x0  }
0x29d: {  	[sflag:s0] =	ssyncadd.s32 @!p0 s1  }
0x29e: {  	[bflag:$0x3] =	sbarrier.arrive $0xFFFF  }
0x29f: {  	_ =	shalt  }

</sc_bundles>
